<compile_context>
chip_gen: v7x
topology: tpu7x:2x2x1
jax: 0.10.2.dev20260603
libtpu: 0.0.44.dev20260713+nightly
codegen_flags: <defaults>
</compile_context>

<pallas_src>
import functools

import jax
import jax.numpy as jnp
from jax import lax
from jax.experimental import pallas as pl
from jax.experimental.pallas import tpu as pltpu
from jax.experimental.pallas import tpu_sc as plsc

_N, _E, _D, _H, _G, _C, _L, _T = 10000, 320000, 128, 128, 64, 2, 3, 2
_NT = 16
_K = 128
_EPT = _E // _NT
_CHB = 16
_NBLK = -(-_EPT // (_K * _CHB))
_NCH = _NBLK * _CHB
_PAD = _NCH * _K - _EPT
_ACC_ROWS = 10240
_TRASH = 10200
_RPT = _ACC_ROWS // _NT
_DCH = 64
_EPS = 1e-5


def _prep_edges(ei_a, ei_b):
    src = jnp.stack([ei_a[0], ei_b[0]]).astype(jnp.int32).reshape(_T, _NT, _EPT)
    dst = jnp.stack([ei_a[1], ei_b[1]]).astype(jnp.int32).reshape(_T, _NT, _EPT)
    src = jnp.concatenate(
        [src, jnp.zeros((_T, _NT, _PAD), jnp.int32)], axis=-1)
    dst = jnp.concatenate(
        [dst, jnp.full((_T, _NT, _PAD), _TRASH, jnp.int32)], axis=-1)
    return (src.reshape(_T, _NT, _NCH, _K), dst.reshape(_T, _NT, _NCH, _K))


def _seg_sums(h, src, dst):
    mesh = plsc.VectorSubcoreMesh(core_axis_name="c", subcore_axis_name="s")

    @functools.partial(
        pl.kernel,
        out_type=jax.ShapeDtypeStruct((_T, _ACC_ROWS, _H), jnp.float32),
        mesh=mesh,
        scratch_types=[
            pltpu.VMEM((_CHB, _K), jnp.int32),
            pltpu.VMEM((_CHB, _K), jnp.int32),
            pltpu.VMEM((_K, _H), jnp.float32),
            pltpu.VMEM((_DCH, _H), jnp.float32),
            pltpu.VMEM_SHARED((_ACC_ROWS, _H), jnp.float32),
            pltpu.SemaphoreType.DMA,
        ],
    )
    def k(h_hbm, src_hbm, dst_hbm, out_hbm, sidx, didx, rows, stage, acc, sem):
        c = lax.axis_index("c")
        s = lax.axis_index("s")

        def zrow(i, carry):
            for j in range(_H // 16):
                stage[i, pl.ds(j * 16, 16)] = jnp.zeros((16,), jnp.float32)
            return carry
        lax.fori_loop(0, _DCH, zrow, 0)

        def zchunk(r, carry):
            pltpu.sync_copy(stage, acc.at[pl.ds(s * _RPT + r * _DCH, _DCH)])
            return carry
        lax.fori_loop(0, _RPT // _DCH, zchunk, 0)

        plsc.subcore_barrier()

        def block(b, carry):
            pltpu.sync_copy(src_hbm.at[c, s, pl.ds(b * _CHB, _CHB)], sidx)
            pltpu.sync_copy(dst_hbm.at[c, s, pl.ds(b * _CHB, _CHB)], didx)

            def chunk(i, carry2):
                pltpu.async_copy(h_hbm.at[sidx.at[i]], rows, sem).wait()
                pltpu.sync_copy(rows, acc.at[didx.at[i]], add=True)
                return carry2
            return lax.fori_loop(0, _CHB, chunk, carry)
        lax.fori_loop(0, _NBLK, block, 0)
        plsc.subcore_barrier()

        def dump(r, carry):
            base = s * _RPT + r * _DCH
            pltpu.sync_copy(acc.at[pl.ds(base, _DCH)], stage)
            pltpu.sync_copy(stage, out_hbm.at[c, pl.ds(base, _DCH)])
            return carry
        lax.fori_loop(0, _RPT // _DCH, dump, 0)

    return k(h, src, dst)


def _bn(u, g, b):
    mu = jnp.mean(u, axis=0, keepdims=True)
    d = u - mu
    var = jnp.mean(d * d, axis=0, keepdims=True)
    return d * lax.rsqrt(var + _EPS) * g + b


def _dot(a, b):
    return jnp.dot(a, b, preferred_element_type=jnp.float32)


def _dot_hi(a, b):
    return jnp.dot(a, b, preferred_element_type=jnp.float32,
                   precision=lax.Precision.HIGHEST)


def _gin(h, m, w1, b1, g1v, be1v, w2, b2):
    u = _dot(h + m, w1) + b1
    u = jnp.maximum(_bn(u, g1v, be1v), 0.0)
    return _dot(u, w2) + b2


def _in_proj(x, w, b):
    def body(x_ref, w_ref, b_ref, o_ref):
        o_ref[...] = _dot(x_ref[...], w_ref[...]) + b_ref[...]
    return pl.pallas_call(
        body, out_shape=jax.ShapeDtypeStruct((_N, _H), jnp.float32))(x, w, b)


def _layer(h, m, pa, pb, gno_l, bno_l):
    def body(h_ref, m_ref, w1a, b1a, g1a, be1a, w2a, b2a,
             w1b, b1b, g1b, be1b, w2b, b2b, gno_r, bno_r, o_ref):
        hh = h_ref[...]
        oa = _gin(hh, m_ref[0, :_N], w1a[...], b1a[...], g1a[...], be1a[...],
                  w2a[...], b2a[...])
        ob = _gin(hh, m_ref[1, :_N], w1b[...], b1b[...], g1b[...], be1b[...],
                  w2b[...], b2b[...])
        o_ref[...] = jnp.maximum(_bn(oa + ob, gno_r[...], bno_r[...]), 0.0)
    return pl.pallas_call(
        body, out_shape=jax.ShapeDtypeStruct((_N, _H), jnp.float32))(
        h, m, *pa, *pb, gno_l, bno_l)


def _layer_final(h, m, pa, pb, gno_l, bno_l, batch2d,
                 wc1, bc1, gcv, becv, wc2, bc2):
    def body(h_ref, m_ref, w1a, b1a, g1a, be1a, w2a, b2a,
             w1b, b1b, g1b, be1b, w2b, b2b, gno_r, bno_r,
             batch_ref, wc1_r, bc1_r, gc_r, bec_r, wc2_r, bc2_r, o_ref):
        hh = h_ref[...]
        oa = _gin(hh, m_ref[0, :_N], w1a[...], b1a[...], g1a[...], be1a[...],
                  w2a[...], b2a[...])
        ob = _gin(hh, m_ref[1, :_N], w1b[...], b1b[...], g1b[...], be1b[...],
                  w2b[...], b2b[...])
        hn = jnp.maximum(_bn(oa + ob, gno_r[...], bno_r[...]), 0.0)
        onehot = jnp.where(
            lax.broadcasted_iota(jnp.int32, (_G, _N), 0) == batch_ref[...],
            1.0, 0.0)
        counts = jnp.maximum(jnp.sum(onehot, axis=1, keepdims=True), 1.0)
        pooled = _dot_hi(onehot, hn) / counts
        zc = _dot(pooled, wc1_r[...]) + bc1_r[...]
        zc = jnp.maximum(_bn(zc, gc_r[...], bec_r[...]), 0.0)
        o_ref[...] = _dot(zc, wc2_r[...]) + bc2_r[...]
    return pl.pallas_call(
        body, out_shape=jax.ShapeDtypeStruct((_G, _C), jnp.float32))(
        h, m, *pa, *pb, gno_l, bno_l, batch2d, wc1, bc1, gcv, becv, wc2, bc2)


def kernel(x, edge_index_a, edge_index_b, batch, W_in, b_in, W1, b1, g1, be1,
           W2, b2, gno, bno, Wc1, bc1, gc, bec, Wc2, bc2):
    src, dst = _prep_edges(edge_index_a, edge_index_b)
    batch2d = batch.astype(jnp.int32).reshape(1, _N)
    r1 = lambda v: v.reshape(1, -1)

    h = _in_proj(x, W_in, r1(b_in))
    out = None
    for l in range(_L):
        m = _seg_sums(h, src, dst)
        pa = (W1[l, 0], r1(b1[l, 0]), r1(g1[l, 0]), r1(be1[l, 0]),
              W2[l, 0], r1(b2[l, 0]))
        pb = (W1[l, 1], r1(b1[l, 1]), r1(g1[l, 1]), r1(be1[l, 1]),
              W2[l, 1], r1(b2[l, 1]))
        if l < _L - 1:
            h = _layer(h, m, pa, pb, r1(gno[l]), r1(bno[l]))
        else:
            out = _layer_final(h, m, pa, pb, r1(gno[l]), r1(bno[l]), batch2d,
                               Wc1, r1(bc1), r1(gc), r1(bec), Wc2, r1(bc2))
    return out

# --- scband reference (transcript-rebuilt; emitter-appended) ---
"""Pipeline reference for scband-hetero-graph-classifier-9569187135975 (READ-ONLY COPY).

The authoritative reference and input builder live on the scoring server;
editing this copy changes nothing except your own understanding.
"""

import jax, jax.numpy as jnp
import numpy as np

N = 10000   # nodes (single node type 'thought')
E = 320000  # edges per edge type (2 edge types)
D = 128     # in_channels
H = 128     # hidden_channels
G = 64      # number of graphs in batch
C = 2       # out_channels
L = 3       # num_layers
T = 2       # number of edge types


def setup_inputs(seed: int = 0) -> dict:
    key = jax.random.key(seed)
    ks = jax.random.split(key, 24)
    s = 0.05
    inp = {
        'x': jax.random.normal(ks[0], (N, D), jnp.float32),
        'edge_index_a': jax.random.randint(ks[1], (2, E), 0, N).astype(jnp.int64),
        'edge_index_b': jax.random.randint(ks[2], (2, E), 0, N).astype(jnp.int64),
        'batch': jnp.sort(jax.random.randint(ks[3], (N,), 0, G)).astype(jnp.int64),
        # input Linear
        'W_in': jax.random.normal(ks[4], (D, H), jnp.float32) * s,
        'b_in': jnp.zeros((H,), jnp.float32),
        # per-layer, per-edge-type GIN MLP params: Linear(H,H) -> BN -> ReLU -> Linear(H,H)
        'W1': jax.random.normal(ks[5], (L, T, H, H), jnp.float32) * s,
        'b1': jnp.zeros((L, T, H), jnp.float32),
        'g1': jnp.ones((L, T, H), jnp.float32),
        'be1': jnp.zeros((L, T, H), jnp.float32),
        'W2': jax.random.normal(ks[6], (L, T, H, H), jnp.float32) * s,
        'b2': jnp.zeros((L, T, H), jnp.float32),
        # per-layer outer BatchNorm
        'gno': jnp.ones((L, H), jnp.float32),
        'bno': jnp.zeros((L, H), jnp.float32),
        # classifier: Linear(H,H) -> BN -> ReLU -> Linear(H,C)
        'Wc1': jax.random.normal(ks[7], (H, H), jnp.float32) * s,
        'bc1': jnp.zeros((H,), jnp.float32),
        'gc': jnp.ones((H,), jnp.float32),
        'bec': jnp.zeros((H,), jnp.float32),
        'Wc2': jax.random.normal(ks[8], (H, C), jnp.float32) * s,
        'bc2': jnp.zeros((C,), jnp.float32),
    }
    return inp


def _bn(x, g, b, eps=1e-5):
    m = x.mean(axis=0)
    v = x.var(axis=0)  # biased, matches torch BN training normalization
    return (x - m) / jnp.sqrt(v + eps) * g + b


def _gin_mlp(z, W1, b1, g, be, W2, b2):
    h = z @ W1 + b1
    h = _bn(h, g, be)
    h = jax.nn.relu(h)
    return h @ W2 + b2


def reference(x, edge_index_a, edge_index_b, batch,
              W_in, b_in, W1, b1, g1, be1, W2, b2, gno, bno,
              Wc1, bc1, gc, bec, Wc2, bc2):
    # input projection (applied to single node type)
    h = x @ W_in + b_in
    edges = [edge_index_a, edge_index_b]
    for l in range(L):
        acc = None
        for t in range(T):
            src = edges[t][0]
            dst = edges[t][1]
            # GIN message passing: sum-aggregate neighbor features (gather + scatter-add)
            m = jax.ops.segment_sum(h[src], dst, num_segments=N)
            z = h + m  # (1 + eps) * x + aggr, eps=0
            o = _gin_mlp(z, W1[l, t], b1[l, t], g1[l, t], be1[l, t], W2[l, t], b2[l, t])
            acc = o if acc is None else acc + o  # HeteroConv aggr='sum'
        h = jax.nn.relu(_bn(acc, gno[l], bno[l]))
        # dropout = 0.0 -> no-op
    # global mean pool per graph
    counts = jax.ops.segment_sum(jnp.ones((N,), jnp.float32), batch, num_segments=G)
    pooled = jax.ops.segment_sum(h, batch, num_segments=G) / jnp.clip(counts, 1.0)[:, None]
    # single node type -> stack+sum over node types is identity
    z = pooled @ Wc1 + bc1
    z = jax.nn.relu(_bn(z, gc, bec))
    out = z @ Wc2 + bc2
    return out

if __name__ == "__main__":
    import jax
    _d = setup_inputs()
    print(jax.jit(kernel)(*tuple(_d.values())))

</pallas_src>

<mosaic_0001>
#map = affine_map<(d0, d1) -> (0, 0)>
#map1 = affine_map<(d0, d1) -> (0, 0, 0, 0)>
#map2 = affine_map<(d0, d1) -> (0, 0, 0)>
module attributes {stable_mosaic.version = 14 : i64} {
  func.func @k(%arg0: i32, %arg1: i32, %arg2: memref<10000x128xf32, #tpu.memory_space<hbm>>, %arg3: memref<2x16x160x128xi32, #tpu.memory_space<hbm>>, %arg4: memref<2x16x160x128xi32, #tpu.memory_space<hbm>>, %arg5: memref<2x10240x128xf32, #tpu.memory_space<hbm>>, %arg6: memref<16x128xi32, #tpu.memory_space<vmem>>, %arg7: memref<16x128xi32, #tpu.memory_space<vmem>>, %arg8: memref<128x128xf32, #tpu.memory_space<vmem>>, %arg9: memref<64x128xf32, #tpu.memory_space<vmem>>, %arg10: memref<10240x128xf32, #tpu.memory_space<vmem_shared>>, %arg11: memref<!tpu.dma_semaphore, #tpu.memory_space<semaphore_mem>>) attributes {dimension_semantics = [#tpu.dimension_semantics<core_parallel>, #tpu.dimension_semantics<subcore_parallel>], iteration_bounds = array<i64: 2, 16>, scalar_prefetch = 0 : i64, scratch_operands = 6 : i64, tpu.core_type = #tpu.core_type<sc_vector_subcore>, window_params = [{transform_indices = #map}, {transform_indices = #map1}, {transform_indices = #map1}, {transform_indices = #map2}]} {
    %scan3A = arith.constant 0 : i32
    %scan3A_0 = arith.constant 0 : i32
    %scan3A_1 = arith.constant 64 : i32
    %scan3A_2 = arith.addi %scan3A_0, %scan3A_1 : i32
    %scan3A_3 = arith.constant 1 : i32
    scf.for %scan3A_24 = %scan3A_0 to %scan3A_2 step %scan3A_3  : i32 {
      %broadcast_in_dim3A = arith.constant 0.000000e+00 : f32
      %broadcast_in_dim3A_25 = vector.broadcast %broadcast_in_dim3A : f32 to vector<16xf32>
      %swap3A = arith.index_cast %scan3A_24 : i32 to index
      %swap3A_26 = arith.constant 0 : index
      %swap3A_27 = tpu.vector_load %arg9[%swap3A, %swap3A_26] {strides = array<i32>} : memref<64x128xf32, #tpu.memory_space<vmem>>, vector<1x16xf32>,
      %swap3A_28 = vector.shape_cast %swap3A_27 : vector<1x16xf32> to vector<16xf32>
      %swap3A_29 = vector.shape_cast %broadcast_in_dim3A_25 : vector<16xf32> to vector<1x16xf32>
      tpu.vector_store %arg9[%swap3A, %swap3A_26], %swap3A_29 {strides = array<i32>} : memref<64x128xf32, #tpu.memory_space<vmem>>, vector<1x16xf32>,
      %broadcast_in_dim3A_30 = arith.constant 0.000000e+00 : f32
      %broadcast_in_dim3A_31 = vector.broadcast %broadcast_in_dim3A_30 : f32 to vector<16xf32>
      %swap3A_32 = arith.index_cast %scan3A_24 : i32 to index
      %swap3A_33 = arith.constant 16 : index
      %swap3A_34 = tpu.vector_load %arg9[%swap3A_32, %swap3A_33] {strides = array<i32>} : memref<64x128xf32, #tpu.memory_space<vmem>>, vector<1x16xf32>,
      %swap3A_35 = vector.shape_cast %swap3A_34 : vector<1x16xf32> to vector<16xf32>
      %swap3A_36 = vector.shape_cast %broadcast_in_dim3A_31 : vector<16xf32> to vector<1x16xf32>
      tpu.vector_store %arg9[%swap3A_32, %swap3A_33], %swap3A_36 {strides = array<i32>} : memref<64x128xf32, #tpu.memory_space<vmem>>, vector<1x16xf32>,
      %broadcast_in_dim3A_37 = arith.constant 0.000000e+00 : f32
      %broadcast_in_dim3A_38 = vector.broadcast %broadcast_in_dim3A_37 : f32 to vector<16xf32>
      %swap3A_39 = arith.index_cast %scan3A_24 : i32 to index
      %swap3A_40 = arith.constant 32 : index
      %swap3A_41 = tpu.vector_load %arg9[%swap3A_39, %swap3A_40] {strides = array<i32>} : memref<64x128xf32, #tpu.memory_space<vmem>>, vector<1x16xf32>,
      %swap3A_42 = vector.shape_cast %swap3A_41 : vector<1x16xf32> to vector<16xf32>
      %swap3A_43 = vector.shape_cast %broadcast_in_dim3A_38 : vector<16xf32> to vector<1x16xf32>
      tpu.vector_store %arg9[%swap3A_39, %swap3A_40], %swap3A_43 {strides = array<i32>} : memref<64x128xf32, #tpu.memory_space<vmem>>, vector<1x16xf32>,
      %broadcast_in_dim3A_44 = arith.constant 0.000000e+00 : f32
      %broadcast_in_dim3A_45 = vector.broadcast %broadcast_in_dim3A_44 : f32 to vector<16xf32>
      %swap3A_46 = arith.index_cast %scan3A_24 : i32 to index
      %swap3A_47 = arith.constant 48 : index
      %swap3A_48 = tpu.vector_load %arg9[%swap3A_46, %swap3A_47] {strides = array<i32>} : memref<64x128xf32, #tpu.memory_space<vmem>>, vector<1x16xf32>,
      %swap3A_49 = vector.shape_cast %swap3A_48 : vector<1x16xf32> to vector<16xf32>
      %swap3A_50 = vector.shape_cast %broadcast_in_dim3A_45 : vector<16xf32> to vector<1x16xf32>
      tpu.vector_store %arg9[%swap3A_46, %swap3A_47], %swap3A_50 {strides = array<i32>} : memref<64x128xf32, #tpu.memory_space<vmem>>, vector<1x16xf32>,
      %broadcast_in_dim3A_51 = arith.constant 0.000000e+00 : f32
      %broadcast_in_dim3A_52 = vector.broadcast %broadcast_in_dim3A_51 : f32 to vector<16xf32>
      %swap3A_53 = arith.index_cast %scan3A_24 : i32 to index
      %swap3A_54 = arith.constant 64 : index
      %swap3A_55 = tpu.vector_load %arg9[%swap3A_53, %swap3A_54] {strides = array<i32>} : memref<64x128xf32, #tpu.memory_space<vmem>>, vector<1x16xf32>,
      %swap3A_56 = vector.shape_cast %swap3A_55 : vector<1x16xf32> to vector<16xf32>
      %swap3A_57 = vector.shape_cast %broadcast_in_dim3A_52 : vector<16xf32> to vector<1x16xf32>
      tpu.vector_store %arg9[%swap3A_53, %swap3A_54], %swap3A_57 {strides = array<i32>} : memref<64x128xf32, #tpu.memory_space<vmem>>, vector<1x16xf32>,
      %broadcast_in_dim3A_58 = arith.constant 0.000000e+00 : f32
      %broadcast_in_dim3A_59 = vector.broadcast %broadcast_in_dim3A_58 : f32 to vector<16xf32>
      %swap3A_60 = arith.index_cast %scan3A_24 : i32 to index
      %swap3A_61 = arith.constant 80 : index
      %swap3A_62 = tpu.vector_load %arg9[%swap3A_60, %swap3A_61] {strides = array<i32>} : memref<64x128xf32, #tpu.memory_space<vmem>>, vector<1x16xf32>,
      %swap3A_63 = vector.shape_cast %swap3A_62 : vector<1x16xf32> to vector<16xf32>
      %swap3A_64 = vector.shape_cast %broadcast_in_dim3A_59 : vector<16xf32> to vector<1x16xf32>
      tpu.vector_store %arg9[%swap3A_60, %swap3A_61], %swap3A_64 {strides = array<i32>} : memref<64x128xf32, #tpu.memory_space<vmem>>, vector<1x16xf32>,
      %broadcast_in_dim3A_65 = arith.constant 0.000000e+00 : f32
      %broadcast_in_dim3A_66 = vector.broadcast %broadcast_in_dim3A_65 : f32 to vector<16xf32>
      %swap3A_67 = arith.index_cast %scan3A_24 : i32 to index
      %swap3A_68 = arith.constant 96 : index
      %swap3A_69 = tpu.vector_load %arg9[%swap3A_67, %swap3A_68] {strides = array<i32>} : memref<64x128xf32, #tpu.memory_space<vmem>>, vector<1x16xf32>,
      %swap3A_70 = vector.shape_cast %swap3A_69 : vector<1x16xf32> to vector<16xf32>
      %swap3A_71 = vector.shape_cast %broadcast_in_dim3A_66 : vector<16xf32> to vector<1x16xf32>
      tpu.vector_store %arg9[%swap3A_67, %swap3A_68], %swap3A_71 {strides = array<i32>} : memref<64x128xf32, #tpu.memory_space<vmem>>, vector<1x16xf32>,
      %broadcast_in_dim3A_72 = arith.constant 0.000000e+00 : f32
      %broadcast_in_dim3A_73 = vector.broadcast %broadcast_in_dim3A_72 : f32 to vector<16xf32>
      %swap3A_74 = arith.index_cast %scan3A_24 : i32 to index
      %swap3A_75 = arith.constant 112 : index
      %swap3A_76 = tpu.vector_load %arg9[%swap3A_74, %swap3A_75] {strides = array<i32>} : memref<64x128xf32, #tpu.memory_space<vmem>>, vector<1x16xf32>,
      %swap3A_77 = vector.shape_cast %swap3A_76 : vector<1x16xf32> to vector<16xf32>
      %swap3A_78 = vector.shape_cast %broadcast_in_dim3A_73 : vector<16xf32> to vector<1x16xf32>
      tpu.vector_store %arg9[%swap3A_74, %swap3A_75], %swap3A_78 {strides = array<i32>} : memref<64x128xf32, #tpu.memory_space<vmem>>, vector<1x16xf32>,
    }
    %scan3A_4 = arith.constant 64 : i32
    %scan3A_5 = arith.constant 0 : i32
    %scan3A_6 = arith.constant 0 : i32
    %scan3A_7 = arith.constant 10 : i32
    %scan3A_8 = arith.addi %scan3A_6, %scan3A_7 : i32
    %scan3A_9 = arith.constant 1 : i32
    scf.for %scan3A_24 = %scan3A_6 to %scan3A_8 step %scan3A_9  : i32 {
      %mul3A = arith.constant 640 : i32
      %mul3A_25 = arith.muli %arg1, %mul3A : i32
      %mul3A_26 = arith.constant 64 : i32
      %mul3A_27 = arith.muli %scan3A_24, %mul3A_26 : i32
      %add3A = arith.addi %mul3A_25, %mul3A_27 : i32
      "tpu.region"() ({
        %run_scoped3A = tpu.sem_alloc : memref<!tpu.dma_semaphore, #tpu.memory_space<semaphore_mem>>
        %dma_start3A = arith.constant 0 : i32
        %dma_start3A_28 = tpu.memref_slice %arg10[%add3A, %dma_start3A] : memref<10240x128xf32, #tpu.memory_space<vmem_shared>> -> memref<64x128xf32, #tpu.memory_space<vmem_shared>>
        %dma_start3A_29 = arith.constant 0 : i32
        %dma_start3A_30 = tpu.memref_slice %arg10[%add3A, %dma_start3A_29] : memref<10240x128xf32, #tpu.memory_space<vmem_shared>> -> memref<64x128xf32, #tpu.memory_space<vmem_shared>>
        tpu.enqueue_dma source(%arg9 : memref<64x128xf32, #tpu.memory_space<vmem>>) target(%dma_start3A_30 : memref<64x128xf32, #tpu.memory_space<vmem_shared>>) target_semaphore(%run_scoped3A : memref<!tpu.dma_semaphore, #tpu.memory_space<semaphore_mem>>)
        %dma_wait3A = arith.constant 0 : i32
        %dma_wait3A_31 = tpu.memref_slice %arg10[%add3A, %dma_wait3A] : memref<10240x128xf32, #tpu.memory_space<vmem_shared>> -> memref<64x128xf32, #tpu.memory_space<vmem_shared>>
        %dma_wait3A_32 = arith.constant 0 : i32
        %dma_wait3A_33 = tpu.memref_slice %arg10[%add3A, %dma_wait3A_32] : memref<10240x128xf32, #tpu.memory_space<vmem_shared>> -> memref<64x128xf32, #tpu.memory_space<vmem_shared>>
        tpu.wait_dma2 semaphore(%run_scoped3A : memref<!tpu.dma_semaphore, #tpu.memory_space<semaphore_mem>>) src(%arg9 : memref<64x128xf32, #tpu.memory_space<vmem>>) dst(%dma_wait3A_33 : memref<64x128xf32, #tpu.memory_space<vmem_shared>>)
        tpu.yield
      }) : () -> ()
    }
    %scan3A_10 = arith.constant 10 : i32
    %barrier3A = arith.constant 0 : index
    tpu.barrier barrier_id(%barrier3A)
    %scan3A_11 = arith.constant 0 : i32
    %scan3A_12 = arith.constant 0 : i32
    %scan3A_13 = arith.constant 10 : i32
    %scan3A_14 = arith.addi %scan3A_12, %scan3A_13 : i32
    %scan3A_15 = arith.constant 1 : i32
    scf.for %scan3A_24 = %scan3A_12 to %scan3A_14 step %scan3A_15  : i32 {
      %mul3A = arith.constant 16 : i32
      %mul3A_25 = arith.muli %scan3A_24, %mul3A : i32
      "tpu.region"() ({
        %run_scoped3A = tpu.sem_alloc : memref<!tpu.dma_semaphore, #tpu.memory_space<semaphore_mem>>
        %dma_start3A = arith.constant 0 : i32
        %dma_start3A_33 = tpu.memref_slice %arg3[%arg0, %arg1, %mul3A_25, %dma_start3A] : memref<2x16x160x128xi32, #tpu.memory_space<hbm>> -> memref<1x1x16x128xi32, #tpu.memory_space<hbm>>
        %dma_start3A_34 = tpu.memref_squeeze %dma_start3A_33 : memref<1x1x16x128xi32, #tpu.memory_space<hbm>> -> memref<16x128xi32, #tpu.memory_space<hbm>>
        %dma_start3A_35 = arith.constant 0 : i32
        %dma_start3A_36 = tpu.memref_slice %arg3[%arg0, %arg1, %mul3A_25, %dma_start3A_35] : memref<2x16x160x128xi32, #tpu.memory_space<hbm>> -> memref<1x1x16x128xi32, #tpu.memory_space<hbm>>
        %dma_start3A_37 = tpu.memref_squeeze %dma_start3A_36 : memref<1x1x16x128xi32, #tpu.memory_space<hbm>> -> memref<16x128xi32, #tpu.memory_space<hbm>>
        tpu.enqueue_dma source(%dma_start3A_37 : memref<16x128xi32, #tpu.memory_space<hbm>>) target(%arg6 : memref<16x128xi32, #tpu.memory_space<vmem>>) target_semaphore(%run_scoped3A : memref<!tpu.dma_semaphore, #tpu.memory_space<semaphore_mem>>)
        %dma_wait3A = arith.constant 0 : i32
        %dma_wait3A_38 = tpu.memref_slice %arg3[%arg0, %arg1, %mul3A_25, %dma_wait3A] : memref<2x16x160x128xi32, #tpu.memory_space<hbm>> -> memref<1x1x16x128xi32, #tpu.memory_space<hbm>>
        %dma_wait3A_39 = tpu.memref_squeeze %dma_wait3A_38 : memref<1x1x16x128xi32, #tpu.memory_space<hbm>> -> memref<16x128xi32, #tpu.memory_space<hbm>>
        %dma_wait3A_40 = arith.constant 0 : i32
        %dma_wait3A_41 = tpu.memref_slice %arg3[%arg0, %arg1, %mul3A_25, %dma_wait3A_40] : memref<2x16x160x128xi32, #tpu.memory_space<hbm>> -> memref<1x1x16x128xi32, #tpu.memory_space<hbm>>
        %dma_wait3A_42 = tpu.memref_squeeze %dma_wait3A_41 : memref<1x1x16x128xi32, #tpu.memory_space<hbm>> -> memref<16x128xi32, #tpu.memory_space<hbm>>
        tpu.wait_dma2 semaphore(%run_scoped3A : memref<!tpu.dma_semaphore, #tpu.memory_space<semaphore_mem>>) src(%dma_wait3A_42 : memref<16x128xi32, #tpu.memory_space<hbm>>) dst(%arg6 : memref<16x128xi32, #tpu.memory_space<vmem>>)
        tpu.yield
      }) : () -> ()
      %mul3A_26 = arith.constant 16 : i32
      %mul3A_27 = arith.muli %scan3A_24, %mul3A_26 : i32
      "tpu.region"() ({
        %run_scoped3A = tpu.sem_alloc : memref<!tpu.dma_semaphore, #tpu.memory_space<semaphore_mem>>
        %dma_start3A = arith.constant 0 : i32
        %dma_start3A_33 = tpu.memref_slice %arg4[%arg0, %arg1, %mul3A_27, %dma_start3A] : memref<2x16x160x128xi32, #tpu.memory_space<hbm>> -> memref<1x1x16x128xi32, #tpu.memory_space<hbm>>
        %dma_start3A_34 = tpu.memref_squeeze %dma_start3A_33 : memref<1x1x16x128xi32, #tpu.memory_space<hbm>> -> memref<16x128xi32, #tpu.memory_space<hbm>>
        %dma_start3A_35 = arith.constant 0 : i32
        %dma_start3A_36 = tpu.memref_slice %arg4[%arg0, %arg1, %mul3A_27, %dma_start3A_35] : memref<2x16x160x128xi32, #tpu.memory_space<hbm>> -> memref<1x1x16x128xi32, #tpu.memory_space<hbm>>
        %dma_start3A_37 = tpu.memref_squeeze %dma_start3A_36 : memref<1x1x16x128xi32, #tpu.memory_space<hbm>> -> memref<16x128xi32, #tpu.memory_space<hbm>>
        tpu.enqueue_dma source(%dma_start3A_37 : memref<16x128xi32, #tpu.memory_space<hbm>>) target(%arg7 : memref<16x128xi32, #tpu.memory_space<vmem>>) target_semaphore(%run_scoped3A : memref<!tpu.dma_semaphore, #tpu.memory_space<semaphore_mem>>)
        %dma_wait3A = arith.constant 0 : i32
        %dma_wait3A_38 = tpu.memref_slice %arg4[%arg0, %arg1, %mul3A_27, %dma_wait3A] : memref<2x16x160x128xi32, #tpu.memory_space<hbm>> -> memref<1x1x16x128xi32, #tpu.memory_space<hbm>>
        %dma_wait3A_39 = tpu.memref_squeeze %dma_wait3A_38 : memref<1x1x16x128xi32, #tpu.memory_space<hbm>> -> memref<16x128xi32, #tpu.memory_space<hbm>>
        %dma_wait3A_40 = arith.constant 0 : i32
        %dma_wait3A_41 = tpu.memref_slice %arg4[%arg0, %arg1, %mul3A_27, %dma_wait3A_40] : memref<2x16x160x128xi32, #tpu.memory_space<hbm>> -> memref<1x1x16x128xi32, #tpu.memory_space<hbm>>
        %dma_wait3A_42 = tpu.memref_squeeze %dma_wait3A_41 : memref<1x1x16x128xi32, #tpu.memory_space<hbm>> -> memref<16x128xi32, #tpu.memory_space<hbm>>
        tpu.wait_dma2 semaphore(%run_scoped3A : memref<!tpu.dma_semaphore, #tpu.memory_space<semaphore_mem>>) src(%dma_wait3A_42 : memref<16x128xi32, #tpu.memory_space<hbm>>) dst(%arg7 : memref<16x128xi32, #tpu.memory_space<vmem>>)
        tpu.yield
      }) : () -> ()
      %scan3A_28 = arith.constant 0 : i32
      %scan3A_29 = arith.constant 16 : i32
      %scan3A_30 = arith.addi %scan3A_28, %scan3A_29 : i32
      %scan3A_31 = arith.constant 1 : i32
      scf.for %scan3A_33 = %scan3A_28 to %scan3A_30 step %scan3A_31  : i32 {
        %dma_start3A = arith.constant 0 : i32
        %dma_start3A_34 = tpu.memref_slice %arg6[%scan3A_33, %dma_start3A] : memref<16x128xi32, #tpu.memory_space<vmem>> -> memref<1x128xi32, #tpu.memory_space<vmem>>
        %dma_start3A_35 = tpu.memref_squeeze %dma_start3A_34 : memref<1x128xi32, #tpu.memory_space<vmem>> -> memref<128xi32, #tpu.memory_space<vmem>>
        %dma_start3A_36 = arith.constant 0 : i32
        %dma_start3A_37 = arith.constant 0 : i32
        %dma_start3A_38 = tpu.memref_slice %arg2[%dma_start3A_36, %dma_start3A_37] : memref<10000x128xf32, #tpu.memory_space<hbm>> -> memref<10000x128xf32, #tpu.memory_space<hbm>>
        tpu.enqueue_indirect_dma source(%dma_start3A_38 : memref<10000x128xf32, #tpu.memory_space<hbm>>) target(%arg8 : memref<128x128xf32, #tpu.memory_space<vmem>>) offsets(%dma_start3A_35 : memref<128xi32, #tpu.memory_space<vmem>>) semaphore(%arg11 : memref<!tpu.dma_semaphore, #tpu.memory_space<semaphore_mem>>)
        %dma_wait3A = arith.constant 0 : i32
        %dma_wait3A_39 = tpu.memref_slice %arg6[%scan3A_33, %dma_wait3A] : memref<16x128xi32, #tpu.memory_space<vmem>> -> memref<1x128xi32, #tpu.memory_space<vmem>>
        %dma_wait3A_40 = tpu.memref_squeeze %dma_wait3A_39 : memref<1x128xi32, #tpu.memory_space<vmem>> -> memref<128xi32, #tpu.memory_space<vmem>>
        %dma_wait3A_41 = arith.constant 0 : i32
        %dma_wait3A_42 = arith.constant 0 : i32
        %dma_wait3A_43 = tpu.memref_slice %arg2[%dma_wait3A_41, %dma_wait3A_42] : memref<10000x128xf32, #tpu.memory_space<hbm>> -> memref<10000x128xf32, #tpu.memory_space<hbm>>
        tpu.wait_indirect_dma semaphore(%arg11 : memref<!tpu.dma_semaphore, #tpu.memory_space<semaphore_mem>>) src(%dma_wait3A_43 : memref<10000x128xf32, #tpu.memory_space<hbm>>) dst(%arg8 : memref<128x128xf32, #tpu.memory_space<vmem>>)
        "tpu.region"() ({
          %run_scoped3A = tpu.sem_alloc : memref<!tpu.dma_semaphore, #tpu.memory_space<semaphore_mem>>
          %dma_start3A_44 = arith.constant 0 : i32
          %dma_start3A_45 = tpu.memref_slice %arg7[%scan3A_33, %dma_start3A_44] : memref<16x128xi32, #tpu.memory_space<vmem>> -> memref<1x128xi32, #tpu.memory_space<vmem>>
          %dma_start3A_46 = tpu.memref_squeeze %dma_start3A_45 : memref<1x128xi32, #tpu.memory_space<vmem>> -> memref<128xi32, #tpu.memory_space<vmem>>
          %dma_start3A_47 = arith.constant 0 : i32
          %dma_start3A_48 = arith.constant 0 : i32
          %dma_start3A_49 = tpu.memref_slice %arg10[%dma_start3A_47, %dma_start3A_48] : memref<10240x128xf32, #tpu.memory_space<vmem_shared>> -> memref<10240x128xf32, #tpu.memory_space<vmem_shared>>
          tpu.enqueue_indirect_dma source(%arg8 : memref<128x128xf32, #tpu.memory_space<vmem>>) target(%dma_start3A_49 : memref<10240x128xf32, #tpu.memory_space<vmem_shared>>) offsets(%dma_start3A_46 : memref<128xi32, #tpu.memory_space<vmem>>) semaphore(%run_scoped3A : memref<!tpu.dma_semaphore, #tpu.memory_space<semaphore_mem>>) {add = true}
          %dma_wait3A_50 = arith.constant 0 : i32
          %dma_wait3A_51 = tpu.memref_slice %arg7[%scan3A_33, %dma_wait3A_50] : memref<16x128xi32, #tpu.memory_space<vmem>> -> memref<1x128xi32, #tpu.memory_space<vmem>>
          %dma_wait3A_52 = tpu.memref_squeeze %dma_wait3A_51 : memref<1x128xi32, #tpu.memory_space<vmem>> -> memref<128xi32, #tpu.memory_space<vmem>>
          %dma_wait3A_53 = arith.constant 0 : i32
          %dma_wait3A_54 = arith.constant 0 : i32
          %dma_wait3A_55 = tpu.memref_slice %arg10[%dma_wait3A_53, %dma_wait3A_54] : memref<10240x128xf32, #tpu.memory_space<vmem_shared>> -> memref<10240x128xf32, #tpu.memory_space<vmem_shared>>
          tpu.wait_indirect_dma semaphore(%run_scoped3A : memref<!tpu.dma_semaphore, #tpu.memory_space<semaphore_mem>>) src(%arg8 : memref<128x128xf32, #tpu.memory_space<vmem>>) dst(%dma_wait3A_55 : memref<10240x128xf32, #tpu.memory_space<vmem_shared>>)
          tpu.yield
        }) : () -> ()
      }
      %scan3A_32 = arith.constant 16 : i32
    }
    %scan3A_16 = arith.constant 10 : i32
    %barrier3A_17 = arith.constant 0 : index
    tpu.barrier barrier_id(%barrier3A_17)
    %scan3A_18 = arith.constant 0 : i32
    %scan3A_19 = arith.constant 0 : i32
    %scan3A_20 = arith.constant 10 : i32
    %scan3A_21 = arith.addi %scan3A_19, %scan3A_20 : i32
    %scan3A_22 = arith.constant 1 : i32
    scf.for %scan3A_24 = %scan3A_19 to %scan3A_21 step %scan3A_22  : i32 {
      %mul3A = arith.constant 640 : i32
      %mul3A_25 = arith.muli %arg1, %mul3A : i32
      %mul3A_26 = arith.constant 64 : i32
      %mul3A_27 = arith.muli %scan3A_24, %mul3A_26 : i32
      %add3A = arith.addi %mul3A_25, %mul3A_27 : i32
      "tpu.region"() ({
        %run_scoped3A = tpu.sem_alloc : memref<!tpu.dma_semaphore, #tpu.memory_space<semaphore_mem>>
        %dma_start3A = arith.constant 0 : i32
        %dma_start3A_28 = tpu.memref_slice %arg10[%add3A, %dma_start3A] : memref<10240x128xf32, #tpu.memory_space<vmem_shared>> -> memref<64x128xf32, #tpu.memory_space<vmem_shared>>
        %dma_start3A_29 = arith.constant 0 : i32
        %dma_start3A_30 = tpu.memref_slice %arg10[%add3A, %dma_start3A_29] : memref<10240x128xf32, #tpu.memory_space<vmem_shared>> -> memref<64x128xf32, #tpu.memory_space<vmem_shared>>
        tpu.enqueue_dma source(%dma_start3A_30 : memref<64x128xf32, #tpu.memory_space<vmem_shared>>) target(%arg9 : memref<64x128xf32, #tpu.memory_space<vmem>>) target_semaphore(%run_scoped3A : memref<!tpu.dma_semaphore, #tpu.memory_space<semaphore_mem>>)
        %dma_wait3A = arith.constant 0 : i32
        %dma_wait3A_31 = tpu.memref_slice %arg10[%add3A, %dma_wait3A] : memref<10240x128xf32, #tpu.memory_space<vmem_shared>> -> memref<64x128xf32, #tpu.memory_space<vmem_shared>>
        %dma_wait3A_32 = arith.constant 0 : i32
        %dma_wait3A_33 = tpu.memref_slice %arg10[%add3A, %dma_wait3A_32] : memref<10240x128xf32, #tpu.memory_space<vmem_shared>> -> memref<64x128xf32, #tpu.memory_space<vmem_shared>>
        tpu.wait_dma2 semaphore(%run_scoped3A : memref<!tpu.dma_semaphore, #tpu.memory_space<semaphore_mem>>) src(%dma_wait3A_33 : memref<64x128xf32, #tpu.memory_space<vmem_shared>>) dst(%arg9 : memref<64x128xf32, #tpu.memory_space<vmem>>)
        tpu.yield
      }) : () -> ()
      "tpu.region"() ({
        %run_scoped3A = tpu.sem_alloc : memref<!tpu.dma_semaphore, #tpu.memory_space<semaphore_mem>>
        %dma_start3A = arith.constant 0 : i32
        %dma_start3A_28 = tpu.memref_slice %arg5[%arg0, %add3A, %dma_start3A] : memref<2x10240x128xf32, #tpu.memory_space<hbm>> -> memref<1x64x128xf32, #tpu.memory_space<hbm>>
        %dma_start3A_29 = tpu.memref_squeeze %dma_start3A_28 : memref<1x64x128xf32, #tpu.memory_space<hbm>> -> memref<64x128xf32, #tpu.memory_space<hbm>>
        %dma_start3A_30 = arith.constant 0 : i32
        %dma_start3A_31 = tpu.memref_slice %arg5[%arg0, %add3A, %dma_start3A_30] : memref<2x10240x128xf32, #tpu.memory_space<hbm>> -> memref<1x64x128xf32, #tpu.memory_space<hbm>>
        %dma_start3A_32 = tpu.memref_squeeze %dma_start3A_31 : memref<1x64x128xf32, #tpu.memory_space<hbm>> -> memref<64x128xf32, #tpu.memory_space<hbm>>
        tpu.enqueue_dma source(%arg9 : memref<64x128xf32, #tpu.memory_space<vmem>>) target(%dma_start3A_32 : memref<64x128xf32, #tpu.memory_space<hbm>>) target_semaphore(%run_scoped3A : memref<!tpu.dma_semaphore, #tpu.memory_space<semaphore_mem>>)
        %dma_wait3A = arith.constant 0 : i32
        %dma_wait3A_33 = tpu.memref_slice %arg5[%arg0, %add3A, %dma_wait3A] : memref<2x10240x128xf32, #tpu.memory_space<hbm>> -> memref<1x64x128xf32, #tpu.memory_space<hbm>>
        %dma_wait3A_34 = tpu.memref_squeeze %dma_wait3A_33 : memref<1x64x128xf32, #tpu.memory_space<hbm>> -> memref<64x128xf32, #tpu.memory_space<hbm>>
        %dma_wait3A_35 = arith.constant 0 : i32
        %dma_wait3A_36 = tpu.memref_slice %arg5[%arg0, %add3A, %dma_wait3A_35] : memref<2x10240x128xf32, #tpu.memory_space<hbm>> -> memref<1x64x128xf32, #tpu.memory_space<hbm>>
        %dma_wait3A_37 = tpu.memref_squeeze %dma_wait3A_36 : memref<1x64x128xf32, #tpu.memory_space<hbm>> -> memref<64x128xf32, #tpu.memory_space<hbm>>
        tpu.wait_dma2 semaphore(%run_scoped3A : memref<!tpu.dma_semaphore, #tpu.memory_space<semaphore_mem>>) src(%arg9 : memref<64x128xf32, #tpu.memory_space<vmem>>) dst(%dma_wait3A_37 : memref<64x128xf32, #tpu.memory_space<hbm>>)
        tpu.yield
      }) : () -> ()
    }
    %scan3A_23 = arith.constant 10 : i32
    return
  }
}

#map = affine_map<(d0, d1) -> (0, 0)>
#map1 = affine_map<(d0, d1) -> (0, 0, 0, 0)>
#map2 = affine_map<(d0, d1) -> (0, 0, 0)>
module attributes {stable_mosaic.version = 14 : i64} {
  func.func @k(%arg0: i32, %arg1: i32, %arg2: memref<10000x128xf32, #tpu.memory_space<hbm>>, %arg3: memref<2x16x160x128xi32, #tpu.memory_space<hbm>>, %arg4: memref<2x16x160x128xi32, #tpu.memory_space<hbm>>, %arg5: memref<2x10240x128xf32, #tpu.memory_space<hbm>>, %arg6: memref<16x128xi32, #tpu.memory_space<vmem>>, %arg7: memref<16x128xi32, #tpu.memory_space<vmem>>, %arg8: memref<128x128xf32, #tpu.memory_space<vmem>>, %arg9: memref<64x128xf32, #tpu.memory_space<vmem>>, %arg10: memref<10240x128xf32, #tpu.memory_space<vmem_shared>>, %arg11: memref<!tpu.dma_semaphore, #tpu.memory_space<semaphore_mem>>) attributes {dimension_semantics = [#tpu.dimension_semantics<core_parallel>, #tpu.dimension_semantics<subcore_parallel>], iteration_bounds = array<i64: 2, 16>, scalar_prefetch = 0 : i64, scratch_operands = 6 : i64, tpu.core_type = #tpu.core_type<sc_vector_subcore>, window_params = [{transform_indices = #map}, {transform_indices = #map1}, {transform_indices = #map1}, {transform_indices = #map2}]} {
    %scan3A = arith.constant 0 : i32
    %scan3A_0 = arith.constant 0 : i32
    %scan3A_1 = arith.constant 64 : i32
    %scan3A_2 = arith.addi %scan3A_0, %scan3A_1 : i32
    %scan3A_3 = arith.constant 1 : i32
    scf.for %scan3A_24 = %scan3A_0 to %scan3A_2 step %scan3A_3  : i32 {
      %broadcast_in_dim3A = arith.constant 0.000000e+00 : f32
      %broadcast_in_dim3A_25 = vector.broadcast %broadcast_in_dim3A : f32 to vector<16xf32>
      %swap3A = arith.index_cast %scan3A_24 : i32 to index
      %swap3A_26 = arith.constant 0 : index
      %swap3A_27 = tpu.vector_load %arg9[%swap3A, %swap3A_26] {strides = array<i32>} : memref<64x128xf32, #tpu.memory_space<vmem>>, vector<1x16xf32>,
      %swap3A_28 = vector.shape_cast %swap3A_27 : vector<1x16xf32> to vector<16xf32>
      %swap3A_29 = vector.shape_cast %broadcast_in_dim3A_25 : vector<16xf32> to vector<1x16xf32>
      tpu.vector_store %arg9[%swap3A, %swap3A_26], %swap3A_29 {strides = array<i32>} : memref<64x128xf32, #tpu.memory_space<vmem>>, vector<1x16xf32>,
      %broadcast_in_dim3A_30 = arith.constant 0.000000e+00 : f32
      %broadcast_in_dim3A_31 = vector.broadcast %broadcast_in_dim3A_30 : f32 to vector<16xf32>
      %swap3A_32 = arith.index_cast %scan3A_24 : i32 to index
      %swap3A_33 = arith.constant 16 : index
      %swap3A_34 = tpu.vector_load %arg9[%swap3A_32, %swap3A_33] {strides = array<i32>} : memref<64x128xf32, #tpu.memory_space<vmem>>, vector<1x16xf32>,
      %swap3A_35 = vector.shape_cast %swap3A_34 : vector<1x16xf32> to vector<16xf32>
      %swap3A_36 = vector.shape_cast %broadcast_in_dim3A_31 : vector<16xf32> to vector<1x16xf32>
      tpu.vector_store %arg9[%swap3A_32, %swap3A_33], %swap3A_36 {strides = array<i32>} : memref<64x128xf32, #tpu.memory_space<vmem>>, vector<1x16xf32>,
      %broadcast_in_dim3A_37 = arith.constant 0.000000e+00 : f32
      %broadcast_in_dim3A_38 = vector.broadcast %broadcast_in_dim3A_37 : f32 to vector<16xf32>
      %swap3A_39 = arith.index_cast %scan3A_24 : i32 to index
      %swap3A_40 = arith.constant 32 : index
      %swap3A_41 = tpu.vector_load %arg9[%swap3A_39, %swap3A_40] {strides = array<i32>} : memref<64x128xf32, #tpu.memory_space<vmem>>, vector<1x16xf32>,
      %swap3A_42 = vector.shape_cast %swap3A_41 : vector<1x16xf32> to vector<16xf32>
      %swap3A_43 = vector.shape_cast %broadcast_in_dim3A_38 : vector<16xf32> to vector<1x16xf32>
      tpu.vector_store %arg9[%swap3A_39, %swap3A_40], %swap3A_43 {strides = array<i32>} : memref<64x128xf32, #tpu.memory_space<vmem>>, vector<1x16xf32>,
      %broadcast_in_dim3A_44 = arith.constant 0.000000e+00 : f32
      %broadcast_in_dim3A_45 = vector.broadcast %broadcast_in_dim3A_44 : f32 to vector<16xf32>
      %swap3A_46 = arith.index_cast %scan3A_24 : i32 to index
      %swap3A_47 = arith.constant 48 : index
      %swap3A_48 = tpu.vector_load %arg9[%swap3A_46, %swap3A_47] {strides = array<i32>} : memref<64x128xf32, #tpu.memory_space<vmem>>, vector<1x16xf32>,
      %swap3A_49 = vector.shape_cast %swap3A_48 : vector<1x16xf32> to vector<16xf32>
      %swap3A_50 = vector.shape_cast %broadcast_in_dim3A_45 : vector<16xf32> to vector<1x16xf32>
      tpu.vector_store %arg9[%swap3A_46, %swap3A_47], %swap3A_50 {strides = array<i32>} : memref<64x128xf32, #tpu.memory_space<vmem>>, vector<1x16xf32>,
      %broadcast_in_dim3A_51 = arith.constant 0.000000e+00 : f32
      %broadcast_in_dim3A_52 = vector.broadcast %broadcast_in_dim3A_51 : f32 to vector<16xf32>
      %swap3A_53 = arith.index_cast %scan3A_24 : i32 to index
      %swap3A_54 = arith.constant 64 : index
      %swap3A_55 = tpu.vector_load %arg9[%swap3A_53, %swap3A_54] {strides = array<i32>} : memref<64x128xf32, #tpu.memory_space<vmem>>, vector<1x16xf32>,
      %swap3A_56 = vector.shape_cast %swap3A_55 : vector<1x16xf32> to vector<16xf32>
      %swap3A_57 = vector.shape_cast %broadcast_in_dim3A_52 : vector<16xf32> to vector<1x16xf32>
      tpu.vector_store %arg9[%swap3A_53, %swap3A_54], %swap3A_57 {strides = array<i32>} : memref<64x128xf32, #tpu.memory_space<vmem>>, vector<1x16xf32>,
      %broadcast_in_dim3A_58 = arith.constant 0.000000e+00 : f32
      %broadcast_in_dim3A_59 = vector.broadcast %broadcast_in_dim3A_58 : f32 to vector<16xf32>
      %swap3A_60 = arith.index_cast %scan3A_24 : i32 to index
      %swap3A_61 = arith.constant 80 : index
      %swap3A_62 = tpu.vector_load %arg9[%swap3A_60, %swap3A_61] {strides = array<i32>} : memref<64x128xf32, #tpu.memory_space<vmem>>, vector<1x16xf32>,
      %swap3A_63 = vector.shape_cast %swap3A_62 : vector<1x16xf32> to vector<16xf32>
      %swap3A_64 = vector.shape_cast %broadcast_in_dim3A_59 : vector<16xf32> to vector<1x16xf32>
      tpu.vector_store %arg9[%swap3A_60, %swap3A_61], %swap3A_64 {strides = array<i32>} : memref<64x128xf32, #tpu.memory_space<vmem>>, vector<1x16xf32>,
      %broadcast_in_dim3A_65 = arith.constant 0.000000e+00 : f32
      %broadcast_in_dim3A_66 = vector.broadcast %broadcast_in_dim3A_65 : f32 to vector<16xf32>
      %swap3A_67 = arith.index_cast %scan3A_24 : i32 to index
      %swap3A_68 = arith.constant 96 : index
      %swap3A_69 = tpu.vector_load %arg9[%swap3A_67, %swap3A_68] {strides = array<i32>} : memref<64x128xf32, #tpu.memory_space<vmem>>, vector<1x16xf32>,
      %swap3A_70 = vector.shape_cast %swap3A_69 : vector<1x16xf32> to vector<16xf32>
      %swap3A_71 = vector.shape_cast %broadcast_in_dim3A_66 : vector<16xf32> to vector<1x16xf32>
      tpu.vector_store %arg9[%swap3A_67, %swap3A_68], %swap3A_71 {strides = array<i32>} : memref<64x128xf32, #tpu.memory_space<vmem>>, vector<1x16xf32>,
      %broadcast_in_dim3A_72 = arith.constant 0.000000e+00 : f32
      %broadcast_in_dim3A_73 = vector.broadcast %broadcast_in_dim3A_72 : f32 to vector<16xf32>
      %swap3A_74 = arith.index_cast %scan3A_24 : i32 to index
      %swap3A_75 = arith.constant 112 : index
      %swap3A_76 = tpu.vector_load %arg9[%swap3A_74, %swap3A_75] {strides = array<i32>} : memref<64x128xf32, #tpu.memory_space<vmem>>, vector<1x16xf32>,
      %swap3A_77 = vector.shape_cast %swap3A_76 : vector<1x16xf32> to vector<16xf32>
      %swap3A_78 = vector.shape_cast %broadcast_in_dim3A_73 : vector<16xf32> to vector<1x16xf32>
      tpu.vector_store %arg9[%swap3A_74, %swap3A_75], %swap3A_78 {strides = array<i32>} : memref<64x128xf32, #tpu.memory_space<vmem>>, vector<1x16xf32>,
    }
    %scan3A_4 = arith.constant 64 : i32
    %scan3A_5 = arith.constant 0 : i32
    %scan3A_6 = arith.constant 0 : i32
    %scan3A_7 = arith.constant 10 : i32
    %scan3A_8 = arith.addi %scan3A_6, %scan3A_7 : i32
    %scan3A_9 = arith.constant 1 : i32
    scf.for %scan3A_24 = %scan3A_6 to %scan3A_8 step %scan3A_9  : i32 {
      %mul3A = arith.constant 640 : i32
      %mul3A_25 = arith.muli %arg1, %mul3A : i32
      %mul3A_26 = arith.constant 64 : i32
      %mul3A_27 = arith.muli %scan3A_24, %mul3A_26 : i32
      %add3A = arith.addi %mul3A_25, %mul3A_27 : i32
      "tpu.region"() ({
        %run_scoped3A = tpu.sem_alloc : memref<!tpu.dma_semaphore, #tpu.memory_space<semaphore_mem>>
        %dma_start3A = arith.constant 0 : i32
        %dma_start3A_28 = tpu.memref_slice %arg10[%add3A, %dma_start3A] : memref<10240x128xf32, #tpu.memory_space<vmem_shared>> -> memref<64x128xf32, #tpu.memory_space<vmem_shared>>
        %dma_start3A_29 = arith.constant 0 : i32
        %dma_start3A_30 = tpu.memref_slice %arg10[%add3A, %dma_start3A_29] : memref<10240x128xf32, #tpu.memory_space<vmem_shared>> -> memref<64x128xf32, #tpu.memory_space<vmem_shared>>
        tpu.enqueue_dma source(%arg9 : memref<64x128xf32, #tpu.memory_space<vmem>>) target(%dma_start3A_30 : memref<64x128xf32, #tpu.memory_space<vmem_shared>>) target_semaphore(%run_scoped3A : memref<!tpu.dma_semaphore, #tpu.memory_space<semaphore_mem>>)
        %dma_wait3A = arith.constant 0 : i32
        %dma_wait3A_31 = tpu.memref_slice %arg10[%add3A, %dma_wait3A] : memref<10240x128xf32, #tpu.memory_space<vmem_shared>> -> memref<64x128xf32, #tpu.memory_space<vmem_shared>>
        %dma_wait3A_32 = arith.constant 0 : i32
        %dma_wait3A_33 = tpu.memref_slice %arg10[%add3A, %dma_wait3A_32] : memref<10240x128xf32, #tpu.memory_space<vmem_shared>> -> memref<64x128xf32, #tpu.memory_space<vmem_shared>>
        tpu.wait_dma2 semaphore(%run_scoped3A : memref<!tpu.dma_semaphore, #tpu.memory_space<semaphore_mem>>) src(%arg9 : memref<64x128xf32, #tpu.memory_space<vmem>>) dst(%dma_wait3A_33 : memref<64x128xf32, #tpu.memory_space<vmem_shared>>)
        tpu.yield
      }) : () -> ()
    }
    %scan3A_10 = arith.constant 10 : i32
    %barrier3A = arith.constant 0 : index
    tpu.barrier barrier_id(%barrier3A)
    %scan3A_11 = arith.constant 0 : i32
    %scan3A_12 = arith.constant 0 : i32
    %scan3A_13 = arith.constant 10 : i32
    %scan3A_14 = arith.addi %scan3A_12, %scan3A_13 : i32
    %scan3A_15 = arith.constant 1 : i32
    scf.for %scan3A_24 = %scan3A_12 to %scan3A_14 step %scan3A_15  : i32 {
      %mul3A = arith.constant 16 : i32
      %mul3A_25 = arith.muli %scan3A_24, %mul3A : i32
      "tpu.region"() ({
        %run_scoped3A = tpu.sem_alloc : memref<!tpu.dma_semaphore, #tpu.memory_space<semaphore_mem>>
        %dma_start3A = arith.constant 0 : i32
        %dma_start3A_33 = tpu.memref_slice %arg3[%arg0, %arg1, %mul3A_25, %dma_start3A] : memref<2x16x160x128xi32, #tpu.memory_space<hbm>> -> memref<1x1x16x128xi32, #tpu.memory_space<hbm>>
        %dma_start3A_34 = tpu.memref_squeeze %dma_start3A_33 : memref<1x1x16x128xi32, #tpu.memory_space<hbm>> -> memref<16x128xi32, #tpu.memory_space<hbm>>
        %dma_start3A_35 = arith.constant 0 : i32
        %dma_start3A_36 = tpu.memref_slice %arg3[%arg0, %arg1, %mul3A_25, %dma_start3A_35] : memref<2x16x160x128xi32, #tpu.memory_space<hbm>> -> memref<1x1x16x128xi32, #tpu.memory_space<hbm>>
        %dma_start3A_37 = tpu.memref_squeeze %dma_start3A_36 : memref<1x1x16x128xi32, #tpu.memory_space<hbm>> -> memref<16x128xi32, #tpu.memory_space<hbm>>
        tpu.enqueue_dma source(%dma_start3A_37 : memref<16x128xi32, #tpu.memory_space<hbm>>) target(%arg6 : memref<16x128xi32, #tpu.memory_space<vmem>>) target_semaphore(%run_scoped3A : memref<!tpu.dma_semaphore, #tpu.memory_space<semaphore_mem>>)
        %dma_wait3A = arith.constant 0 : i32
        %dma_wait3A_38 = tpu.memref_slice %arg3[%arg0, %arg1, %mul3A_25, %dma_wait3A] : memref<2x16x160x128xi32, #tpu.memory_space<hbm>> -> memref<1x1x16x128xi32, #tpu.memory_space<hbm>>
        %dma_wait3A_39 = tpu.memref_squeeze %dma_wait3A_38 : memref<1x1x16x128xi32, #tpu.memory_space<hbm>> -> memref<16x128xi32, #tpu.memory_space<hbm>>
        %dma_wait3A_40 = arith.constant 0 : i32
        %dma_wait3A_41 = tpu.memref_slice %arg3[%arg0, %arg1, %mul3A_25, %dma_wait3A_40] : memref<2x16x160x128xi32, #tpu.memory_space<hbm>> -> memref<1x1x16x128xi32, #tpu.memory_space<hbm>>
        %dma_wait3A_42 = tpu.memref_squeeze %dma_wait3A_41 : memref<1x1x16x128xi32, #tpu.memory_space<hbm>> -> memref<16x128xi32, #tpu.memory_space<hbm>>
        tpu.wait_dma2 semaphore(%run_scoped3A : memref<!tpu.dma_semaphore, #tpu.memory_space<semaphore_mem>>) src(%dma_wait3A_42 : memref<16x128xi32, #tpu.memory_space<hbm>>) dst(%arg6 : memref<16x128xi32, #tpu.memory_space<vmem>>)
        tpu.yield
      }) : () -> ()
      %mul3A_26 = arith.constant 16 : i32
      %mul3A_27 = arith.muli %scan3A_24, %mul3A_26 : i32
      "tpu.region"() ({
        %run_scoped3A = tpu.sem_alloc : memref<!tpu.dma_semaphore, #tpu.memory_space<semaphore_mem>>
        %dma_start3A = arith.constant 0 : i32
        %dma_start3A_33 = tpu.memref_slice %arg4[%arg0, %arg1, %mul3A_27, %dma_start3A] : memref<2x16x160x128xi32, #tpu.memory_space<hbm>> -> memref<1x1x16x128xi32, #tpu.memory_space<hbm>>
        %dma_start3A_34 = tpu.memref_squeeze %dma_start3A_33 : memref<1x1x16x128xi32, #tpu.memory_space<hbm>> -> memref<16x128xi32, #tpu.memory_space<hbm>>
        %dma_start3A_35 = arith.constant 0 : i32
        %dma_start3A_36 = tpu.memref_slice %arg4[%arg0, %arg1, %mul3A_27, %dma_start3A_35] : memref<2x16x160x128xi32, #tpu.memory_space<hbm>> -> memref<1x1x16x128xi32, #tpu.memory_space<hbm>>
        %dma_start3A_37 = tpu.memref_squeeze %dma_start3A_36 : memref<1x1x16x128xi32, #tpu.memory_space<hbm>> -> memref<16x128xi32, #tpu.memory_space<hbm>>
        tpu.enqueue_dma source(%dma_start3A_37 : memref<16x128xi32, #tpu.memory_space<hbm>>) target(%arg7 : memref<16x128xi32, #tpu.memory_space<vmem>>) target_semaphore(%run_scoped3A : memref<!tpu.dma_semaphore, #tpu.memory_space<semaphore_mem>>)
        %dma_wait3A = arith.constant 0 : i32
        %dma_wait3A_38 = tpu.memref_slice %arg4[%arg0, %arg1, %mul3A_27, %dma_wait3A] : memref<2x16x160x128xi32, #tpu.memory_space<hbm>> -> memref<1x1x16x128xi32, #tpu.memory_space<hbm>>
        %dma_wait3A_39 = tpu.memref_squeeze %dma_wait3A_38 : memref<1x1x16x128xi32, #tpu.memory_space<hbm>> -> memref<16x128xi32, #tpu.memory_space<hbm>>
        %dma_wait3A_40 = arith.constant 0 : i32
        %dma_wait3A_41 = tpu.memref_slice %arg4[%arg0, %arg1, %mul3A_27, %dma_wait3A_40] : memref<2x16x160x128xi32, #tpu.memory_space<hbm>> -> memref<1x1x16x128xi32, #tpu.memory_space<hbm>>
        %dma_wait3A_42 = tpu.memref_squeeze %dma_wait3A_41 : memref<1x1x16x128xi32, #tpu.memory_space<hbm>> -> memref<16x128xi32, #tpu.memory_space<hbm>>
        tpu.wait_dma2 semaphore(%run_scoped3A : memref<!tpu.dma_semaphore, #tpu.memory_space<semaphore_mem>>) src(%dma_wait3A_42 : memref<16x128xi32, #tpu.memory_space<hbm>>) dst(%arg7 : memref<16x128xi32, #tpu.memory_space<vmem>>)
        tpu.yield
      }) : () -> ()
      %scan3A_28 = arith.constant 0 : i32
      %scan3A_29 = arith.constant 16 : i32
      %scan3A_30 = arith.addi %scan3A_28, %scan3A_29 : i32
      %scan3A_31 = arith.constant 1 : i32
      scf.for %scan3A_33 = %scan3A_28 to %scan3A_30 step %scan3A_31  : i32 {
        %dma_start3A = arith.constant 0 : i32
        %dma_start3A_34 = tpu.memref_slice %arg6[%scan3A_33, %dma_start3A] : memref<16x128xi32, #tpu.memory_space<vmem>> -> memref<1x128xi32, #tpu.memory_space<vmem>>
        %dma_start3A_35 = tpu.memref_squeeze %dma_start3A_34 : memref<1x128xi32, #tpu.memory_space<vmem>> -> memref<128xi32, #tpu.memory_space<vmem>>
        %dma_start3A_36 = arith.constant 0 : i32
        %dma_start3A_37 = arith.constant 0 : i32
        %dma_start3A_38 = tpu.memref_slice %arg2[%dma_start3A_36, %dma_start3A_37] : memref<10000x128xf32, #tpu.memory_space<hbm>> -> memref<10000x128xf32, #tpu.memory_space<hbm>>
        tpu.enqueue_indirect_dma source(%dma_start3A_38 : memref<10000x128xf32, #tpu.memory_space<hbm>>) target(%arg8 : memref<128x128xf32, #tpu.memory_space<vmem>>) offsets(%dma_start3A_35 : memref<128xi32, #tpu.memory_space<vmem>>) semaphore(%arg11 : memref<!tpu.dma_semaphore, #tpu.memory_space<semaphore_mem>>)
        %dma_wait3A = arith.constant 0 : i32
        %dma_wait3A_39 = tpu.memref_slice %arg6[%scan3A_33, %dma_wait3A] : memref<16x128xi32, #tpu.memory_space<vmem>> -> memref<1x128xi32, #tpu.memory_space<vmem>>
        %dma_wait3A_40 = tpu.memref_squeeze %dma_wait3A_39 : memref<1x128xi32, #tpu.memory_space<vmem>> -> memref<128xi32, #tpu.memory_space<vmem>>
        %dma_wait3A_41 = arith.constant 0 : i32
        %dma_wait3A_42 = arith.constant 0 : i32
        %dma_wait3A_43 = tpu.memref_slice %arg2[%dma_wait3A_41, %dma_wait3A_42] : memref<10000x128xf32, #tpu.memory_space<hbm>> -> memref<10000x128xf32, #tpu.memory_space<hbm>>
        tpu.wait_indirect_dma semaphore(%arg11 : memref<!tpu.dma_semaphore, #tpu.memory_space<semaphore_mem>>) src(%dma_wait3A_43 : memref<10000x128xf32, #tpu.memory_space<hbm>>) dst(%arg8 : memref<128x128xf32, #tpu.memory_space<vmem>>)
        "tpu.region"() ({
          %run_scoped3A = tpu.sem_alloc : memref<!tpu.dma_semaphore, #tpu.memory_space<semaphore_mem>>
          %dma_start3A_44 = arith.constant 0 : i32
          %dma_start3A_45 = tpu.memref_slice %arg7[%scan3A_33, %dma_start3A_44] : memref<16x128xi32, #tpu.memory_space<vmem>> -> memref<1x128xi32, #tpu.memory_space<vmem>>
          %dma_start3A_46 = tpu.memref_squeeze %dma_start3A_45 : memref<1x128xi32, #tpu.memory_space<vmem>> -> memref<128xi32, #tpu.memory_space<vmem>>
          %dma_start3A_47 = arith.constant 0 : i32
          %dma_start3A_48 = arith.constant 0 : i32
          %dma_start3A_49 = tpu.memref_slice %arg10[%dma_start3A_47, %dma_start3A_48] : memref<10240x128xf32, #tpu.memory_space<vmem_shared>> -> memref<10240x128xf32, #tpu.memory_space<vmem_shared>>
          tpu.enqueue_indirect_dma source(%arg8 : memref<128x128xf32, #tpu.memory_space<vmem>>) target(%dma_start3A_49 : memref<10240x128xf32, #tpu.memory_space<vmem_shared>>) offsets(%dma_start3A_46 : memref<128xi32, #tpu.memory_space<vmem>>) semaphore(%run_scoped3A : memref<!tpu.dma_semaphore, #tpu.memory_space<semaphore_mem>>) {add = true}
          %dma_wait3A_50 = arith.constant 0 : i32
          %dma_wait3A_51 = tpu.memref_slice %arg7[%scan3A_33, %dma_wait3A_50] : memref<16x128xi32, #tpu.memory_space<vmem>> -> memref<1x128xi32, #tpu.memory_space<vmem>>
          %dma_wait3A_52 = tpu.memref_squeeze %dma_wait3A_51 : memref<1x128xi32, #tpu.memory_space<vmem>> -> memref<128xi32, #tpu.memory_space<vmem>>
          %dma_wait3A_53 = arith.constant 0 : i32
          %dma_wait3A_54 = arith.constant 0 : i32
          %dma_wait3A_55 = tpu.memref_slice %arg10[%dma_wait3A_53, %dma_wait3A_54] : memref<10240x128xf32, #tpu.memory_space<vmem_shared>> -> memref<10240x128xf32, #tpu.memory_space<vmem_shared>>
          tpu.wait_indirect_dma semaphore(%run_scoped3A : memref<!tpu.dma_semaphore, #tpu.memory_space<semaphore_mem>>) src(%arg8 : memref<128x128xf32, #tpu.memory_space<vmem>>) dst(%dma_wait3A_55 : memref<10240x128xf32, #tpu.memory_space<vmem_shared>>)
          tpu.yield
        }) : () -> ()
      }
      %scan3A_32 = arith.constant 16 : i32
    }
    %scan3A_16 = arith.constant 10 : i32
    %barrier3A_17 = arith.constant 0 : index
    tpu.barrier barrier_id(%barrier3A_17)
    %scan3A_18 = arith.constant 0 : i32
    %scan3A_19 = arith.constant 0 : i32
    %scan3A_20 = arith.constant 10 : i32
    %scan3A_21 = arith.addi %scan3A_19, %scan3A_20 : i32
    %scan3A_22 = arith.constant 1 : i32
    scf.for %scan3A_24 = %scan3A_19 to %scan3A_21 step %scan3A_22  : i32 {
      %mul3A = arith.constant 640 : i32
      %mul3A_25 = arith.muli %arg1, %mul3A : i32
      %mul3A_26 = arith.constant 64 : i32
      %mul3A_27 = arith.muli %scan3A_24, %mul3A_26 : i32
      %add3A = arith.addi %mul3A_25, %mul3A_27 : i32
      "tpu.region"() ({
        %run_scoped3A = tpu.sem_alloc : memref<!tpu.dma_semaphore, #tpu.memory_space<semaphore_mem>>
        %dma_start3A = arith.constant 0 : i32
        %dma_start3A_28 = tpu.memref_slice %arg10[%add3A, %dma_start3A] : memref<10240x128xf32, #tpu.memory_space<vmem_shared>> -> memref<64x128xf32, #tpu.memory_space<vmem_shared>>
        %dma_start3A_29 = arith.constant 0 : i32
        %dma_start3A_30 = tpu.memref_slice %arg10[%add3A, %dma_start3A_29] : memref<10240x128xf32, #tpu.memory_space<vmem_shared>> -> memref<64x128xf32, #tpu.memory_space<vmem_shared>>
        tpu.enqueue_dma source(%dma_start3A_30 : memref<64x128xf32, #tpu.memory_space<vmem_shared>>) target(%arg9 : memref<64x128xf32, #tpu.memory_space<vmem>>) target_semaphore(%run_scoped3A : memref<!tpu.dma_semaphore, #tpu.memory_space<semaphore_mem>>)
        %dma_wait3A = arith.constant 0 : i32
        %dma_wait3A_31 = tpu.memref_slice %arg10[%add3A, %dma_wait3A] : memref<10240x128xf32, #tpu.memory_space<vmem_shared>> -> memref<64x128xf32, #tpu.memory_space<vmem_shared>>
        %dma_wait3A_32 = arith.constant 0 : i32
        %dma_wait3A_33 = tpu.memref_slice %arg10[%add3A, %dma_wait3A_32] : memref<10240x128xf32, #tpu.memory_space<vmem_shared>> -> memref<64x128xf32, #tpu.memory_space<vmem_shared>>
        tpu.wait_dma2 semaphore(%run_scoped3A : memref<!tpu.dma_semaphore, #tpu.memory_space<semaphore_mem>>) src(%dma_wait3A_33 : memref<64x128xf32, #tpu.memory_space<vmem_shared>>) dst(%arg9 : memref<64x128xf32, #tpu.memory_space<vmem>>)
        tpu.yield
      }) : () -> ()
      "tpu.region"() ({
        %run_scoped3A = tpu.sem_alloc : memref<!tpu.dma_semaphore, #tpu.memory_space<semaphore_mem>>
        %dma_start3A = arith.constant 0 : i32
        %dma_start3A_28 = tpu.memref_slice %arg5[%arg0, %add3A, %dma_start3A] : memref<2x10240x128xf32, #tpu.memory_space<hbm>> -> memref<1x64x128xf32, #tpu.memory_space<hbm>>
        %dma_start3A_29 = tpu.memref_squeeze %dma_start3A_28 : memref<1x64x128xf32, #tpu.memory_space<hbm>> -> memref<64x128xf32, #tpu.memory_space<hbm>>
        %dma_start3A_30 = arith.constant 0 : i32
        %dma_start3A_31 = tpu.memref_slice %arg5[%arg0, %add3A, %dma_start3A_30] : memref<2x10240x128xf32, #tpu.memory_space<hbm>> -> memref<1x64x128xf32, #tpu.memory_space<hbm>>
        %dma_start3A_32 = tpu.memref_squeeze %dma_start3A_31 : memref<1x64x128xf32, #tpu.memory_space<hbm>> -> memref<64x128xf32, #tpu.memory_space<hbm>>
        tpu.enqueue_dma source(%arg9 : memref<64x128xf32, #tpu.memory_space<vmem>>) target(%dma_start3A_32 : memref<64x128xf32, #tpu.memory_space<hbm>>) target_semaphore(%run_scoped3A : memref<!tpu.dma_semaphore, #tpu.memory_space<semaphore_mem>>)
        %dma_wait3A = arith.constant 0 : i32
        %dma_wait3A_33 = tpu.memref_slice %arg5[%arg0, %add3A, %dma_wait3A] : memref<2x10240x128xf32, #tpu.memory_space<hbm>> -> memref<1x64x128xf32, #tpu.memory_space<hbm>>
        %dma_wait3A_34 = tpu.memref_squeeze %dma_wait3A_33 : memref<1x64x128xf32, #tpu.memory_space<hbm>> -> memref<64x128xf32, #tpu.memory_space<hbm>>
        %dma_wait3A_35 = arith.constant 0 : i32
        %dma_wait3A_36 = tpu.memref_slice %arg5[%arg0, %add3A, %dma_wait3A_35] : memref<2x10240x128xf32, #tpu.memory_space<hbm>> -> memref<1x64x128xf32, #tpu.memory_space<hbm>>
        %dma_wait3A_37 = tpu.memref_squeeze %dma_wait3A_36 : memref<1x64x128xf32, #tpu.memory_space<hbm>> -> memref<64x128xf32, #tpu.memory_space<hbm>>
        tpu.wait_dma2 semaphore(%run_scoped3A : memref<!tpu.dma_semaphore, #tpu.memory_space<semaphore_mem>>) src(%arg9 : memref<64x128xf32, #tpu.memory_space<vmem>>) dst(%dma_wait3A_37 : memref<64x128xf32, #tpu.memory_space<hbm>>)
        tpu.yield
      }) : () -> ()
    }
    %scan3A_23 = arith.constant 10 : i32
    return
  }
}

#map = affine_map<(d0, d1) -> (0, 0)>
#map1 = affine_map<(d0, d1) -> (0, 0, 0, 0)>
#map2 = affine_map<(d0, d1) -> (0, 0, 0)>
module attributes {stable_mosaic.version = 14 : i64} {
  func.func @k(%arg0: i32, %arg1: i32, %arg2: memref<10000x128xf32, #tpu.memory_space<hbm>>, %arg3: memref<2x16x160x128xi32, #tpu.memory_space<hbm>>, %arg4: memref<2x16x160x128xi32, #tpu.memory_space<hbm>>, %arg5: memref<2x10240x128xf32, #tpu.memory_space<hbm>>, %arg6: memref<16x128xi32, #tpu.memory_space<vmem>>, %arg7: memref<16x128xi32, #tpu.memory_space<vmem>>, %arg8: memref<128x128xf32, #tpu.memory_space<vmem>>, %arg9: memref<64x128xf32, #tpu.memory_space<vmem>>, %arg10: memref<10240x128xf32, #tpu.memory_space<vmem_shared>>, %arg11: memref<!tpu.dma_semaphore, #tpu.memory_space<semaphore_mem>>) attributes {dimension_semantics = [#tpu.dimension_semantics<core_parallel>, #tpu.dimension_semantics<subcore_parallel>], iteration_bounds = array<i64: 2, 16>, scalar_prefetch = 0 : i64, scratch_operands = 6 : i64, tpu.core_type = #tpu.core_type<sc_vector_subcore>, window_params = [{transform_indices = #map}, {transform_indices = #map1}, {transform_indices = #map1}, {transform_indices = #map2}]} {
    %scan3A = arith.constant 0 : i32
    %scan3A_0 = arith.constant 0 : i32
    %scan3A_1 = arith.constant 64 : i32
    %scan3A_2 = arith.addi %scan3A_0, %scan3A_1 : i32
    %scan3A_3 = arith.constant 1 : i32
    scf.for %scan3A_24 = %scan3A_0 to %scan3A_2 step %scan3A_3  : i32 {
      %broadcast_in_dim3A = arith.constant 0.000000e+00 : f32
      %broadcast_in_dim3A_25 = vector.broadcast %broadcast_in_dim3A : f32 to vector<16xf32>
      %swap3A = arith.index_cast %scan3A_24 : i32 to index
      %swap3A_26 = arith.constant 0 : index
      %swap3A_27 = tpu.vector_load %arg9[%swap3A, %swap3A_26] {strides = array<i32>} : memref<64x128xf32, #tpu.memory_space<vmem>>, vector<1x16xf32>,
      %swap3A_28 = vector.shape_cast %swap3A_27 : vector<1x16xf32> to vector<16xf32>
      %swap3A_29 = vector.shape_cast %broadcast_in_dim3A_25 : vector<16xf32> to vector<1x16xf32>
      tpu.vector_store %arg9[%swap3A, %swap3A_26], %swap3A_29 {strides = array<i32>} : memref<64x128xf32, #tpu.memory_space<vmem>>, vector<1x16xf32>,
      %broadcast_in_dim3A_30 = arith.constant 0.000000e+00 : f32
      %broadcast_in_dim3A_31 = vector.broadcast %broadcast_in_dim3A_30 : f32 to vector<16xf32>
      %swap3A_32 = arith.index_cast %scan3A_24 : i32 to index
      %swap3A_33 = arith.constant 16 : index
      %swap3A_34 = tpu.vector_load %arg9[%swap3A_32, %swap3A_33] {strides = array<i32>} : memref<64x128xf32, #tpu.memory_space<vmem>>, vector<1x16xf32>,
      %swap3A_35 = vector.shape_cast %swap3A_34 : vector<1x16xf32> to vector<16xf32>
      %swap3A_36 = vector.shape_cast %broadcast_in_dim3A_31 : vector<16xf32> to vector<1x16xf32>
      tpu.vector_store %arg9[%swap3A_32, %swap3A_33], %swap3A_36 {strides = array<i32>} : memref<64x128xf32, #tpu.memory_space<vmem>>, vector<1x16xf32>,
      %broadcast_in_dim3A_37 = arith.constant 0.000000e+00 : f32
      %broadcast_in_dim3A_38 = vector.broadcast %broadcast_in_dim3A_37 : f32 to vector<16xf32>
      %swap3A_39 = arith.index_cast %scan3A_24 : i32 to index
      %swap3A_40 = arith.constant 32 : index
      %swap3A_41 = tpu.vector_load %arg9[%swap3A_39, %swap3A_40] {strides = array<i32>} : memref<64x128xf32, #tpu.memory_space<vmem>>, vector<1x16xf32>,
      %swap3A_42 = vector.shape_cast %swap3A_41 : vector<1x16xf32> to vector<16xf32>
      %swap3A_43 = vector.shape_cast %broadcast_in_dim3A_38 : vector<16xf32> to vector<1x16xf32>
      tpu.vector_store %arg9[%swap3A_39, %swap3A_40], %swap3A_43 {strides = array<i32>} : memref<64x128xf32, #tpu.memory_space<vmem>>, vector<1x16xf32>,
      %broadcast_in_dim3A_44 = arith.constant 0.000000e+00 : f32
      %broadcast_in_dim3A_45 = vector.broadcast %broadcast_in_dim3A_44 : f32 to vector<16xf32>
      %swap3A_46 = arith.index_cast %scan3A_24 : i32 to index
      %swap3A_47 = arith.constant 48 : index
      %swap3A_48 = tpu.vector_load %arg9[%swap3A_46, %swap3A_47] {strides = array<i32>} : memref<64x128xf32, #tpu.memory_space<vmem>>, vector<1x16xf32>,
      %swap3A_49 = vector.shape_cast %swap3A_48 : vector<1x16xf32> to vector<16xf32>
      %swap3A_50 = vector.shape_cast %broadcast_in_dim3A_45 : vector<16xf32> to vector<1x16xf32>
      tpu.vector_store %arg9[%swap3A_46, %swap3A_47], %swap3A_50 {strides = array<i32>} : memref<64x128xf32, #tpu.memory_space<vmem>>, vector<1x16xf32>,
      %broadcast_in_dim3A_51 = arith.constant 0.000000e+00 : f32
      %broadcast_in_dim3A_52 = vector.broadcast %broadcast_in_dim3A_51 : f32 to vector<16xf32>
      %swap3A_53 = arith.index_cast %scan3A_24 : i32 to index
      %swap3A_54 = arith.constant 64 : index
      %swap3A_55 = tpu.vector_load %arg9[%swap3A_53, %swap3A_54] {strides = array<i32>} : memref<64x128xf32, #tpu.memory_space<vmem>>, vector<1x16xf32>,
      %swap3A_56 = vector.shape_cast %swap3A_55 : vector<1x16xf32> to vector<16xf32>
      %swap3A_57 = vector.shape_cast %broadcast_in_dim3A_52 : vector<16xf32> to vector<1x16xf32>
      tpu.vector_store %arg9[%swap3A_53, %swap3A_54], %swap3A_57 {strides = array<i32>} : memref<64x128xf32, #tpu.memory_space<vmem>>, vector<1x16xf32>,
      %broadcast_in_dim3A_58 = arith.constant 0.000000e+00 : f32
      %broadcast_in_dim3A_59 = vector.broadcast %broadcast_in_dim3A_58 : f32 to vector<16xf32>
      %swap3A_60 = arith.index_cast %scan3A_24 : i32 to index
      %swap3A_61 = arith.constant 80 : index
      %swap3A_62 = tpu.vector_load %arg9[%swap3A_60, %swap3A_61] {strides = array<i32>} : memref<64x128xf32, #tpu.memory_space<vmem>>, vector<1x16xf32>,
      %swap3A_63 = vector.shape_cast %swap3A_62 : vector<1x16xf32> to vector<16xf32>
      %swap3A_64 = vector.shape_cast %broadcast_in_dim3A_59 : vector<16xf32> to vector<1x16xf32>
      tpu.vector_store %arg9[%swap3A_60, %swap3A_61], %swap3A_64 {strides = array<i32>} : memref<64x128xf32, #tpu.memory_space<vmem>>, vector<1x16xf32>,
      %broadcast_in_dim3A_65 = arith.constant 0.000000e+00 : f32
      %broadcast_in_dim3A_66 = vector.broadcast %broadcast_in_dim3A_65 : f32 to vector<16xf32>
      %swap3A_67 = arith.index_cast %scan3A_24 : i32 to index
      %swap3A_68 = arith.constant 96 : index
      %swap3A_69 = tpu.vector_load %arg9[%swap3A_67, %swap3A_68] {strides = array<i32>} : memref<64x128xf32, #tpu.memory_space<vmem>>, vector<1x16xf32>,
      %swap3A_70 = vector.shape_cast %swap3A_69 : vector<1x16xf32> to vector<16xf32>
      %swap3A_71 = vector.shape_cast %broadcast_in_dim3A_66 : vector<16xf32> to vector<1x16xf32>
      tpu.vector_store %arg9[%swap3A_67, %swap3A_68], %swap3A_71 {strides = array<i32>} : memref<64x128xf32, #tpu.memory_space<vmem>>, vector<1x16xf32>,
      %broadcast_in_dim3A_72 = arith.constant 0.000000e+00 : f32
      %broadcast_in_dim3A_73 = vector.broadcast %broadcast_in_dim3A_72 : f32 to vector<16xf32>
      %swap3A_74 = arith.index_cast %scan3A_24 : i32 to index
      %swap3A_75 = arith.constant 112 : index
      %swap3A_76 = tpu.vector_load %arg9[%swap3A_74, %swap3A_75] {strides = array<i32>} : memref<64x128xf32, #tpu.memory_space<vmem>>, vector<1x16xf32>,
      %swap3A_77 = vector.shape_cast %swap3A_76 : vector<1x16xf32> to vector<16xf32>
      %swap3A_78 = vector.shape_cast %broadcast_in_dim3A_73 : vector<16xf32> to vector<1x16xf32>
      tpu.vector_store %arg9[%swap3A_74, %swap3A_75], %swap3A_78 {strides = array<i32>} : memref<64x128xf32, #tpu.memory_space<vmem>>, vector<1x16xf32>,
    }
    %scan3A_4 = arith.constant 64 : i32
    %scan3A_5 = arith.constant 0 : i32
    %scan3A_6 = arith.constant 0 : i32
    %scan3A_7 = arith.constant 10 : i32
    %scan3A_8 = arith.addi %scan3A_6, %scan3A_7 : i32
    %scan3A_9 = arith.constant 1 : i32
    scf.for %scan3A_24 = %scan3A_6 to %scan3A_8 step %scan3A_9  : i32 {
      %mul3A = arith.constant 640 : i32
      %mul3A_25 = arith.muli %arg1, %mul3A : i32
      %mul3A_26 = arith.constant 64 : i32
      %mul3A_27 = arith.muli %scan3A_24, %mul3A_26 : i32
      %add3A = arith.addi %mul3A_25, %mul3A_27 : i32
      "tpu.region"() ({
        %run_scoped3A = tpu.sem_alloc : memref<!tpu.dma_semaphore, #tpu.memory_space<semaphore_mem>>
        %dma_start3A = arith.constant 0 : i32
        %dma_start3A_28 = tpu.memref_slice %arg10[%add3A, %dma_start3A] : memref<10240x128xf32, #tpu.memory_space<vmem_shared>> -> memref<64x128xf32, #tpu.memory_space<vmem_shared>>
        %dma_start3A_29 = arith.constant 0 : i32
        %dma_start3A_30 = tpu.memref_slice %arg10[%add3A, %dma_start3A_29] : memref<10240x128xf32, #tpu.memory_space<vmem_shared>> -> memref<64x128xf32, #tpu.memory_space<vmem_shared>>
        tpu.enqueue_dma source(%arg9 : memref<64x128xf32, #tpu.memory_space<vmem>>) target(%dma_start3A_30 : memref<64x128xf32, #tpu.memory_space<vmem_shared>>) target_semaphore(%run_scoped3A : memref<!tpu.dma_semaphore, #tpu.memory_space<semaphore_mem>>)
        %dma_wait3A = arith.constant 0 : i32
        %dma_wait3A_31 = tpu.memref_slice %arg10[%add3A, %dma_wait3A] : memref<10240x128xf32, #tpu.memory_space<vmem_shared>> -> memref<64x128xf32, #tpu.memory_space<vmem_shared>>
        %dma_wait3A_32 = arith.constant 0 : i32
        %dma_wait3A_33 = tpu.memref_slice %arg10[%add3A, %dma_wait3A_32] : memref<10240x128xf32, #tpu.memory_space<vmem_shared>> -> memref<64x128xf32, #tpu.memory_space<vmem_shared>>
        tpu.wait_dma2 semaphore(%run_scoped3A : memref<!tpu.dma_semaphore, #tpu.memory_space<semaphore_mem>>) src(%arg9 : memref<64x128xf32, #tpu.memory_space<vmem>>) dst(%dma_wait3A_33 : memref<64x128xf32, #tpu.memory_space<vmem_shared>>)
        tpu.yield
      }) : () -> ()
    }
    %scan3A_10 = arith.constant 10 : i32
    %barrier3A = arith.constant 0 : index
    tpu.barrier barrier_id(%barrier3A)
    %scan3A_11 = arith.constant 0 : i32
    %scan3A_12 = arith.constant 0 : i32
    %scan3A_13 = arith.constant 10 : i32
    %scan3A_14 = arith.addi %scan3A_12, %scan3A_13 : i32
    %scan3A_15 = arith.constant 1 : i32
    scf.for %scan3A_24 = %scan3A_12 to %scan3A_14 step %scan3A_15  : i32 {
      %mul3A = arith.constant 16 : i32
      %mul3A_25 = arith.muli %scan3A_24, %mul3A : i32
      "tpu.region"() ({
        %run_scoped3A = tpu.sem_alloc : memref<!tpu.dma_semaphore, #tpu.memory_space<semaphore_mem>>
        %dma_start3A = arith.constant 0 : i32
        %dma_start3A_33 = tpu.memref_slice %arg3[%arg0, %arg1, %mul3A_25, %dma_start3A] : memref<2x16x160x128xi32, #tpu.memory_space<hbm>> -> memref<1x1x16x128xi32, #tpu.memory_space<hbm>>
        %dma_start3A_34 = tpu.memref_squeeze %dma_start3A_33 : memref<1x1x16x128xi32, #tpu.memory_space<hbm>> -> memref<16x128xi32, #tpu.memory_space<hbm>>
        %dma_start3A_35 = arith.constant 0 : i32
        %dma_start3A_36 = tpu.memref_slice %arg3[%arg0, %arg1, %mul3A_25, %dma_start3A_35] : memref<2x16x160x128xi32, #tpu.memory_space<hbm>> -> memref<1x1x16x128xi32, #tpu.memory_space<hbm>>
        %dma_start3A_37 = tpu.memref_squeeze %dma_start3A_36 : memref<1x1x16x128xi32, #tpu.memory_space<hbm>> -> memref<16x128xi32, #tpu.memory_space<hbm>>
        tpu.enqueue_dma source(%dma_start3A_37 : memref<16x128xi32, #tpu.memory_space<hbm>>) target(%arg6 : memref<16x128xi32, #tpu.memory_space<vmem>>) target_semaphore(%run_scoped3A : memref<!tpu.dma_semaphore, #tpu.memory_space<semaphore_mem>>)
        %dma_wait3A = arith.constant 0 : i32
        %dma_wait3A_38 = tpu.memref_slice %arg3[%arg0, %arg1, %mul3A_25, %dma_wait3A] : memref<2x16x160x128xi32, #tpu.memory_space<hbm>> -> memref<1x1x16x128xi32, #tpu.memory_space<hbm>>
        %dma_wait3A_39 = tpu.memref_squeeze %dma_wait3A_38 : memref<1x1x16x128xi32, #tpu.memory_space<hbm>> -> memref<16x128xi32, #tpu.memory_space<hbm>>
        %dma_wait3A_40 = arith.constant 0 : i32
        %dma_wait3A_41 = tpu.memref_slice %arg3[%arg0, %arg1, %mul3A_25, %dma_wait3A_40] : memref<2x16x160x128xi32, #tpu.memory_space<hbm>> -> memref<1x1x16x128xi32, #tpu.memory_space<hbm>>
        %dma_wait3A_42 = tpu.memref_squeeze %dma_wait3A_41 : memref<1x1x16x128xi32, #tpu.memory_space<hbm>> -> memref<16x128xi32, #tpu.memory_space<hbm>>
        tpu.wait_dma2 semaphore(%run_scoped3A : memref<!tpu.dma_semaphore, #tpu.memory_space<semaphore_mem>>) src(%dma_wait3A_42 : memref<16x128xi32, #tpu.memory_space<hbm>>) dst(%arg6 : memref<16x128xi32, #tpu.memory_space<vmem>>)
        tpu.yield
      }) : () -> ()
      %mul3A_26 = arith.constant 16 : i32
      %mul3A_27 = arith.muli %scan3A_24, %mul3A_26 : i32
      "tpu.region"() ({
        %run_scoped3A = tpu.sem_alloc : memref<!tpu.dma_semaphore, #tpu.memory_space<semaphore_mem>>
        %dma_start3A = arith.constant 0 : i32
        %dma_start3A_33 = tpu.memref_slice %arg4[%arg0, %arg1, %mul3A_27, %dma_start3A] : memref<2x16x160x128xi32, #tpu.memory_space<hbm>> -> memref<1x1x16x128xi32, #tpu.memory_space<hbm>>
        %dma_start3A_34 = tpu.memref_squeeze %dma_start3A_33 : memref<1x1x16x128xi32, #tpu.memory_space<hbm>> -> memref<16x128xi32, #tpu.memory_space<hbm>>
        %dma_start3A_35 = arith.constant 0 : i32
        %dma_start3A_36 = tpu.memref_slice %arg4[%arg0, %arg1, %mul3A_27, %dma_start3A_35] : memref<2x16x160x128xi32, #tpu.memory_space<hbm>> -> memref<1x1x16x128xi32, #tpu.memory_space<hbm>>
        %dma_start3A_37 = tpu.memref_squeeze %dma_start3A_36 : memref<1x1x16x128xi32, #tpu.memory_space<hbm>> -> memref<16x128xi32, #tpu.memory_space<hbm>>
        tpu.enqueue_dma source(%dma_start3A_37 : memref<16x128xi32, #tpu.memory_space<hbm>>) target(%arg7 : memref<16x128xi32, #tpu.memory_space<vmem>>) target_semaphore(%run_scoped3A : memref<!tpu.dma_semaphore, #tpu.memory_space<semaphore_mem>>)
        %dma_wait3A = arith.constant 0 : i32
        %dma_wait3A_38 = tpu.memref_slice %arg4[%arg0, %arg1, %mul3A_27, %dma_wait3A] : memref<2x16x160x128xi32, #tpu.memory_space<hbm>> -> memref<1x1x16x128xi32, #tpu.memory_space<hbm>>
        %dma_wait3A_39 = tpu.memref_squeeze %dma_wait3A_38 : memref<1x1x16x128xi32, #tpu.memory_space<hbm>> -> memref<16x128xi32, #tpu.memory_space<hbm>>
        %dma_wait3A_40 = arith.constant 0 : i32
        %dma_wait3A_41 = tpu.memref_slice %arg4[%arg0, %arg1, %mul3A_27, %dma_wait3A_40] : memref<2x16x160x128xi32, #tpu.memory_space<hbm>> -> memref<1x1x16x128xi32, #tpu.memory_space<hbm>>
        %dma_wait3A_42 = tpu.memref_squeeze %dma_wait3A_41 : memref<1x1x16x128xi32, #tpu.memory_space<hbm>> -> memref<16x128xi32, #tpu.memory_space<hbm>>
        tpu.wait_dma2 semaphore(%run_scoped3A : memref<!tpu.dma_semaphore, #tpu.memory_space<semaphore_mem>>) src(%dma_wait3A_42 : memref<16x128xi32, #tpu.memory_space<hbm>>) dst(%arg7 : memref<16x128xi32, #tpu.memory_space<vmem>>)
        tpu.yield
      }) : () -> ()
      %scan3A_28 = arith.constant 0 : i32
      %scan3A_29 = arith.constant 16 : i32
      %scan3A_30 = arith.addi %scan3A_28, %scan3A_29 : i32
      %scan3A_31 = arith.constant 1 : i32
      scf.for %scan3A_33 = %scan3A_28 to %scan3A_30 step %scan3A_31  : i32 {
        %dma_start3A = arith.constant 0 : i32
        %dma_start3A_34 = tpu.memref_slice %arg6[%scan3A_33, %dma_start3A] : memref<16x128xi32, #tpu.memory_space<vmem>> -> memref<1x128xi32, #tpu.memory_space<vmem>>
        %dma_start3A_35 = tpu.memref_squeeze %dma_start3A_34 : memref<1x128xi32, #tpu.memory_space<vmem>> -> memref<128xi32, #tpu.memory_space<vmem>>
        %dma_start3A_36 = arith.constant 0 : i32
        %dma_start3A_37 = arith.constant 0 : i32
        %dma_start3A_38 = tpu.memref_slice %arg2[%dma_start3A_36, %dma_start3A_37] : memref<10000x128xf32, #tpu.memory_space<hbm>> -> memref<10000x128xf32, #tpu.memory_space<hbm>>
        tpu.enqueue_indirect_dma source(%dma_start3A_38 : memref<10000x128xf32, #tpu.memory_space<hbm>>) target(%arg8 : memref<128x128xf32, #tpu.memory_space<vmem>>) offsets(%dma_start3A_35 : memref<128xi32, #tpu.memory_space<vmem>>) semaphore(%arg11 : memref<!tpu.dma_semaphore, #tpu.memory_space<semaphore_mem>>)
        %dma_wait3A = arith.constant 0 : i32
        %dma_wait3A_39 = tpu.memref_slice %arg6[%scan3A_33, %dma_wait3A] : memref<16x128xi32, #tpu.memory_space<vmem>> -> memref<1x128xi32, #tpu.memory_space<vmem>>
        %dma_wait3A_40 = tpu.memref_squeeze %dma_wait3A_39 : memref<1x128xi32, #tpu.memory_space<vmem>> -> memref<128xi32, #tpu.memory_space<vmem>>
        %dma_wait3A_41 = arith.constant 0 : i32
        %dma_wait3A_42 = arith.constant 0 : i32
        %dma_wait3A_43 = tpu.memref_slice %arg2[%dma_wait3A_41, %dma_wait3A_42] : memref<10000x128xf32, #tpu.memory_space<hbm>> -> memref<10000x128xf32, #tpu.memory_space<hbm>>
        tpu.wait_indirect_dma semaphore(%arg11 : memref<!tpu.dma_semaphore, #tpu.memory_space<semaphore_mem>>) src(%dma_wait3A_43 : memref<10000x128xf32, #tpu.memory_space<hbm>>) dst(%arg8 : memref<128x128xf32, #tpu.memory_space<vmem>>)
        "tpu.region"() ({
          %run_scoped3A = tpu.sem_alloc : memref<!tpu.dma_semaphore, #tpu.memory_space<semaphore_mem>>
          %dma_start3A_44 = arith.constant 0 : i32
          %dma_start3A_45 = tpu.memref_slice %arg7[%scan3A_33, %dma_start3A_44] : memref<16x128xi32, #tpu.memory_space<vmem>> -> memref<1x128xi32, #tpu.memory_space<vmem>>
          %dma_start3A_46 = tpu.memref_squeeze %dma_start3A_45 : memref<1x128xi32, #tpu.memory_space<vmem>> -> memref<128xi32, #tpu.memory_space<vmem>>
          %dma_start3A_47 = arith.constant 0 : i32
          %dma_start3A_48 = arith.constant 0 : i32
          %dma_start3A_49 = tpu.memref_slice %arg10[%dma_start3A_47, %dma_start3A_48] : memref<10240x128xf32, #tpu.memory_space<vmem_shared>> -> memref<10240x128xf32, #tpu.memory_space<vmem_shared>>
          tpu.enqueue_indirect_dma source(%arg8 : memref<128x128xf32, #tpu.memory_space<vmem>>) target(%dma_start3A_49 : memref<10240x128xf32, #tpu.memory_space<vmem_shared>>) offsets(%dma_start3A_46 : memref<128xi32, #tpu.memory_space<vmem>>) semaphore(%run_scoped3A : memref<!tpu.dma_semaphore, #tpu.memory_space<semaphore_mem>>) {add = true}
          %dma_wait3A_50 = arith.constant 0 : i32
          %dma_wait3A_51 = tpu.memref_slice %arg7[%scan3A_33, %dma_wait3A_50] : memref<16x128xi32, #tpu.memory_space<vmem>> -> memref<1x128xi32, #tpu.memory_space<vmem>>
          %dma_wait3A_52 = tpu.memref_squeeze %dma_wait3A_51 : memref<1x128xi32, #tpu.memory_space<vmem>> -> memref<128xi32, #tpu.memory_space<vmem>>
          %dma_wait3A_53 = arith.constant 0 : i32
          %dma_wait3A_54 = arith.constant 0 : i32
          %dma_wait3A_55 = tpu.memref_slice %arg10[%dma_wait3A_53, %dma_wait3A_54] : memref<10240x128xf32, #tpu.memory_space<vmem_shared>> -> memref<10240x128xf32, #tpu.memory_space<vmem_shared>>
          tpu.wait_indirect_dma semaphore(%run_scoped3A : memref<!tpu.dma_semaphore, #tpu.memory_space<semaphore_mem>>) src(%arg8 : memref<128x128xf32, #tpu.memory_space<vmem>>) dst(%dma_wait3A_55 : memref<10240x128xf32, #tpu.memory_space<vmem_shared>>)
          tpu.yield
        }) : () -> ()
      }
      %scan3A_32 = arith.constant 16 : i32
    }
    %scan3A_16 = arith.constant 10 : i32
    %barrier3A_17 = arith.constant 0 : index
    tpu.barrier barrier_id(%barrier3A_17)
    %scan3A_18 = arith.constant 0 : i32
    %scan3A_19 = arith.constant 0 : i32
    %scan3A_20 = arith.constant 10 : i32
    %scan3A_21 = arith.addi %scan3A_19, %scan3A_20 : i32
    %scan3A_22 = arith.constant 1 : i32
    scf.for %scan3A_24 = %scan3A_19 to %scan3A_21 step %scan3A_22  : i32 {
      %mul3A = arith.constant 640 : i32
      %mul3A_25 = arith.muli %arg1, %mul3A : i32
      %mul3A_26 = arith.constant 64 : i32
      %mul3A_27 = arith.muli %scan3A_24, %mul3A_26 : i32
      %add3A = arith.addi %mul3A_25, %mul3A_27 : i32
      "tpu.region"() ({
        %run_scoped3A = tpu.sem_alloc : memref<!tpu.dma_semaphore, #tpu.memory_space<semaphore_mem>>
        %dma_start3A = arith.constant 0 : i32
        %dma_start3A_28 = tpu.memref_slice %arg10[%add3A, %dma_start3A] : memref<10240x128xf32, #tpu.memory_space<vmem_shared>> -> memref<64x128xf32, #tpu.memory_space<vmem_shared>>
        %dma_start3A_29 = arith.constant 0 : i32
        %dma_start3A_30 = tpu.memref_slice %arg10[%add3A, %dma_start3A_29] : memref<10240x128xf32, #tpu.memory_space<vmem_shared>> -> memref<64x128xf32, #tpu.memory_space<vmem_shared>>
        tpu.enqueue_dma source(%dma_start3A_30 : memref<64x128xf32, #tpu.memory_space<vmem_shared>>) target(%arg9 : memref<64x128xf32, #tpu.memory_space<vmem>>) target_semaphore(%run_scoped3A : memref<!tpu.dma_semaphore, #tpu.memory_space<semaphore_mem>>)
        %dma_wait3A = arith.constant 0 : i32
        %dma_wait3A_31 = tpu.memref_slice %arg10[%add3A, %dma_wait3A] : memref<10240x128xf32, #tpu.memory_space<vmem_shared>> -> memref<64x128xf32, #tpu.memory_space<vmem_shared>>
        %dma_wait3A_32 = arith.constant 0 : i32
        %dma_wait3A_33 = tpu.memref_slice %arg10[%add3A, %dma_wait3A_32] : memref<10240x128xf32, #tpu.memory_space<vmem_shared>> -> memref<64x128xf32, #tpu.memory_space<vmem_shared>>
        tpu.wait_dma2 semaphore(%run_scoped3A : memref<!tpu.dma_semaphore, #tpu.memory_space<semaphore_mem>>) src(%dma_wait3A_33 : memref<64x128xf32, #tpu.memory_space<vmem_shared>>) dst(%arg9 : memref<64x128xf32, #tpu.memory_space<vmem>>)
        tpu.yield
      }) : () -> ()
      "tpu.region"() ({
        %run_scoped3A = tpu.sem_alloc : memref<!tpu.dma_semaphore, #tpu.memory_space<semaphore_mem>>
        %dma_start3A = arith.constant 0 : i32
        %dma_start3A_28 = tpu.memref_slice %arg5[%arg0, %add3A, %dma_start3A] : memref<2x10240x128xf32, #tpu.memory_space<hbm>> -> memref<1x64x128xf32, #tpu.memory_space<hbm>>
        %dma_start3A_29 = tpu.memref_squeeze %dma_start3A_28 : memref<1x64x128xf32, #tpu.memory_space<hbm>> -> memref<64x128xf32, #tpu.memory_space<hbm>>
        %dma_start3A_30 = arith.constant 0 : i32
        %dma_start3A_31 = tpu.memref_slice %arg5[%arg0, %add3A, %dma_start3A_30] : memref<2x10240x128xf32, #tpu.memory_space<hbm>> -> memref<1x64x128xf32, #tpu.memory_space<hbm>>
        %dma_start3A_32 = tpu.memref_squeeze %dma_start3A_31 : memref<1x64x128xf32, #tpu.memory_space<hbm>> -> memref<64x128xf32, #tpu.memory_space<hbm>>
        tpu.enqueue_dma source(%arg9 : memref<64x128xf32, #tpu.memory_space<vmem>>) target(%dma_start3A_32 : memref<64x128xf32, #tpu.memory_space<hbm>>) target_semaphore(%run_scoped3A : memref<!tpu.dma_semaphore, #tpu.memory_space<semaphore_mem>>)
        %dma_wait3A = arith.constant 0 : i32
        %dma_wait3A_33 = tpu.memref_slice %arg5[%arg0, %add3A, %dma_wait3A] : memref<2x10240x128xf32, #tpu.memory_space<hbm>> -> memref<1x64x128xf32, #tpu.memory_space<hbm>>
        %dma_wait3A_34 = tpu.memref_squeeze %dma_wait3A_33 : memref<1x64x128xf32, #tpu.memory_space<hbm>> -> memref<64x128xf32, #tpu.memory_space<hbm>>
        %dma_wait3A_35 = arith.constant 0 : i32
        %dma_wait3A_36 = tpu.memref_slice %arg5[%arg0, %add3A, %dma_wait3A_35] : memref<2x10240x128xf32, #tpu.memory_space<hbm>> -> memref<1x64x128xf32, #tpu.memory_space<hbm>>
        %dma_wait3A_37 = tpu.memref_squeeze %dma_wait3A_36 : memref<1x64x128xf32, #tpu.memory_space<hbm>> -> memref<64x128xf32, #tpu.memory_space<hbm>>
        tpu.wait_dma2 semaphore(%run_scoped3A : memref<!tpu.dma_semaphore, #tpu.memory_space<semaphore_mem>>) src(%arg9 : memref<64x128xf32, #tpu.memory_space<vmem>>) dst(%dma_wait3A_37 : memref<64x128xf32, #tpu.memory_space<hbm>>)
        tpu.yield
      }) : () -> ()
    }
    %scan3A_23 = arith.constant 10 : i32
    return
  }
}

module attributes {stable_mosaic.version = 14 : i64} {
  func.func @body(%arg0: memref<10000x128xf32, #tpu.memory_space<vmem>>, %arg1: memref<128x128xf32, #tpu.memory_space<vmem>>, %arg2: memref<1x128xf32, #tpu.memory_space<vmem>>, %arg3: memref<10000x128xf32, #tpu.memory_space<vmem>>) attributes {dimension_semantics = [], scalar_prefetch = 0 : i64, scratch_operands = 0 : i64, tpu.core_type = #tpu.core_type<tc>} {
    %get3A = arith.constant 0 : index
    %get3A_0 = arith.constant 0 : index
    %get3A_1 = vector.load %arg0[%get3A, %get3A_0] : memref<10000x128xf32, #tpu.memory_space<vmem>>, vector<10000x128xf32>
    %get3A_2 = arith.constant 0 : index
    %get3A_3 = arith.constant 0 : index
    %get3A_4 = vector.load %arg1[%get3A_2, %get3A_3] : memref<128x128xf32, #tpu.memory_space<vmem>>, vector<128x128xf32>
    %dot_general3A = arith.constant dense<0.000000e+00> : vector<10000x128xf32>
    %dot_general3A_5 = tpu.matmul %get3A_1, %get3A_4, %dot_general3A {dimension_numbers = #tpu.dot_dimension_numbers<[1], [0], [0], [1], [0, 0, 1, 1], [], []>, transpose_lhs_hint = false} : vector<10000x128xf32>, vector<128x128xf32>, vector<10000x128xf32> -> vector<10000x128xf32>
    %get3A_6 = arith.constant 0 : index
    %get3A_7 = arith.constant 0 : index
    %get3A_8 = vector.load %arg2[%get3A_6, %get3A_7] : memref<1x128xf32, #tpu.memory_space<vmem>>, vector<1x128xf32>
    %add3A = vector.broadcast %get3A_8 : vector<1x128xf32> to vector<10000x128xf32>
    %add3A_9 = arith.addf %dot_general3A_5, %add3A : vector<10000x128xf32>
    %swap3A = arith.constant 0 : index
    %swap3A_10 = arith.constant 0 : index
    %swap3A_11 = vector.load %arg3[%swap3A, %swap3A_10] : memref<10000x128xf32, #tpu.memory_space<vmem>>, vector<10000x128xf32>
    tpu.vector_store %arg3[%swap3A, %swap3A_10], %add3A_9 {strides = array<i32>} : memref<10000x128xf32, #tpu.memory_space<vmem>>, vector<10000x128xf32>,
    return
  }
}

module attributes {stable_mosaic.version = 14 : i64} {
  func.func @body(%arg0: memref<10000x128xf32, #tpu.memory_space<vmem>>, %arg1: memref<2x10240x128xf32, #tpu.memory_space<vmem>>, %arg2: memref<128x128xf32, #tpu.memory_space<vmem>>, %arg3: memref<1x128xf32, #tpu.memory_space<vmem>>, %arg4: memref<1x128xf32, #tpu.memory_space<vmem>>, %arg5: memref<1x128xf32, #tpu.memory_space<vmem>>, %arg6: memref<128x128xf32, #tpu.memory_space<vmem>>, %arg7: memref<1x128xf32, #tpu.memory_space<vmem>>, %arg8: memref<128x128xf32, #tpu.memory_space<vmem>>, %arg9: memref<1x128xf32, #tpu.memory_space<vmem>>, %arg10: memref<1x128xf32, #tpu.memory_space<vmem>>, %arg11: memref<1x128xf32, #tpu.memory_space<vmem>>, %arg12: memref<128x128xf32, #tpu.memory_space<vmem>>, %arg13: memref<1x128xf32, #tpu.memory_space<vmem>>, %arg14: memref<1x128xf32, #tpu.memory_space<vmem>>, %arg15: memref<1x128xf32, #tpu.memory_space<vmem>>, %arg16: memref<10000x128xf32, #tpu.memory_space<vmem>>) attributes {dimension_semantics = [], scalar_prefetch = 0 : i64, scratch_operands = 0 : i64, tpu.core_type = #tpu.core_type<tc>} {
    %get3A = arith.constant 0 : index
    %get3A_0 = arith.constant 0 : index
    %get3A_1 = vector.load %arg0[%get3A, %get3A_0] : memref<10000x128xf32, #tpu.memory_space<vmem>>, vector<10000x128xf32>
    %get3A_2 = arith.constant 0 : index
    %get3A_3 = arith.constant 0 : index
    %get3A_4 = arith.constant 0 : index
    %get3A_5 = vector.load %arg1[%get3A_2, %get3A_3, %get3A_4] : memref<2x10240x128xf32, #tpu.memory_space<vmem>>, vector<1x10000x128xf32>
    %get3A_6 = vector.shape_cast %get3A_5 : vector<1x10000x128xf32> to vector<10000x128xf32>
    %get3A_7 = arith.constant 0 : index
    %get3A_8 = arith.constant 0 : index
    %get3A_9 = vector.load %arg2[%get3A_7, %get3A_8] : memref<128x128xf32, #tpu.memory_space<vmem>>, vector<128x128xf32>
    %get3A_10 = arith.constant 0 : index
    %get3A_11 = arith.constant 0 : index
    %get3A_12 = vector.load %arg3[%get3A_10, %get3A_11] : memref<1x128xf32, #tpu.memory_space<vmem>>, vector<1x128xf32>
    %get3A_13 = arith.constant 0 : index
    %get3A_14 = arith.constant 0 : index
    %get3A_15 = vector.load %arg4[%get3A_13, %get3A_14] : memref<1x128xf32, #tpu.memory_space<vmem>>, vector<1x128xf32>
    %get3A_16 = arith.constant 0 : index
    %get3A_17 = arith.constant 0 : index
    %get3A_18 = vector.load %arg5[%get3A_16, %get3A_17] : memref<1x128xf32, #tpu.memory_space<vmem>>, vector<1x128xf32>
    %get3A_19 = arith.constant 0 : index
    %get3A_20 = arith.constant 0 : index
    %get3A_21 = vector.load %arg6[%get3A_19, %get3A_20] : memref<128x128xf32, #tpu.memory_space<vmem>>, vector<128x128xf32>
    %get3A_22 = arith.constant 0 : index
    %get3A_23 = arith.constant 0 : index
    %get3A_24 = vector.load %arg7[%get3A_22, %get3A_23] : memref<1x128xf32, #tpu.memory_space<vmem>>, vector<1x128xf32>
    %add3A = arith.addf %get3A_1, %get3A_6 : vector<10000x128xf32>
    %dot_general3A = arith.constant dense<0.000000e+00> : vector<10000x128xf32>
    %dot_general3A_25 = tpu.matmul %add3A, %get3A_9, %dot_general3A {dimension_numbers = #tpu.dot_dimension_numbers<[1], [0], [0], [1], [0, 0, 1, 1], [], []>, transpose_lhs_hint = false} : vector<10000x128xf32>, vector<128x128xf32>, vector<10000x128xf32> -> vector<10000x128xf32>
    %add3A_26 = vector.broadcast %get3A_12 : vector<1x128xf32> to vector<10000x128xf32>
    %add3A_27 = arith.addf %dot_general3A_25, %add3A_26 : vector<10000x128xf32>
    %reduce_sum3A = arith.constant dense<0.000000e+00> : vector<128xf32>
    %reduce_sum3A_28 = vector.multi_reduction <add>, %add3A_27, %reduce_sum3A [0] : vector<10000x128xf32> to vector<128xf32>
    %div3A = arith.constant 1.000000e+04 : f32
    %div3A_29 = vector.broadcast %div3A : f32 to vector<128xf32>
    %div3A_30 = arith.divf %reduce_sum3A_28, %div3A_29 : vector<128xf32>
    %jit3A = arith.constant 0 : i32
    %reduce_sum3A_31 = arith.constant dense<0.000000e+00> : vector<128xf32>
    %reduce_sum3A_32 = vector.multi_reduction <add>, %add3A_27, %reduce_sum3A_31 [0] : vector<10000x128xf32> to vector<128xf32>
    %broadcast_in_dim3A = vector.shape_cast %reduce_sum3A_32 : vector<128xf32> to vector<1x128xf32>
    %div3A_33 = arith.constant 1.000000e+04 : f32
    %div3A_34 = vector.broadcast %div3A_33 : f32 to vector<1x128xf32>
    %div3A_35 = arith.divf %broadcast_in_dim3A, %div3A_34 : vector<1x128xf32>
    %sub3A = vector.broadcast %div3A_35 : vector<1x128xf32> to vector<10000x128xf32>
    %sub3A_36 = arith.subf %add3A_27, %sub3A : vector<10000x128xf32>
    %square3A = arith.mulf %sub3A_36, %sub3A_36 : vector<10000x128xf32>
    %convert_element_type3A = arith.sitofp %jit3A : i32 to f32
    %sub3A_37 = arith.constant 1.000000e+04 : f32
    %sub3A_38 = arith.subf %sub3A_37, %convert_element_type3A : f32
    %reduce_sum3A_39 = arith.constant dense<0.000000e+00> : vector<128xf32>
    %reduce_sum3A_40 = vector.multi_reduction <add>, %square3A, %reduce_sum3A_39 [0] : vector<10000x128xf32> to vector<128xf32>
    %div3A_41 = vector.broadcast %sub3A_38 : f32 to vector<128xf32>
    %div3A_42 = arith.divf %reduce_sum3A_40, %div3A_41 : vector<128xf32>
    %gt3A = arith.constant 0.000000e+00 : f32
    %gt3A_43 = arith.cmpf ogt, %sub3A_38, %gt3A : f32
    %jit3A_44 = arith.constant 0x7FC00000 : f32
    %broadcast_in_dim3A_45 = vector.broadcast %jit3A_44 : f32 to vector<128xf32>
    %select_n3A = arith.select %gt3A_43, %div3A_42, %broadcast_in_dim3A_45 : vector<128xf32>
    %broadcast_in_dim3A_46 = vector.shape_cast %div3A_30 : vector<128xf32> to vector<1x128xf32>
    %sub3A_47 = vector.broadcast %broadcast_in_dim3A_46 : vector<1x128xf32> to vector<10000x128xf32>
    %sub3A_48 = arith.subf %add3A_27, %sub3A_47 : vector<10000x128xf32>
    %add3A_49 = arith.constant 9.99999974E-6 : f32
    %add3A_50 = vector.broadcast %add3A_49 : f32 to vector<128xf32>
    %add3A_51 = arith.addf %select_n3A, %add3A_50 : vector<128xf32>
    %sqrt3A = math.sqrt %add3A_51 : vector<128xf32>
    %broadcast_in_dim3A_52 = vector.shape_cast %sqrt3A : vector<128xf32> to vector<1x128xf32>
    %div3A_53 = vector.broadcast %broadcast_in_dim3A_52 : vector<1x128xf32> to vector<10000x128xf32>
    %div3A_54 = arith.divf %sub3A_48, %div3A_53 : vector<10000x128xf32>
    %mul3A = vector.broadcast %get3A_15 : vector<1x128xf32> to vector<10000x128xf32>
    %mul3A_55 = arith.mulf %div3A_54, %mul3A : vector<10000x128xf32>
    %add3A_56 = vector.broadcast %get3A_18 : vector<1x128xf32> to vector<10000x128xf32>
    %add3A_57 = arith.addf %mul3A_55, %add3A_56 : vector<10000x128xf32>
    %max3A = arith.constant 0.000000e+00 : f32
    %max3A_58 = vector.broadcast %max3A : f32 to vector<10000x128xf32>
    %max3A_59 = arith.maximumf %add3A_57, %max3A_58 : vector<10000x128xf32>
    %dot_general3A_60 = arith.constant dense<0.000000e+00> : vector<10000x128xf32>
    %dot_general3A_61 = tpu.matmul %max3A_59, %get3A_21, %dot_general3A_60 {dimension_numbers = #tpu.dot_dimension_numbers<[1], [0], [0], [1], [0, 0, 1, 1], [], []>, transpose_lhs_hint = false} : vector<10000x128xf32>, vector<128x128xf32>, vector<10000x128xf32> -> vector<10000x128xf32>
    %add3A_62 = vector.broadcast %get3A_24 : vector<1x128xf32> to vector<10000x128xf32>
    %add3A_63 = arith.addf %dot_general3A_61, %add3A_62 : vector<10000x128xf32>
    %get3A_64 = arith.constant 1 : index
    %get3A_65 = arith.constant 0 : index
    %get3A_66 = arith.constant 0 : index
    %get3A_67 = vector.load %arg1[%get3A_64, %get3A_65, %get3A_66] : memref<2x10240x128xf32, #tpu.memory_space<vmem>>, vector<1x10000x128xf32>
    %get3A_68 = vector.shape_cast %get3A_67 : vector<1x10000x128xf32> to vector<10000x128xf32>
    %get3A_69 = arith.constant 0 : index
    %get3A_70 = arith.constant 0 : index
    %get3A_71 = vector.load %arg8[%get3A_69, %get3A_70] : memref<128x128xf32, #tpu.memory_space<vmem>>, vector<128x128xf32>
    %get3A_72 = arith.constant 0 : index
    %get3A_73 = arith.constant 0 : index
    %get3A_74 = vector.load %arg9[%get3A_72, %get3A_73] : memref<1x128xf32, #tpu.memory_space<vmem>>, vector<1x128xf32>
    %get3A_75 = arith.constant 0 : index
    %get3A_76 = arith.constant 0 : index
    %get3A_77 = vector.load %arg10[%get3A_75, %get3A_76] : memref<1x128xf32, #tpu.memory_space<vmem>>, vector<1x128xf32>
    %get3A_78 = arith.constant 0 : index
    %get3A_79 = arith.constant 0 : index
    %get3A_80 = vector.load %arg11[%get3A_78, %get3A_79] : memref<1x128xf32, #tpu.memory_space<vmem>>, vector<1x128xf32>
    %get3A_81 = arith.constant 0 : index
    %get3A_82 = arith.constant 0 : index
    %get3A_83 = vector.load %arg12[%get3A_81, %get3A_82] : memref<128x128xf32, #tpu.memory_space<vmem>>, vector<128x128xf32>
    %get3A_84 = arith.constant 0 : index
    %get3A_85 = arith.constant 0 : index
    %get3A_86 = vector.load %arg13[%get3A_84, %get3A_85] : memref<1x128xf32, #tpu.memory_space<vmem>>, vector<1x128xf32>
    %add3A_87 = arith.addf %get3A_1, %get3A_68 : vector<10000x128xf32>
    %dot_general3A_88 = arith.constant dense<0.000000e+00> : vector<10000x128xf32>
    %dot_general3A_89 = tpu.matmul %add3A_87, %get3A_71, %dot_general3A_88 {dimension_numbers = #tpu.dot_dimension_numbers<[1], [0], [0], [1], [0, 0, 1, 1], [], []>, transpose_lhs_hint = false} : vector<10000x128xf32>, vector<128x128xf32>, vector<10000x128xf32> -> vector<10000x128xf32>
    %add3A_90 = vector.broadcast %get3A_74 : vector<1x128xf32> to vector<10000x128xf32>
    %add3A_91 = arith.addf %dot_general3A_89, %add3A_90 : vector<10000x128xf32>
    %reduce_sum3A_92 = arith.constant dense<0.000000e+00> : vector<128xf32>
    %reduce_sum3A_93 = vector.multi_reduction <add>, %add3A_91, %reduce_sum3A_92 [0] : vector<10000x128xf32> to vector<128xf32>
    %div3A_94 = arith.constant 1.000000e+04 : f32
    %div3A_95 = vector.broadcast %div3A_94 : f32 to vector<128xf32>
    %div3A_96 = arith.divf %reduce_sum3A_93, %div3A_95 : vector<128xf32>
    %jit3A_97 = arith.constant 0 : i32
    %reduce_sum3A_98 = arith.constant dense<0.000000e+00> : vector<128xf32>
    %reduce_sum3A_99 = vector.multi_reduction <add>, %add3A_91, %reduce_sum3A_98 [0] : vector<10000x128xf32> to vector<128xf32>
    %broadcast_in_dim3A_100 = vector.shape_cast %reduce_sum3A_99 : vector<128xf32> to vector<1x128xf32>
    %div3A_101 = arith.constant 1.000000e+04 : f32
    %div3A_102 = vector.broadcast %div3A_101 : f32 to vector<1x128xf32>
    %div3A_103 = arith.divf %broadcast_in_dim3A_100, %div3A_102 : vector<1x128xf32>
    %sub3A_104 = vector.broadcast %div3A_103 : vector<1x128xf32> to vector<10000x128xf32>
    %sub3A_105 = arith.subf %add3A_91, %sub3A_104 : vector<10000x128xf32>
    %square3A_106 = arith.mulf %sub3A_105, %sub3A_105 : vector<10000x128xf32>
    %convert_element_type3A_107 = arith.sitofp %jit3A_97 : i32 to f32
    %sub3A_108 = arith.constant 1.000000e+04 : f32
    %sub3A_109 = arith.subf %sub3A_108, %convert_element_type3A_107 : f32
    %reduce_sum3A_110 = arith.constant dense<0.000000e+00> : vector<128xf32>
    %reduce_sum3A_111 = vector.multi_reduction <add>, %square3A_106, %reduce_sum3A_110 [0] : vector<10000x128xf32> to vector<128xf32>
    %div3A_112 = vector.broadcast %sub3A_109 : f32 to vector<128xf32>
    %div3A_113 = arith.divf %reduce_sum3A_111, %div3A_112 : vector<128xf32>
    %gt3A_114 = arith.constant 0.000000e+00 : f32
    %gt3A_115 = arith.cmpf ogt, %sub3A_109, %gt3A_114 : f32
    %jit3A_116 = arith.constant 0x7FC00000 : f32
    %broadcast_in_dim3A_117 = vector.broadcast %jit3A_116 : f32 to vector<128xf32>
    %select_n3A_118 = arith.select %gt3A_115, %div3A_113, %broadcast_in_dim3A_117 : vector<128xf32>
    %broadcast_in_dim3A_119 = vector.shape_cast %div3A_96 : vector<128xf32> to vector<1x128xf32>
    %sub3A_120 = vector.broadcast %broadcast_in_dim3A_119 : vector<1x128xf32> to vector<10000x128xf32>
    %sub3A_121 = arith.subf %add3A_91, %sub3A_120 : vector<10000x128xf32>
    %add3A_122 = arith.constant 9.99999974E-6 : f32
    %add3A_123 = vector.broadcast %add3A_122 : f32 to vector<128xf32>
    %add3A_124 = arith.addf %select_n3A_118, %add3A_123 : vector<128xf32>
    %sqrt3A_125 = math.sqrt %add3A_124 : vector<128xf32>
    %broadcast_in_dim3A_126 = vector.shape_cast %sqrt3A_125 : vector<128xf32> to vector<1x128xf32>
    %div3A_127 = vector.broadcast %broadcast_in_dim3A_126 : vector<1x128xf32> to vector<10000x128xf32>
    %div3A_128 = arith.divf %sub3A_121, %div3A_127 : vector<10000x128xf32>
    %mul3A_129 = vector.broadcast %get3A_77 : vector<1x128xf32> to vector<10000x128xf32>
    %mul3A_130 = arith.mulf %div3A_128, %mul3A_129 : vector<10000x128xf32>
    %add3A_131 = vector.broadcast %get3A_80 : vector<1x128xf32> to vector<10000x128xf32>
    %add3A_132 = arith.addf %mul3A_130, %add3A_131 : vector<10000x128xf32>
    %max3A_133 = arith.constant 0.000000e+00 : f32
    %max3A_134 = vector.broadcast %max3A_133 : f32 to vector<10000x128xf32>
    %max3A_135 = arith.maximumf %add3A_132, %max3A_134 : vector<10000x128xf32>
    %dot_general3A_136 = arith.constant dense<0.000000e+00> : vector<10000x128xf32>
    %dot_general3A_137 = tpu.matmul %max3A_135, %get3A_83, %dot_general3A_136 {dimension_numbers = #tpu.dot_dimension_numbers<[1], [0], [0], [1], [0, 0, 1, 1], [], []>, transpose_lhs_hint = false} : vector<10000x128xf32>, vector<128x128xf32>, vector<10000x128xf32> -> vector<10000x128xf32>
    %add3A_138 = vector.broadcast %get3A_86 : vector<1x128xf32> to vector<10000x128xf32>
    %add3A_139 = arith.addf %dot_general3A_137, %add3A_138 : vector<10000x128xf32>
    %add3A_140 = arith.addf %add3A_63, %add3A_139 : vector<10000x128xf32>
    %get3A_141 = arith.constant 0 : index
    %get3A_142 = arith.constant 0 : index
    %get3A_143 = vector.load %arg14[%get3A_141, %get3A_142] : memref<1x128xf32, #tpu.memory_space<vmem>>, vector<1x128xf32>
    %get3A_144 = arith.constant 0 : index
    %get3A_145 = arith.constant 0 : index
    %get3A_146 = vector.load %arg15[%get3A_144, %get3A_145] : memref<1x128xf32, #tpu.memory_space<vmem>>, vector<1x128xf32>
    %reduce_sum3A_147 = arith.constant dense<0.000000e+00> : vector<128xf32>
    %reduce_sum3A_148 = vector.multi_reduction <add>, %add3A_140, %reduce_sum3A_147 [0] : vector<10000x128xf32> to vector<128xf32>
    %div3A_149 = arith.constant 1.000000e+04 : f32
    %div3A_150 = vector.broadcast %div3A_149 : f32 to vector<128xf32>
    %div3A_151 = arith.divf %reduce_sum3A_148, %div3A_150 : vector<128xf32>
    %jit3A_152 = arith.constant 0 : i32
    %reduce_sum3A_153 = arith.constant dense<0.000000e+00> : vector<128xf32>
    %reduce_sum3A_154 = vector.multi_reduction <add>, %add3A_140, %reduce_sum3A_153 [0] : vector<10000x128xf32> to vector<128xf32>
    %broadcast_in_dim3A_155 = vector.shape_cast %reduce_sum3A_154 : vector<128xf32> to vector<1x128xf32>
    %div3A_156 = arith.constant 1.000000e+04 : f32
    %div3A_157 = vector.broadcast %div3A_156 : f32 to vector<1x128xf32>
    %div3A_158 = arith.divf %broadcast_in_dim3A_155, %div3A_157 : vector<1x128xf32>
    %sub3A_159 = vector.broadcast %div3A_158 : vector<1x128xf32> to vector<10000x128xf32>
    %sub3A_160 = arith.subf %add3A_140, %sub3A_159 : vector<10000x128xf32>
    %square3A_161 = arith.mulf %sub3A_160, %sub3A_160 : vector<10000x128xf32>
    %convert_element_type3A_162 = arith.sitofp %jit3A_152 : i32 to f32
    %sub3A_163 = arith.constant 1.000000e+04 : f32
    %sub3A_164 = arith.subf %sub3A_163, %convert_element_type3A_162 : f32
    %reduce_sum3A_165 = arith.constant dense<0.000000e+00> : vector<128xf32>
    %reduce_sum3A_166 = vector.multi_reduction <add>, %square3A_161, %reduce_sum3A_165 [0] : vector<10000x128xf32> to vector<128xf32>
    %div3A_167 = vector.broadcast %sub3A_164 : f32 to vector<128xf32>
    %div3A_168 = arith.divf %reduce_sum3A_166, %div3A_167 : vector<128xf32>
    %gt3A_169 = arith.constant 0.000000e+00 : f32
    %gt3A_170 = arith.cmpf ogt, %sub3A_164, %gt3A_169 : f32
    %jit3A_171 = arith.constant 0x7FC00000 : f32
    %broadcast_in_dim3A_172 = vector.broadcast %jit3A_171 : f32 to vector<128xf32>
    %select_n3A_173 = arith.select %gt3A_170, %div3A_168, %broadcast_in_dim3A_172 : vector<128xf32>
    %broadcast_in_dim3A_174 = vector.shape_cast %div3A_151 : vector<128xf32> to vector<1x128xf32>
    %sub3A_175 = vector.broadcast %broadcast_in_dim3A_174 : vector<1x128xf32> to vector<10000x128xf32>
    %sub3A_176 = arith.subf %add3A_140, %sub3A_175 : vector<10000x128xf32>
    %add3A_177 = arith.constant 9.99999974E-6 : f32
    %add3A_178 = vector.broadcast %add3A_177 : f32 to vector<128xf32>
    %add3A_179 = arith.addf %select_n3A_173, %add3A_178 : vector<128xf32>
    %sqrt3A_180 = math.sqrt %add3A_179 : vector<128xf32>
    %broadcast_in_dim3A_181 = vector.shape_cast %sqrt3A_180 : vector<128xf32> to vector<1x128xf32>
    %div3A_182 = vector.broadcast %broadcast_in_dim3A_181 : vector<1x128xf32> to vector<10000x128xf32>
    %div3A_183 = arith.divf %sub3A_176, %div3A_182 : vector<10000x128xf32>
    %mul3A_184 = vector.broadcast %get3A_143 : vector<1x128xf32> to vector<10000x128xf32>
    %mul3A_185 = arith.mulf %div3A_183, %mul3A_184 : vector<10000x128xf32>
    %add3A_186 = vector.broadcast %get3A_146 : vector<1x128xf32> to vector<10000x128xf32>
    %add3A_187 = arith.addf %mul3A_185, %add3A_186 : vector<10000x128xf32>
    %max3A_188 = arith.constant 0.000000e+00 : f32
    %max3A_189 = vector.broadcast %max3A_188 : f32 to vector<10000x128xf32>
    %max3A_190 = arith.maximumf %add3A_187, %max3A_189 : vector<10000x128xf32>
    %swap3A = arith.constant 0 : index
    %swap3A_191 = arith.constant 0 : index
    %swap3A_192 = vector.load %arg16[%swap3A, %swap3A_191] : memref<10000x128xf32, #tpu.memory_space<vmem>>, vector<10000x128xf32>
    tpu.vector_store %arg16[%swap3A, %swap3A_191], %max3A_190 {strides = array<i32>} : memref<10000x128xf32, #tpu.memory_space<vmem>>, vector<10000x128xf32>,
    return
  }
}

module attributes {stable_mosaic.version = 14 : i64} {
  func.func @body(%arg0: memref<10000x128xf32, #tpu.memory_space<vmem>>, %arg1: memref<2x10240x128xf32, #tpu.memory_space<vmem>>, %arg2: memref<128x128xf32, #tpu.memory_space<vmem>>, %arg3: memref<1x128xf32, #tpu.memory_space<vmem>>, %arg4: memref<1x128xf32, #tpu.memory_space<vmem>>, %arg5: memref<1x128xf32, #tpu.memory_space<vmem>>, %arg6: memref<128x128xf32, #tpu.memory_space<vmem>>, %arg7: memref<1x128xf32, #tpu.memory_space<vmem>>, %arg8: memref<128x128xf32, #tpu.memory_space<vmem>>, %arg9: memref<1x128xf32, #tpu.memory_space<vmem>>, %arg10: memref<1x128xf32, #tpu.memory_space<vmem>>, %arg11: memref<1x128xf32, #tpu.memory_space<vmem>>, %arg12: memref<128x128xf32, #tpu.memory_space<vmem>>, %arg13: memref<1x128xf32, #tpu.memory_space<vmem>>, %arg14: memref<1x128xf32, #tpu.memory_space<vmem>>, %arg15: memref<1x128xf32, #tpu.memory_space<vmem>>, %arg16: memref<1x10000xi32, #tpu.memory_space<vmem>>, %arg17: memref<128x128xf32, #tpu.memory_space<vmem>>, %arg18: memref<1x128xf32, #tpu.memory_space<vmem>>, %arg19: memref<1x128xf32, #tpu.memory_space<vmem>>, %arg20: memref<1x128xf32, #tpu.memory_space<vmem>>, %arg21: memref<128x2xf32, #tpu.memory_space<vmem>>, %arg22: memref<1x2xf32, #tpu.memory_space<vmem>>, %arg23: memref<64x2xf32, #tpu.memory_space<vmem>>) attributes {dimension_semantics = [], scalar_prefetch = 0 : i64, scratch_operands = 0 : i64, tpu.core_type = #tpu.core_type<tc>} {
    %get3A = arith.constant 0 : index
    %get3A_0 = arith.constant 0 : index
    %get3A_1 = vector.load %arg0[%get3A, %get3A_0] : memref<10000x128xf32, #tpu.memory_space<vmem>>, vector<10000x128xf32>
    %get3A_2 = arith.constant 0 : index
    %get3A_3 = arith.constant 0 : index
    %get3A_4 = arith.constant 0 : index
    %get3A_5 = vector.load %arg1[%get3A_2, %get3A_3, %get3A_4] : memref<2x10240x128xf32, #tpu.memory_space<vmem>>, vector<1x10000x128xf32>
    %get3A_6 = vector.shape_cast %get3A_5 : vector<1x10000x128xf32> to vector<10000x128xf32>
    %get3A_7 = arith.constant 0 : index
    %get3A_8 = arith.constant 0 : index
    %get3A_9 = vector.load %arg2[%get3A_7, %get3A_8] : memref<128x128xf32, #tpu.memory_space<vmem>>, vector<128x128xf32>
    %get3A_10 = arith.constant 0 : index
    %get3A_11 = arith.constant 0 : index
    %get3A_12 = vector.load %arg3[%get3A_10, %get3A_11] : memref<1x128xf32, #tpu.memory_space<vmem>>, vector<1x128xf32>
    %get3A_13 = arith.constant 0 : index
    %get3A_14 = arith.constant 0 : index
    %get3A_15 = vector.load %arg4[%get3A_13, %get3A_14] : memref<1x128xf32, #tpu.memory_space<vmem>>, vector<1x128xf32>
    %get3A_16 = arith.constant 0 : index
    %get3A_17 = arith.constant 0 : index
    %get3A_18 = vector.load %arg5[%get3A_16, %get3A_17] : memref<1x128xf32, #tpu.memory_space<vmem>>, vector<1x128xf32>
    %get3A_19 = arith.constant 0 : index
    %get3A_20 = arith.constant 0 : index
    %get3A_21 = vector.load %arg6[%get3A_19, %get3A_20] : memref<128x128xf32, #tpu.memory_space<vmem>>, vector<128x128xf32>
    %get3A_22 = arith.constant 0 : index
    %get3A_23 = arith.constant 0 : index
    %get3A_24 = vector.load %arg7[%get3A_22, %get3A_23] : memref<1x128xf32, #tpu.memory_space<vmem>>, vector<1x128xf32>
    %add3A = arith.addf %get3A_1, %get3A_6 : vector<10000x128xf32>
    %dot_general3A = arith.constant dense<0.000000e+00> : vector<10000x128xf32>
    %dot_general3A_25 = tpu.matmul %add3A, %get3A_9, %dot_general3A {dimension_numbers = #tpu.dot_dimension_numbers<[1], [0], [0], [1], [0, 0, 1, 1], [], []>, transpose_lhs_hint = false} : vector<10000x128xf32>, vector<128x128xf32>, vector<10000x128xf32> -> vector<10000x128xf32>
    %add3A_26 = vector.broadcast %get3A_12 : vector<1x128xf32> to vector<10000x128xf32>
    %add3A_27 = arith.addf %dot_general3A_25, %add3A_26 : vector<10000x128xf32>
    %reduce_sum3A = arith.constant dense<0.000000e+00> : vector<128xf32>
    %reduce_sum3A_28 = vector.multi_reduction <add>, %add3A_27, %reduce_sum3A [0] : vector<10000x128xf32> to vector<128xf32>
    %div3A = arith.constant 1.000000e+04 : f32
    %div3A_29 = vector.broadcast %div3A : f32 to vector<128xf32>
    %div3A_30 = arith.divf %reduce_sum3A_28, %div3A_29 : vector<128xf32>
    %jit3A = arith.constant 0 : i32
    %reduce_sum3A_31 = arith.constant dense<0.000000e+00> : vector<128xf32>
    %reduce_sum3A_32 = vector.multi_reduction <add>, %add3A_27, %reduce_sum3A_31 [0] : vector<10000x128xf32> to vector<128xf32>
    %broadcast_in_dim3A = vector.shape_cast %reduce_sum3A_32 : vector<128xf32> to vector<1x128xf32>
    %div3A_33 = arith.constant 1.000000e+04 : f32
    %div3A_34 = vector.broadcast %div3A_33 : f32 to vector<1x128xf32>
    %div3A_35 = arith.divf %broadcast_in_dim3A, %div3A_34 : vector<1x128xf32>
    %sub3A = vector.broadcast %div3A_35 : vector<1x128xf32> to vector<10000x128xf32>
    %sub3A_36 = arith.subf %add3A_27, %sub3A : vector<10000x128xf32>
    %square3A = arith.mulf %sub3A_36, %sub3A_36 : vector<10000x128xf32>
    %convert_element_type3A = arith.sitofp %jit3A : i32 to f32
    %sub3A_37 = arith.constant 1.000000e+04 : f32
    %sub3A_38 = arith.subf %sub3A_37, %convert_element_type3A : f32
    %reduce_sum3A_39 = arith.constant dense<0.000000e+00> : vector<128xf32>
    %reduce_sum3A_40 = vector.multi_reduction <add>, %square3A, %reduce_sum3A_39 [0] : vector<10000x128xf32> to vector<128xf32>
    %div3A_41 = vector.broadcast %sub3A_38 : f32 to vector<128xf32>
    %div3A_42 = arith.divf %reduce_sum3A_40, %div3A_41 : vector<128xf32>
    %gt3A = arith.constant 0.000000e+00 : f32
    %gt3A_43 = arith.cmpf ogt, %sub3A_38, %gt3A : f32
    %jit3A_44 = arith.constant 0x7FC00000 : f32
    %broadcast_in_dim3A_45 = vector.broadcast %jit3A_44 : f32 to vector<128xf32>
    %select_n3A = arith.select %gt3A_43, %div3A_42, %broadcast_in_dim3A_45 : vector<128xf32>
    %broadcast_in_dim3A_46 = vector.shape_cast %div3A_30 : vector<128xf32> to vector<1x128xf32>
    %sub3A_47 = vector.broadcast %broadcast_in_dim3A_46 : vector<1x128xf32> to vector<10000x128xf32>
    %sub3A_48 = arith.subf %add3A_27, %sub3A_47 : vector<10000x128xf32>
    %add3A_49 = arith.constant 9.99999974E-6 : f32
    %add3A_50 = vector.broadcast %add3A_49 : f32 to vector<128xf32>
    %add3A_51 = arith.addf %select_n3A, %add3A_50 : vector<128xf32>
    %sqrt3A = math.sqrt %add3A_51 : vector<128xf32>
    %broadcast_in_dim3A_52 = vector.shape_cast %sqrt3A : vector<128xf32> to vector<1x128xf32>
    %div3A_53 = vector.broadcast %broadcast_in_dim3A_52 : vector<1x128xf32> to vector<10000x128xf32>
    %div3A_54 = arith.divf %sub3A_48, %div3A_53 : vector<10000x128xf32>
    %mul3A = vector.broadcast %get3A_15 : vector<1x128xf32> to vector<10000x128xf32>
    %mul3A_55 = arith.mulf %div3A_54, %mul3A : vector<10000x128xf32>
    %add3A_56 = vector.broadcast %get3A_18 : vector<1x128xf32> to vector<10000x128xf32>
    %add3A_57 = arith.addf %mul3A_55, %add3A_56 : vector<10000x128xf32>
    %max3A = arith.constant 0.000000e+00 : f32
    %max3A_58 = vector.broadcast %max3A : f32 to vector<10000x128xf32>
    %max3A_59 = arith.maximumf %add3A_57, %max3A_58 : vector<10000x128xf32>
    %dot_general3A_60 = arith.constant dense<0.000000e+00> : vector<10000x128xf32>
    %dot_general3A_61 = tpu.matmul %max3A_59, %get3A_21, %dot_general3A_60 {dimension_numbers = #tpu.dot_dimension_numbers<[1], [0], [0], [1], [0, 0, 1, 1], [], []>, transpose_lhs_hint = false} : vector<10000x128xf32>, vector<128x128xf32>, vector<10000x128xf32> -> vector<10000x128xf32>
    %add3A_62 = vector.broadcast %get3A_24 : vector<1x128xf32> to vector<10000x128xf32>
    %add3A_63 = arith.addf %dot_general3A_61, %add3A_62 : vector<10000x128xf32>
    %get3A_64 = arith.constant 1 : index
    %get3A_65 = arith.constant 0 : index
    %get3A_66 = arith.constant 0 : index
    %get3A_67 = vector.load %arg1[%get3A_64, %get3A_65, %get3A_66] : memref<2x10240x128xf32, #tpu.memory_space<vmem>>, vector<1x10000x128xf32>
    %get3A_68 = vector.shape_cast %get3A_67 : vector<1x10000x128xf32> to vector<10000x128xf32>
    %get3A_69 = arith.constant 0 : index
    %get3A_70 = arith.constant 0 : index
    %get3A_71 = vector.load %arg8[%get3A_69, %get3A_70] : memref<128x128xf32, #tpu.memory_space<vmem>>, vector<128x128xf32>
    %get3A_72 = arith.constant 0 : index
    %get3A_73 = arith.constant 0 : index
    %get3A_74 = vector.load %arg9[%get3A_72, %get3A_73] : memref<1x128xf32, #tpu.memory_space<vmem>>, vector<1x128xf32>
    %get3A_75 = arith.constant 0 : index
    %get3A_76 = arith.constant 0 : index
    %get3A_77 = vector.load %arg10[%get3A_75, %get3A_76] : memref<1x128xf32, #tpu.memory_space<vmem>>, vector<1x128xf32>
    %get3A_78 = arith.constant 0 : index
    %get3A_79 = arith.constant 0 : index
    %get3A_80 = vector.load %arg11[%get3A_78, %get3A_79] : memref<1x128xf32, #tpu.memory_space<vmem>>, vector<1x128xf32>
    %get3A_81 = arith.constant 0 : index
    %get3A_82 = arith.constant 0 : index
    %get3A_83 = vector.load %arg12[%get3A_81, %get3A_82] : memref<128x128xf32, #tpu.memory_space<vmem>>, vector<128x128xf32>
    %get3A_84 = arith.constant 0 : index
    %get3A_85 = arith.constant 0 : index
    %get3A_86 = vector.load %arg13[%get3A_84, %get3A_85] : memref<1x128xf32, #tpu.memory_space<vmem>>, vector<1x128xf32>
    %add3A_87 = arith.addf %get3A_1, %get3A_68 : vector<10000x128xf32>
    %dot_general3A_88 = arith.constant dense<0.000000e+00> : vector<10000x128xf32>
    %dot_general3A_89 = tpu.matmul %add3A_87, %get3A_71, %dot_general3A_88 {dimension_numbers = #tpu.dot_dimension_numbers<[1], [0], [0], [1], [0, 0, 1, 1], [], []>, transpose_lhs_hint = false} : vector<10000x128xf32>, vector<128x128xf32>, vector<10000x128xf32> -> vector<10000x128xf32>
    %add3A_90 = vector.broadcast %get3A_74 : vector<1x128xf32> to vector<10000x128xf32>
    %add3A_91 = arith.addf %dot_general3A_89, %add3A_90 : vector<10000x128xf32>
    %reduce_sum3A_92 = arith.constant dense<0.000000e+00> : vector<128xf32>
    %reduce_sum3A_93 = vector.multi_reduction <add>, %add3A_91, %reduce_sum3A_92 [0] : vector<10000x128xf32> to vector<128xf32>
    %div3A_94 = arith.constant 1.000000e+04 : f32
    %div3A_95 = vector.broadcast %div3A_94 : f32 to vector<128xf32>
    %div3A_96 = arith.divf %reduce_sum3A_93, %div3A_95 : vector<128xf32>
    %jit3A_97 = arith.constant 0 : i32
    %reduce_sum3A_98 = arith.constant dense<0.000000e+00> : vector<128xf32>
    %reduce_sum3A_99 = vector.multi_reduction <add>, %add3A_91, %reduce_sum3A_98 [0] : vector<10000x128xf32> to vector<128xf32>
    %broadcast_in_dim3A_100 = vector.shape_cast %reduce_sum3A_99 : vector<128xf32> to vector<1x128xf32>
    %div3A_101 = arith.constant 1.000000e+04 : f32
    %div3A_102 = vector.broadcast %div3A_101 : f32 to vector<1x128xf32>
    %div3A_103 = arith.divf %broadcast_in_dim3A_100, %div3A_102 : vector<1x128xf32>
    %sub3A_104 = vector.broadcast %div3A_103 : vector<1x128xf32> to vector<10000x128xf32>
    %sub3A_105 = arith.subf %add3A_91, %sub3A_104 : vector<10000x128xf32>
    %square3A_106 = arith.mulf %sub3A_105, %sub3A_105 : vector<10000x128xf32>
    %convert_element_type3A_107 = arith.sitofp %jit3A_97 : i32 to f32
    %sub3A_108 = arith.constant 1.000000e+04 : f32
    %sub3A_109 = arith.subf %sub3A_108, %convert_element_type3A_107 : f32
    %reduce_sum3A_110 = arith.constant dense<0.000000e+00> : vector<128xf32>
    %reduce_sum3A_111 = vector.multi_reduction <add>, %square3A_106, %reduce_sum3A_110 [0] : vector<10000x128xf32> to vector<128xf32>
    %div3A_112 = vector.broadcast %sub3A_109 : f32 to vector<128xf32>
    %div3A_113 = arith.divf %reduce_sum3A_111, %div3A_112 : vector<128xf32>
    %gt3A_114 = arith.constant 0.000000e+00 : f32
    %gt3A_115 = arith.cmpf ogt, %sub3A_109, %gt3A_114 : f32
    %jit3A_116 = arith.constant 0x7FC00000 : f32
    %broadcast_in_dim3A_117 = vector.broadcast %jit3A_116 : f32 to vector<128xf32>
    %select_n3A_118 = arith.select %gt3A_115, %div3A_113, %broadcast_in_dim3A_117 : vector<128xf32>
    %broadcast_in_dim3A_119 = vector.shape_cast %div3A_96 : vector<128xf32> to vector<1x128xf32>
    %sub3A_120 = vector.broadcast %broadcast_in_dim3A_119 : vector<1x128xf32> to vector<10000x128xf32>
    %sub3A_121 = arith.subf %add3A_91, %sub3A_120 : vector<10000x128xf32>
    %add3A_122 = arith.constant 9.99999974E-6 : f32
    %add3A_123 = vector.broadcast %add3A_122 : f32 to vector<128xf32>
    %add3A_124 = arith.addf %select_n3A_118, %add3A_123 : vector<128xf32>
    %sqrt3A_125 = math.sqrt %add3A_124 : vector<128xf32>
    %broadcast_in_dim3A_126 = vector.shape_cast %sqrt3A_125 : vector<128xf32> to vector<1x128xf32>
    %div3A_127 = vector.broadcast %broadcast_in_dim3A_126 : vector<1x128xf32> to vector<10000x128xf32>
    %div3A_128 = arith.divf %sub3A_121, %div3A_127 : vector<10000x128xf32>
    %mul3A_129 = vector.broadcast %get3A_77 : vector<1x128xf32> to vector<10000x128xf32>
    %mul3A_130 = arith.mulf %div3A_128, %mul3A_129 : vector<10000x128xf32>
    %add3A_131 = vector.broadcast %get3A_80 : vector<1x128xf32> to vector<10000x128xf32>
    %add3A_132 = arith.addf %mul3A_130, %add3A_131 : vector<10000x128xf32>
    %max3A_133 = arith.constant 0.000000e+00 : f32
    %max3A_134 = vector.broadcast %max3A_133 : f32 to vector<10000x128xf32>
    %max3A_135 = arith.maximumf %add3A_132, %max3A_134 : vector<10000x128xf32>
    %dot_general3A_136 = arith.constant dense<0.000000e+00> : vector<10000x128xf32>
    %dot_general3A_137 = tpu.matmul %max3A_135, %get3A_83, %dot_general3A_136 {dimension_numbers = #tpu.dot_dimension_numbers<[1], [0], [0], [1], [0, 0, 1, 1], [], []>, transpose_lhs_hint = false} : vector<10000x128xf32>, vector<128x128xf32>, vector<10000x128xf32> -> vector<10000x128xf32>
    %add3A_138 = vector.broadcast %get3A_86 : vector<1x128xf32> to vector<10000x128xf32>
    %add3A_139 = arith.addf %dot_general3A_137, %add3A_138 : vector<10000x128xf32>
    %add3A_140 = arith.addf %add3A_63, %add3A_139 : vector<10000x128xf32>
    %get3A_141 = arith.constant 0 : index
    %get3A_142 = arith.constant 0 : index
    %get3A_143 = vector.load %arg14[%get3A_141, %get3A_142] : memref<1x128xf32, #tpu.memory_space<vmem>>, vector<1x128xf32>
    %get3A_144 = arith.constant 0 : index
    %get3A_145 = arith.constant 0 : index
    %get3A_146 = vector.load %arg15[%get3A_144, %get3A_145] : memref<1x128xf32, #tpu.memory_space<vmem>>, vector<1x128xf32>
    %reduce_sum3A_147 = arith.constant dense<0.000000e+00> : vector<128xf32>
    %reduce_sum3A_148 = vector.multi_reduction <add>, %add3A_140, %reduce_sum3A_147 [0] : vector<10000x128xf32> to vector<128xf32>
    %div3A_149 = arith.constant 1.000000e+04 : f32
    %div3A_150 = vector.broadcast %div3A_149 : f32 to vector<128xf32>
    %div3A_151 = arith.divf %reduce_sum3A_148, %div3A_150 : vector<128xf32>
    %jit3A_152 = arith.constant 0 : i32
    %reduce_sum3A_153 = arith.constant dense<0.000000e+00> : vector<128xf32>
    %reduce_sum3A_154 = vector.multi_reduction <add>, %add3A_140, %reduce_sum3A_153 [0] : vector<10000x128xf32> to vector<128xf32>
    %broadcast_in_dim3A_155 = vector.shape_cast %reduce_sum3A_154 : vector<128xf32> to vector<1x128xf32>
    %div3A_156 = arith.constant 1.000000e+04 : f32
    %div3A_157 = vector.broadcast %div3A_156 : f32 to vector<1x128xf32>
    %div3A_158 = arith.divf %broadcast_in_dim3A_155, %div3A_157 : vector<1x128xf32>
    %sub3A_159 = vector.broadcast %div3A_158 : vector<1x128xf32> to vector<10000x128xf32>
    %sub3A_160 = arith.subf %add3A_140, %sub3A_159 : vector<10000x128xf32>
    %square3A_161 = arith.mulf %sub3A_160, %sub3A_160 : vector<10000x128xf32>
    %convert_element_type3A_162 = arith.sitofp %jit3A_152 : i32 to f32
    %sub3A_163 = arith.constant 1.000000e+04 : f32
    %sub3A_164 = arith.subf %sub3A_163, %convert_element_type3A_162 : f32
    %reduce_sum3A_165 = arith.constant dense<0.000000e+00> : vector<128xf32>
    %reduce_sum3A_166 = vector.multi_reduction <add>, %square3A_161, %reduce_sum3A_165 [0] : vector<10000x128xf32> to vector<128xf32>
    %div3A_167 = vector.broadcast %sub3A_164 : f32 to vector<128xf32>
    %div3A_168 = arith.divf %reduce_sum3A_166, %div3A_167 : vector<128xf32>
    %gt3A_169 = arith.constant 0.000000e+00 : f32
    %gt3A_170 = arith.cmpf ogt, %sub3A_164, %gt3A_169 : f32
    %jit3A_171 = arith.constant 0x7FC00000 : f32
    %broadcast_in_dim3A_172 = vector.broadcast %jit3A_171 : f32 to vector<128xf32>
    %select_n3A_173 = arith.select %gt3A_170, %div3A_168, %broadcast_in_dim3A_172 : vector<128xf32>
    %broadcast_in_dim3A_174 = vector.shape_cast %div3A_151 : vector<128xf32> to vector<1x128xf32>
    %sub3A_175 = vector.broadcast %broadcast_in_dim3A_174 : vector<1x128xf32> to vector<10000x128xf32>
    %sub3A_176 = arith.subf %add3A_140, %sub3A_175 : vector<10000x128xf32>
    %add3A_177 = arith.constant 9.99999974E-6 : f32
    %add3A_178 = vector.broadcast %add3A_177 : f32 to vector<128xf32>
    %add3A_179 = arith.addf %select_n3A_173, %add3A_178 : vector<128xf32>
    %sqrt3A_180 = math.sqrt %add3A_179 : vector<128xf32>
    %broadcast_in_dim3A_181 = vector.shape_cast %sqrt3A_180 : vector<128xf32> to vector<1x128xf32>
    %div3A_182 = vector.broadcast %broadcast_in_dim3A_181 : vector<1x128xf32> to vector<10000x128xf32>
    %div3A_183 = arith.divf %sub3A_176, %div3A_182 : vector<10000x128xf32>
    %mul3A_184 = vector.broadcast %get3A_143 : vector<1x128xf32> to vector<10000x128xf32>
    %mul3A_185 = arith.mulf %div3A_183, %mul3A_184 : vector<10000x128xf32>
    %add3A_186 = vector.broadcast %get3A_146 : vector<1x128xf32> to vector<10000x128xf32>
    %add3A_187 = arith.addf %mul3A_185, %add3A_186 : vector<10000x128xf32>
    %max3A_188 = arith.constant 0.000000e+00 : f32
    %max3A_189 = vector.broadcast %max3A_188 : f32 to vector<10000x128xf32>
    %max3A_190 = arith.maximumf %add3A_187, %max3A_189 : vector<10000x128xf32>
    %iota3A = tpu.iota {dimensions = array<i32: 0>} : vector<64x10000xi32>
    %get3A_191 = arith.constant 0 : index
    %get3A_192 = arith.constant 0 : index
    %get3A_193 = vector.load %arg16[%get3A_191, %get3A_192] : memref<1x10000xi32, #tpu.memory_space<vmem>>, vector<1x10000xi32>
    %eq3A = vector.broadcast %get3A_193 : vector<1x10000xi32> to vector<64x10000xi32>
    %eq3A_194 = arith.cmpi eq, %iota3A, %eq3A : vector<64x10000xi32>
    %jit3A_195 = arith.constant 1.000000e+00 : f32
    %jit3A_196 = arith.constant 0.000000e+00 : f32
    %broadcast_in_dim3A_197 = vector.broadcast %jit3A_195 : f32 to vector<64x10000xf32>
    %broadcast_in_dim3A_198 = vector.broadcast %jit3A_196 : f32 to vector<64x10000xf32>
    %select_n3A_199 = arith.select %eq3A_194, %broadcast_in_dim3A_197, %broadcast_in_dim3A_198 : vector<64x10000xi1>, vector<64x10000xf32>
    %reduce_sum3A_200 = arith.constant dense<0.000000e+00> : vector<64xf32>
    %reduce_sum3A_201 = vector.multi_reduction <add>, %select_n3A_199, %reduce_sum3A_200 [1] : vector<64x10000xf32> to vector<64xf32>
    %broadcast_in_dim3A_202 = vector.shape_cast %reduce_sum3A_201 : vector<64xf32> to vector<64x1xf32>
    %max3A_203 = arith.constant 1.000000e+00 : f32
    %max3A_204 = vector.broadcast %max3A_203 : f32 to vector<64x1xf32>
    %max3A_205 = arith.maximumf %broadcast_in_dim3A_202, %max3A_204 : vector<64x1xf32>
    %dot_general3A_206 = arith.constant dense<0.000000e+00> : vector<64x128xf32>
    %dot_general3A_207 = tpu.matmul %select_n3A_199, %max3A_190, %dot_general3A_206 {dimension_numbers = #tpu.dot_dimension_numbers<[1], [0], [0], [1], [0, 0, 1, 1], [], []>, precision = #tpu.contract_precision<fp32>, transpose_lhs_hint = false} : vector<64x10000xf32>, vector<10000x128xf32>, vector<64x128xf32> -> vector<64x128xf32>
    %div3A_208 = vector.broadcast %max3A_205 : vector<64x1xf32> to vector<64x128xf32>
    %div3A_209 = arith.divf %dot_general3A_207, %div3A_208 : vector<64x128xf32>
    %get3A_210 = arith.constant 0 : index
    %get3A_211 = arith.constant 0 : index
    %get3A_212 = vector.load %arg17[%get3A_210, %get3A_211] : memref<128x128xf32, #tpu.memory_space<vmem>>, vector<128x128xf32>
    %dot_general3A_213 = arith.constant dense<0.000000e+00> : vector<64x128xf32>
    %dot_general3A_214 = tpu.matmul %div3A_209, %get3A_212, %dot_general3A_213 {dimension_numbers = #tpu.dot_dimension_numbers<[1], [0], [0], [1], [0, 0, 1, 1], [], []>, transpose_lhs_hint = false} : vector<64x128xf32>, vector<128x128xf32>, vector<64x128xf32> -> vector<64x128xf32>
    %get3A_215 = arith.constant 0 : index
    %get3A_216 = arith.constant 0 : index
    %get3A_217 = vector.load %arg18[%get3A_215, %get3A_216] : memref<1x128xf32, #tpu.memory_space<vmem>>, vector<1x128xf32>
    %add3A_218 = vector.broadcast %get3A_217 : vector<1x128xf32> to vector<64x128xf32>
    %add3A_219 = arith.addf %dot_general3A_214, %add3A_218 : vector<64x128xf32>
    %get3A_220 = arith.constant 0 : index
    %get3A_221 = arith.constant 0 : index
    %get3A_222 = vector.load %arg19[%get3A_220, %get3A_221] : memref<1x128xf32, #tpu.memory_space<vmem>>, vector<1x128xf32>
    %get3A_223 = arith.constant 0 : index
    %get3A_224 = arith.constant 0 : index
    %get3A_225 = vector.load %arg20[%get3A_223, %get3A_224] : memref<1x128xf32, #tpu.memory_space<vmem>>, vector<1x128xf32>
    %reduce_sum3A_226 = arith.constant dense<0.000000e+00> : vector<128xf32>
    %reduce_sum3A_227 = vector.multi_reduction <add>, %add3A_219, %reduce_sum3A_226 [0] : vector<64x128xf32> to vector<128xf32>
    %div3A_228 = arith.constant 6.400000e+01 : f32
    %div3A_229 = vector.broadcast %div3A_228 : f32 to vector<128xf32>
    %div3A_230 = arith.divf %reduce_sum3A_227, %div3A_229 : vector<128xf32>
    %jit3A_231 = arith.constant 0 : i32
    %reduce_sum3A_232 = arith.constant dense<0.000000e+00> : vector<128xf32>
    %reduce_sum3A_233 = vector.multi_reduction <add>, %add3A_219, %reduce_sum3A_232 [0] : vector<64x128xf32> to vector<128xf32>
    %broadcast_in_dim3A_234 = vector.shape_cast %reduce_sum3A_233 : vector<128xf32> to vector<1x128xf32>
    %div3A_235 = arith.constant 6.400000e+01 : f32
    %div3A_236 = vector.broadcast %div3A_235 : f32 to vector<1x128xf32>
    %div3A_237 = arith.divf %broadcast_in_dim3A_234, %div3A_236 : vector<1x128xf32>
    %sub3A_238 = vector.broadcast %div3A_237 : vector<1x128xf32> to vector<64x128xf32>
    %sub3A_239 = arith.subf %add3A_219, %sub3A_238 : vector<64x128xf32>
    %square3A_240 = arith.mulf %sub3A_239, %sub3A_239 : vector<64x128xf32>
    %convert_element_type3A_241 = arith.sitofp %jit3A_231 : i32 to f32
    %sub3A_242 = arith.constant 6.400000e+01 : f32
    %sub3A_243 = arith.subf %sub3A_242, %convert_element_type3A_241 : f32
    %reduce_sum3A_244 = arith.constant dense<0.000000e+00> : vector<128xf32>
    %reduce_sum3A_245 = vector.multi_reduction <add>, %square3A_240, %reduce_sum3A_244 [0] : vector<64x128xf32> to vector<128xf32>
    %div3A_246 = vector.broadcast %sub3A_243 : f32 to vector<128xf32>
    %div3A_247 = arith.divf %reduce_sum3A_245, %div3A_246 : vector<128xf32>
    %gt3A_248 = arith.constant 0.000000e+00 : f32
    %gt3A_249 = arith.cmpf ogt, %sub3A_243, %gt3A_248 : f32
    %jit3A_250 = arith.constant 0x7FC00000 : f32
    %broadcast_in_dim3A_251 = vector.broadcast %jit3A_250 : f32 to vector<128xf32>
    %select_n3A_252 = arith.select %gt3A_249, %div3A_247, %broadcast_in_dim3A_251 : vector<128xf32>
    %broadcast_in_dim3A_253 = vector.shape_cast %div3A_230 : vector<128xf32> to vector<1x128xf32>
    %sub3A_254 = vector.broadcast %broadcast_in_dim3A_253 : vector<1x128xf32> to vector<64x128xf32>
    %sub3A_255 = arith.subf %add3A_219, %sub3A_254 : vector<64x128xf32>
    %add3A_256 = arith.constant 9.99999974E-6 : f32
    %add3A_257 = vector.broadcast %add3A_256 : f32 to vector<128xf32>
    %add3A_258 = arith.addf %select_n3A_252, %add3A_257 : vector<128xf32>
    %sqrt3A_259 = math.sqrt %add3A_258 : vector<128xf32>
    %broadcast_in_dim3A_260 = vector.shape_cast %sqrt3A_259 : vector<128xf32> to vector<1x128xf32>
    %div3A_261 = vector.broadcast %broadcast_in_dim3A_260 : vector<1x128xf32> to vector<64x128xf32>
    %div3A_262 = arith.divf %sub3A_255, %div3A_261 : vector<64x128xf32>
    %mul3A_263 = vector.broadcast %get3A_222 : vector<1x128xf32> to vector<64x128xf32>
    %mul3A_264 = arith.mulf %div3A_262, %mul3A_263 : vector<64x128xf32>
    %add3A_265 = vector.broadcast %get3A_225 : vector<1x128xf32> to vector<64x128xf32>
    %add3A_266 = arith.addf %mul3A_264, %add3A_265 : vector<64x128xf32>
    %max3A_267 = arith.constant 0.000000e+00 : f32
    %max3A_268 = vector.broadcast %max3A_267 : f32 to vector<64x128xf32>
    %max3A_269 = arith.maximumf %add3A_266, %max3A_268 : vector<64x128xf32>
    %get3A_270 = arith.constant 0 : index
    %get3A_271 = arith.constant 0 : index
    %get3A_272 = vector.load %arg21[%get3A_270, %get3A_271] : memref<128x2xf32, #tpu.memory_space<vmem>>, vector<128x2xf32>
    %dot_general3A_273 = arith.constant dense<0.000000e+00> : vector<64x2xf32>
    %dot_general3A_274 = tpu.matmul %max3A_269, %get3A_272, %dot_general3A_273 {dimension_numbers = #tpu.dot_dimension_numbers<[1], [0], [0], [1], [0, 0, 1, 1], [], []>, transpose_lhs_hint = false} : vector<64x128xf32>, vector<128x2xf32>, vector<64x2xf32> -> vector<64x2xf32>
    %get3A_275 = arith.constant 0 : index
    %get3A_276 = arith.constant 0 : index
    %get3A_277 = vector.load %arg22[%get3A_275, %get3A_276] : memref<1x2xf32, #tpu.memory_space<vmem>>, vector<1x2xf32>
    %add3A_278 = vector.broadcast %get3A_277 : vector<1x2xf32> to vector<64x2xf32>
    %add3A_279 = arith.addf %dot_general3A_274, %add3A_278 : vector<64x2xf32>
    %swap3A = arith.constant 0 : index
    %swap3A_280 = arith.constant 0 : index
    %swap3A_281 = vector.load %arg23[%swap3A, %swap3A_280] : memref<64x2xf32, #tpu.memory_space<vmem>>, vector<64x2xf32>
    tpu.vector_store %arg23[%swap3A, %swap3A_280], %add3A_279 {strides = array<i32>} : memref<64x2xf32, #tpu.memory_space<vmem>>, vector<64x2xf32>,
    return
  }
}

</mosaic_0001>

<sc_bundles>
// kernel: kernel.12.cloned.1.call-start
scs
__scs_entry_jumppad:
0x0: {  	(pc) =	sbr.rel $0x88, $3  }
0x1: {  	(tag) =	ssettag $0x0;
	lr =	simm.s32 $0x1  }
0x2: {  	[smem:$0x3F8D] =	sst lr;
	_ =	strace $0xD0000000  }
0x3: {  	_ = 	snop  }
0x4: {  	_ = 	snop  }
0x5: {  	_ = 	snop  }
0x6: {  	_ = 	snop  }
0x7: {  	_ = 	snop  }
__scs_overlays_trampoline_lowered:
0x8: {  	[smem:$0x3F9C] =	sst s0  }
0x9: {  	[smem:$0x3F9D] =	sst s1  }
0xa: {  	[smem:$0x3F9E] =	sst s2  }
0xb: {  	[smem:$0x3F9F] =	sst s3  }
0xc: {  	[smem:$0x3FA0] =	sst s4  }
0xd: {  	[smem:$0x3FA1] =	sst s5  }
0xe: {  	[smem:$0x3FA2] =	sst s6  }
0xf: {  	[smem:$0x3FA3] =	sst s7  }
0x10: {  	[smem:$0x3FA4] =	sst s8  }
0x11: {  	[smem:$0x3FA5] =	sst s9;
	s0 =	simm.s32 @!p0 $0x0  }
0x12: {  	s1 =	sld [smem:$0x3F8B];
	s0 =	simm.s32 @p0 $0x1  }
0x13: {  	[smem:$0x3FA6] =	sst s0;
	s0 =	simm.s32 @!p1 $0x0  }
0x14: {  	s2 =	sld [smem:$0x3F8A];
	s0 =	simm.s32 @p1 $0x1  }
0x15: {  	[smem:$0x3FA7] =	sst s0;
	s0 =	simm.s32 @!p2 $0x0  }
0x16: {  	s3 =	sld [smem:$0x3FDB];
	s0 =	simm.s32 @p2 $0x1  }
0x17: {  	s4 =	simm.s32 $0x1BF5;
	[smem:$0x3FA9] =	sst s0  }
0x18: {  	s0 =	sld [smem:$0x3F8C];
	_ =	swait.ge [sflag:s4], $0x0  }
0x19: {  	s7 =	sld [smem:$0x3F8D]  }
0x1a: {  	s8 =	sadd.s32 $0xFFFFE003, lr  }
0x1b: {  	s9 =	sadd.s32 $0xFFFFFEF7, lr;
	s5 =	simm.s32 $0xFFFFFFFF;
	p2 =	slt.u32 s8, $0xFFFFF086  }
0x1c: {  	p1 =	slt.u32 s9, $0xF7A;
	s5 =	simm.s32 @!p2 $0x0  }
0x1d: {  	s5 =	simm.s32 @p1 $0x1;
	p0 =	seq.s32 s7, s2  }
0x1e: {  	s7 =	smul.u32 @!p0 $0xF7A, s2;
	p2 =	seq.s32 @!p0 s5, $0x0  }
0x1f: {  	s9 =	smul.u32 $0xF7A, s1;
	s8 =	simm.s32 @!p0 $0x1BF5;
	p2 =	por !p2, p0  }
0x20: {  	[sflag:s8] =	ssyncset.s32 @!p0 $0xFFFFF086;
	s6 =	sadd.s32 @!p0 s3, s7;
	s7 =	simm.s32 @!p0 $0x108  }
0x21: {  	s3 =	sadd.s32 s3, s9;
	s6 =	sadd.s32 @!p0 $0x88, s6;
	s7 =	simm.s32 @p2 $0x1082  }
0x22: {  	[simem:s7], [sflag:s8] =	dma.local @!p0 [hbm:s6], $0xF7A  }
0x23: {  	s9 =	sor.u32 $0xD0000000, s2;
	s6 =	simm.s32 $0x108;
	_ =	swait.ge @!p0 [sflag:s8], $0x0  }
0x24: {  	s3 =	sadd.s32 $0x88, s3;
	s6 =	simm.s32 @!p1 $0x1082;
	[sflag:s4] =	ssyncset.s32 $0xFFFFF086  }
0x25: {  	[simem:s6], [sflag:s4] =	dma.local [hbm:s3], $0xF7A  }
0x26: {  	[smem:$0x3F8D] =	sst s1;
	(tag) =	ssettag s2;
	_ =	strace s9  }
0x27: {  	s1 =	sld [smem:$0x3F9D]  }
0x28: {  	s2 =	sld [smem:$0x3F9E]  }
0x29: {  	s4 =	sld [smem:$0x3FA0]  }
0x2a: {  	p0 =	seq.s32 s5, $0x0;
	s5 =	sld [smem:$0x3FA1]  }
0x2b: {  	s6 =	sld [smem:$0x3FA2]  }
0x2c: {  	s7 =	sld [smem:$0x3FA3]  }
0x2d: {  	s3 =	simm.s32 $0x108;
	s8 =	sld [smem:$0x3FA4]  }
0x2e: {  	s3 =	simm.s32 @!p0 $0x1082;
	s9 =	sld [smem:$0x3FA5]  }
0x2f: {  	lr =	sadd.s32 s0, s3;
	s0 =	sld [smem:$0x3F9C]  }
0x30: {  	s3 =	sld [smem:$0x3F9F]  }
0x31: {  	[smem:$0x3FA8] =	sst s10  }
0x32: {  	s10 =	sld [smem:$0x3FA6];
	_ =	sdelay $0x3  }
0x33: {  	p0 =	seq.s32 s10, $0x1;
	s10 =	sld [smem:$0x3FA8];
	_ =	sdelay $0x3  }
0x34: {  	[smem:$0x3FA8] =	sst s10  }
0x35: {  	s10 =	sld [smem:$0x3FA7];
	_ =	sdelay $0x3  }
0x36: {  	p1 =	seq.s32 s10, $0x1;
	s10 =	sld [smem:$0x3FA8];
	_ =	sdelay $0x3  }
0x37: {  	[smem:$0x3FA8] =	sst s10  }
0x38: {  	s10 =	sld [smem:$0x3FA9]  }
0x39: {  	_ = 	snop;
	(pc) =	sbr.ind lr, $3  }
0x3a: {  	_ = 	snop  }
0x3b: {  	_ = 	snop  }
0x3c: {  	p2 =	seq.s32 s10, $0x1;
	s10 =	sld [smem:$0x3FA8]  }
0x3d: {  	_ =	shalt  }
0x3e: {  	_ =	shalt  }
0x3f: {  	_ =	shalt  }
0x40: {  	_ =	shalt  }
0x41: {  	_ =	shalt  }
0x42: {  	_ =	shalt  }
0x43: {  	_ =	shalt  }
0x44: {  	_ =	shalt  }
0x45: {  	_ =	shalt  }
0x46: {  	_ =	shalt  }
0x47: {  	_ =	shalt  }
0x48: {  	_ =	shalt  }
0x49: {  	_ =	shalt  }
0x4a: {  	_ =	shalt  }
0x4b: {  	_ =	shalt  }
0x4c: {  	_ =	shalt  }
0x4d: {  	_ =	shalt  }
0x4e: {  	_ =	shalt  }
0x4f: {  	_ =	shalt  }
0x50: {  	_ =	shalt  }
0x51: {  	_ =	shalt  }
0x52: {  	_ =	shalt  }
0x53: {  	_ =	shalt  }
0x54: {  	_ =	shalt  }
0x55: {  	_ =	shalt  }
0x56: {  	_ =	shalt  }
0x57: {  	_ =	shalt  }
0x58: {  	_ =	shalt  }
0x59: {  	_ =	shalt  }
0x5a: {  	_ =	shalt  }
0x5b: {  	_ =	shalt  }
0x5c: {  	_ =	shalt  }
0x5d: {  	_ =	shalt  }
0x5e: {  	_ =	shalt  }
0x5f: {  	_ =	shalt  }
0x60: {  	_ =	shalt  }
0x61: {  	_ =	shalt  }
0x62: {  	_ =	shalt  }
0x63: {  	_ =	shalt  }
0x64: {  	_ =	shalt  }
0x65: {  	_ =	shalt  }
0x66: {  	_ =	shalt  }
0x67: {  	_ =	shalt  }
0x68: {  	_ =	shalt  }
0x69: {  	_ =	shalt  }
0x6a: {  	_ =	shalt  }
0x6b: {  	_ =	shalt  }
0x6c: {  	_ =	shalt  }
0x6d: {  	_ =	shalt  }
0x6e: {  	_ =	shalt  }
0x6f: {  	_ =	shalt  }
0x70: {  	_ =	shalt  }
0x71: {  	_ =	shalt  }
0x72: {  	_ =	shalt  }
0x73: {  	_ =	shalt  }
0x74: {  	_ =	shalt  }
0x75: {  	_ =	shalt  }
0x76: {  	_ =	shalt  }
0x77: {  	_ =	shalt  }
0x78: {  	_ =	shalt  }
0x79: {  	_ =	shalt  }
0x7a: {  	_ =	shalt  }
0x7b: {  	_ =	shalt  }
0x7c: {  	_ =	shalt  }
0x7d: {  	_ =	shalt  }
0x7e: {  	_ =	shalt  }
0x7f: {  	_ =	shalt  }
0x80: {  	_ =	shalt  }
0x81: {  	_ =	shalt  }
0x82: {  	_ =	shalt  }
0x83: {  	_ =	shalt  }
0x84: {  	_ =	shalt  }
0x85: {  	_ =	shalt  }
0x86: {  	_ =	shalt  }
0x87: {  	_ =	shalt  }
.Lfunc_end0:
.L_simem_size_0:
called_computation.1_lowered:
.L_overlay_start_0:
0x88: {  	s2 =	sld [smem:$0x3FD9]  }
0x89: {  	s3 =	sld [smem:$0x3FFE];
	_ =	sdelay $0x1  }
0x8a: {  	s1 =	srdreg.scid  }
0x8b: {  	s0 =	sand.u32 $0x1, s1  }
0x8c: {  	s16 =	sshll.u32 s0, $0xA;
	s2 =	sadd.s32 s3, s2  }
0x8d: {  	s2 =	sadd.s32 s2, s16  }
0x8e: {  	[smem:$0x3FB4] =	sst s2  }
0x8f: {  	_ = 	snop  }
0x90: {  	(tm) =	ssettm $0x1  }
0x91: {  	s17 =	sld [smem:$0x3FFB];
	_ =	sdelay $0x3  }
0x92: {  	_ =	strace s17  }
0x93: {  	s2 =	sld [smem:$0x3FFC];
	_ =	sdelay $0x3  }
0x94: {  	_ =	strace s2  }
0x95: {  	s2 =	sld [smem:$0x3FFD];
	_ =	sdelay $0x3  }
0x96: {  	_ =	strace s2  }
0x97: {  	_ =	strace $0x8FFFFFFF  }
0x98: {  	s18 =	sld [smem:$0x3FDB];
	_ =	sdelay $0x1  }
0x99: {  	s19 =	simm.s32 $_scs_section_size  }
0x9a: {  	s4 =	simm.s32 $_size__tile_overlayer_lowered;
	s5 =	simm.s32 $_tile_overlayer_lowered  }
0x9b: {  	s22 =	simm.s32 $0x1BFF;
	s21 =	sshll.u32 s5, $0x1;
	s2 =	sadd.s32 s19, s18  }
0x9c: {  	s6 =	simm.s32 $0x0;
	s20 =	sshll.u32 s4, $0x1;
	s4 =	sadd.s32 s21, s2  }
0x9d: {  	[timem:s6], [sflag:s22] =	dma.local [hbm:s4], s20  }
0x9e: {  	_ =	swait.ge [sflag:s22], s20  }
0x9f: {  	s3 =	ssub.s32 $0x0, s20;
	[sflag:s22] =	ssyncset.done $0x0  }
0xa0: {  	[sflag:s22] =	ssyncadd.s32 s3;
	_ =	sdelay $0x1  }
0xa1: {  	s23 =	simm.s32 $0x1B8B  }
0xa2: {  	_ =	swait.ge [sflag:s23], $0x1  }
0xa3: {  	[sflag:s23] =	ssyncset.done $0x0  }
0xa4: {  	s25 =	simm.s32 $0x1B8E;
	s24 =	sld [smem:$0x3FFE];
	[sflag:s23] =	ssyncadd.s32 $0xFFFFFFFF  }
0xa5: {  	s26 =	simm.s32 $execute0_lowered;
	[smem:$0x3FD2] =	sst s25  }
0xa6: {  	s4 =	sshll.u32 s26, $0x1;
	_ =	strace $0x80000049;
	[dreg:$0x1] =	wrdreg $0xFFFFFFFF  }
0xa7: {  	s28 =	simm.s32 $_size_execute0_lowered;
	s2 =	sadd.s32 s2, s4;
	[dreg:$0x0] =	wrdreg $0x0  }
0xa8: {  	s4 =	sshll.u32 s28, $0x1;
	[dreg:$0x2] =	wrdreg s2  }
0xa9: {  	[dreg:$0x3] =	wrdreg s4  }
0xaa: {  	[dreg:$0x4] =	wrdreg $0xC0  }
0xab: {  	_ =	task [dreg:s6], $0x5FFFF  }
0xac: {  	[dreg:$0x1] =	wrdreg $0xFFFFFFFF  }
0xad: {  	[dreg:$0x0] =	wrdreg $0x60  }
0xae: {  	[dreg:$0x2] =	wrdreg s24  }
0xaf: {  	[dreg:$0x3] =	wrdreg $0x70000  }
0xb0: {  	[dreg:$0x4] =	wrdreg $0x9  }
0xb1: {  	_ =	task.clear_ibuf [dreg:s6], $0x5FFFF;
	_ =	strace $0x90000049  }
0xb2: {  	s29 =	simm.s32 $0x9;
	_ =	strace $0x8000004B  }
0xb3: {  	_ =	swait.ge [sflag:s29], $0x1  }
0xb4: {  	[sflag:s29] =	ssyncadd.s32 $0xFFFFFFFF  }
0xb5: {  	_ =	strace $0x9000004B  }
0xb6: {  	_ =	sfence  }
0xb7: {  	s30 =	sld [smem:$0x0];
	_ =	sdelay $0x2  }
0xb8: {  	s31 =	sshll.u32 s1, $0xD;
	s1 =	sshrl.u32 s1, $0x2  }
0xb9: {  	s3 =	sand.u32 $0x4000, s31;
	s1 =	sadd.s32 s1, s30  }
0xba: {  	s0 =	sor.u32 s3, s0;
	s1 =	sshll.u32 s1, $0x11  }
0xbb: {  	s0 =	sor.u32 s1, s0  }
0xbc: {  	s0 =	sadd.s32 $0x8F2B, s0  }
0xbd: {  	[sflag:s0] =	ssyncadd.remote.s32 $0x1  }
0xbe: {  	_ =	sfence.sel $0xFFFF  }
0xbf: {  	[dreg:$0x0] =	wrdreg $0xFFFFFFFF;
	(pc) =	sbr.abs _section_cstart, $3  }
0xc0: {  	[dreg:$0x1] =	wrdreg $0xFFFFFFFF  }
0xc1: {  	_ =	task.clear_ibuf [dreg:s6], $0x2FFFF;
	_ =	strace $0x9FFFFFFF  }
0xc2: {  	(tm) =	ssettm $0x7FFFFFFF  }
0xc3: {  	_ =	shalt  }
tec
execute0_lowered:
.L_overlay_start_1:
0x0: {  	(tag) =	ssettag $0x1  }
0x1: {  	s0 =	srdreg.scid  }
0x2: {  	s16 =	stileid.u32;
	s4 =	rddreg [dreg:$0x0]  }
0x3: {  	s1 =	rddreg [dreg:$0x1];
	s5 =	smul.u32 $0x5000, s16  }
0x4: {  	s2 =	simm.s32 $0x0;
	s0 =	sand.u32 $0x1, s0;
	s7 =	smul.u32 $0x14000, s16  }
0x5: {  	[smem:$0x7FF] =	sst s2;
	s3 =	smul.u32 $0x50000, s0  }
0x6: {  	s8 =	sadd.s32 $0x55000, s4;
	s6 =	smul.u32 $0x140000, s0;
	s0 =	ssub.s32 $0x2, s0  }
0x7: {  	s26 =	smul.u32 $0x50000, s16;
	s16 =	sadd.s32 $0x5E00, s4;
	s9 =	sshrl.u32 s0, $0x1  }
0x8: {  	s10 =	sadd.s32 $0x4000, s7;
	s12 =	sadd.s32 $0x6000, s7;
	s13 =	sadd.s32 $0xA000, s7  }
0x9: {  	s0 =	ssub.s32 s0, s9;
	s3 =	sadd.s32 s5, s3;
	s15 =	sadd.s32 s6, s7  }
0xa: {  	s9 =	sor.u32 $0x2000, s7;
	s11 =	sadd.s32 s6, s10;
	s19 =	sadd.s32 s6, s12  }
0xb: {  	s14 =	sadd.s32 s6, s13;
	s5 =	sshrl.u32 s15, $0x3;
	s17 =	sadd.s32 s6, s9  }
0xc: {  	s11 =	sshrl.u32 s11, $0x3;
	s14 =	sshrl.u32 s14, $0x3;
	s0 =	smax.u32 s0, $0x1  }
0xd: {  	s9 =	sadd.s32 s9, s1;
	s5 =	sadd.s32 s8, s5;
	s18 =	sadd.s32 s8, s11  }
0xe: {  	s11 =	sadd.s32 $0x8000, s7;
	[dreg:$0x3] =	wrdreg s5;
	s5 =	sshrl.u32 s17, $0x3  }
0xf: {  	s21 =	sadd.s32 s8, s14;
	[dreg:$0x5] =	wrdreg s18;
	s5 =	sadd.s32 s8, s5  }
0x10: {  	s14 =	sadd.s32 $0xE000, s7;
	[dreg:$0x4] =	wrdreg s5;
	s5 =	sshrl.u32 s19, $0x3  }
0x11: {  	s20 =	sadd.s32 s6, s11;
	[dreg:$0x8] =	wrdreg s21;
	s5 =	sadd.s32 s8, s5  }
0x12: {  	s19 =	sadd.s32 $0xC000, s7;
	[dreg:$0x6] =	wrdreg s5;
	s5 =	sshrl.u32 s20, $0x3  }
0x13: {  	s23 =	sadd.s32 s6, s14;
	s22 =	sadd.s32 s6, s19;
	s5 =	sadd.s32 s8, s5  }
0x14: {  	s17 =	sadd.s32 $0x19E00, s4;
	[dreg:$0x7] =	wrdreg s5;
	s5 =	sshrl.u32 s22, $0x3  }
0x15: {  	s20 =	sadd.s32 $0x10000, s7;
	s7 =	sadd.s32 $0x12000, s7;
	s5 =	sadd.s32 s8, s5  }
0x16: {  	s15 =	sadd.s32 s6, s20;
	[dreg:$0x9] =	wrdreg s5;
	s5 =	sshrl.u32 s23, $0x3  }
0x17: {  	s25 =	sadd.s32 s6, s7;
	s15 =	sshrl.u32 s15, $0x3;
	s5 =	sadd.s32 s8, s5  }
0x18: {  	s24 =	sadd.s32 s8, s15;
	[dreg:$0xa] =	wrdreg s5;
	s5 =	sshrl.u32 s25, $0x3  }
0x19: {  	s21 =	sadd.s32 s10, s1;
	[dreg:$0xb] =	wrdreg s24;
	s5 =	sadd.s32 s8, s5  }
0x1a: {  	s10 =	simm.s32 $0x2;
	s28 =	sadd.s32 s20, s1;
	[dreg:$0xc] =	wrdreg s5  }
0x1b: {  	s29 =	sadd.s32 s7, s1;
	_ =	strace $0x8000004A;
	[dreg:$0xd] =	wrdreg s0  }
0x1c: {  	s20 =	simm.s32 $0x0;
	s22 =	sadd.s32 s12, s1;
	[dreg:$0xe] =	wrdreg s9  }
0x1d: {  	s12 =	simm.s32 $0x800;
	s15 =	sadd.s32 $0x2DE00, s4;
	[dreg:$0xf] =	wrdreg s21  }
0x1e: {  	s23 =	sadd.s32 s11, s1;
	s24 =	sadd.s32 s13, s1;
	[dreg:$0x10] =	wrdreg s22  }
0x1f: {  	s13 =	simm.s32 $0x80;
	s25 =	sadd.s32 s19, s1;
	[dreg:$0x11] =	wrdreg s23  }
0x20: {  	s19 =	simm.s32 $0x1;
	s8 =	sshrl.u32 s26, $0x2;
	[dreg:$0x12] =	wrdreg s24  }
0x21: {  	s26 =	sadd.s32 s14, s1;
	s18 =	sadd.s32 s8, s1;
	[dreg:$0x13] =	wrdreg s25  }
0x22: {  	s14 =	simm.s32 $0x1000;
	[dreg:$0x14] =	wrdreg s26;
	s30 =	sadd.s32 $0x2000, s18  }
0x23: {  	s31 =	sadd.s32 $0x4000, s18;
	s11 =	sadd.s32 $0x6000, s18;
	s0 =	sadd.s32 $0x8000, s18  }
0x24: {  	s4 =	sadd.s32 $0xA000, s18;
	s5 =	sadd.s32 $0xC000, s18;
	s6 =	sadd.s32 $0xE000, s18  }
0x25: {  	v0 =	vimm.f32 $0.0e+00;
	s7 =	sadd.s32 $0x10000, s18;
	s8 =	sadd.s32 $0x12000, s18;
	s9 =	simm.s32 $0x5000  }
.LBB2_1:
0x26: {  	s21 =	simm.s32 $0x0;
	s22 =	simm.s32 $0x200  }
.LBB2_2:
0x27: {  	p0 =	sne.s32 s22, $0x7E00;
	[tilespmem:s21+$0x5070] =	vst v0  }
0x28: {  	[tilespmem:s21+$0x5000] =	vst v0  }
0x29: {  	[tilespmem:s21+$0x5010] =	vst v0  }
.Ltmp0:
0x2a: {  	[tilespmem:s21+$0x5020] =	vst v0;
	(pc) =	sbr.rel @p0 .LBB2_2-.Ltmp0, $4  }
0x2b: {  	[tilespmem:s21+$0x5030] =	vst v0  }
0x2c: {  	[tilespmem:s21+$0x5040] =	vst v0  }
0x2d: {  	[tilespmem:s21+$0x5050] =	vst v0  }
0x2e: {  	[tilespmem:s21+$0x5060] =	vst v0;
	s21 =	sshra.s32 s22, $0x2;
	s22 =	sadd.s32 $0x200, s22  }
0x2f: {  	[tilespmem:s21+$0x5070] =	vst v0  }
0x30: {  	[tilespmem:s21+$0x5000] =	vst v0  }
0x31: {  	[tilespmem:s21+$0x5010] =	vst v0  }
0x32: {  	[tilespmem:s21+$0x5020] =	vst v0  }
0x33: {  	[tilespmem:s21+$0x5030] =	vst v0  }
0x34: {  	[tilespmem:s21+$0x5040] =	vst v0  }
0x35: {  	[tilespmem:s21+$0x5050] =	vst v0  }
0x36: {  	[tilespmem:s21+$0x5060] =	vst v0  }
0x37: {  	[spmem:s18] =	stream.linear.scatter [tilespmem:s9], [sflag:$0x2], $0x2000, $0x38;
	[tilespmem:$0x1B000] =	vst v63  }
0x38: {  	_ =	swait.ge [sflag:s10], $0x2000  }
0x39: {  	[sflag:s10] =	ssyncset.done $0x0  }
0x3a: {  	[sflag:s10] =	ssyncadd.s32 $0xFFFFE000  }
0x3b: {  	[spmem:s30] =	stream.linear.scatter [tilespmem:s9], [sflag:$0x2], $0x2000, $0x38;
	[tilespmem:$0x1B000] =	vst v63  }
0x3c: {  	_ =	swait.ge [sflag:s10], $0x2000  }
0x3d: {  	[sflag:s10] =	ssyncset.done $0x0  }
0x3e: {  	[sflag:s10] =	ssyncadd.s32 $0xFFFFE000  }
0x3f: {  	[spmem:s31] =	stream.linear.scatter [tilespmem:s9], [sflag:$0x2], $0x2000, $0x38;
	[tilespmem:$0x1B000] =	vst v63  }
0x40: {  	_ =	swait.ge [sflag:s10], $0x2000  }
0x41: {  	[sflag:s10] =	ssyncset.done $0x0  }
0x42: {  	[sflag:s10] =	ssyncadd.s32 $0xFFFFE000  }
0x43: {  	[spmem:s11] =	stream.linear.scatter [tilespmem:s9], [sflag:$0x2], $0x2000, $0x38;
	[tilespmem:$0x1B000] =	vst v63  }
0x44: {  	_ =	swait.ge [sflag:s10], $0x2000  }
0x45: {  	[sflag:s10] =	ssyncset.done $0x0  }
0x46: {  	[sflag:s10] =	ssyncadd.s32 $0xFFFFE000  }
0x47: {  	[spmem:s0] =	stream.linear.scatter [tilespmem:s9], [sflag:$0x2], $0x2000, $0x38;
	[tilespmem:$0x1B000] =	vst v63  }
0x48: {  	_ =	swait.ge [sflag:s10], $0x2000  }
0x49: {  	[sflag:s10] =	ssyncset.done $0x0  }
0x4a: {  	[sflag:s10] =	ssyncadd.s32 $0xFFFFE000  }
0x4b: {  	[spmem:s4] =	stream.linear.scatter [tilespmem:s9], [sflag:$0x2], $0x2000, $0x38;
	[tilespmem:$0x1B000] =	vst v63  }
0x4c: {  	_ =	swait.ge [sflag:s10], $0x2000  }
0x4d: {  	[sflag:s10] =	ssyncset.done $0x0  }
0x4e: {  	[sflag:s10] =	ssyncadd.s32 $0xFFFFE000  }
0x4f: {  	[spmem:s5] =	stream.linear.scatter [tilespmem:s9], [sflag:$0x2], $0x2000, $0x38;
	[tilespmem:$0x1B000] =	vst v63  }
0x50: {  	_ =	swait.ge [sflag:s10], $0x2000  }
0x51: {  	[sflag:s10] =	ssyncset.done $0x0  }
0x52: {  	[sflag:s10] =	ssyncadd.s32 $0xFFFFE000  }
0x53: {  	[spmem:s6] =	stream.linear.scatter [tilespmem:s9], [sflag:$0x2], $0x2000, $0x38;
	[tilespmem:$0x1B000] =	vst v63  }
0x54: {  	_ =	swait.ge [sflag:s10], $0x2000  }
0x55: {  	[sflag:s10] =	ssyncset.done $0x0  }
0x56: {  	[sflag:s10] =	ssyncadd.s32 $0xFFFFE000  }
0x57: {  	[spmem:s7] =	stream.linear.scatter [tilespmem:s9], [sflag:$0x2], $0x2000, $0x38;
	[tilespmem:$0x1B000] =	vst v63  }
0x58: {  	_ =	swait.ge [sflag:s10], $0x2000  }
0x59: {  	[sflag:s10] =	ssyncset.done $0x0  }
0x5a: {  	[sflag:s10] =	ssyncadd.s32 $0xFFFFE000  }
0x5b: {  	[spmem:s8] =	stream.linear.scatter [tilespmem:s9], [sflag:$0x2], $0x2000, $0x38;
	[tilespmem:$0x1B000] =	vst v63  }
0x5c: {  	_ =	swait.ge [sflag:s10], $0x2000  }
0x5d: {  	[sflag:s10] =	ssyncset.done $0x0  }
0x5e: {  	[sflag:s10] =	ssyncadd.s32 $0xFFFFE000  }
0x5f: {  	s21 =	simm.s32 $0x0;
	s22 =	simm.s32 $0x0;
	[bflag:$0x0] =	sbarrier.arrive $0xFFFF  }
.LBB2_4:
0x60: {  	s23 =	sshll.u32 s22, $0xB  }
0x61: {  	s23 =	sadd.s32 s23, s3  }
0x62: {  	s23 =	sshrl.u32 s23, $0x3  }
0x63: {  	s24 =	sadd.s32 s16, s23  }
0x64: {  	[tilespmem:s21], [sflag:$0x2] =	stream.linear.gather [hbm4b:s24+s21], $0x800, $0x38;
	[tilespmem:$0x1B000] =	vst v63  }
0x65: {  	_ =	swait.ge [sflag:s10], $0x800  }
0x66: {  	[sflag:s10] =	ssyncset.done $0x0  }
0x67: {  	s23 =	sadd.s32 s17, s23;
	[sflag:s10] =	ssyncadd.s32 $0xFFFFF800  }
0x68: {  	[tilespmem:s12], [sflag:$0x2] =	stream.linear.gather [hbm4b:s23+s21], $0x800, $0x38;
	[tilespmem:$0x1B000] =	vst v63  }
0x69: {  	_ =	swait.ge [sflag:s10], $0x800  }
0x6a: {  	[sflag:s10] =	ssyncset.done $0x0  }
0x6b: {  	s25 =	simm.s32 $0x0;
	[sflag:s10] =	ssyncadd.s32 $0xFFFFF800  }
0x6c: {  	[tilespmem:s14], [sflag:$0x1] =	stream.indirect.gather [hbm4b:s15+s13], $0x80, s25, s13, $0xb8;
	[tilespmem:$0x1B000] =	vst v63  }
0x6d: {  	_ =	swait.ge [sflag:s19], $0x4000  }
0x6e: {  	[sflag:s19] =	ssyncset.done $0x0  }
0x6f: {  	s26 =	simm.s32 $0x800;
	[sflag:s19] =	ssyncadd.s32 $0xFFFFC000  }
0x70: {  	[spmem:s1] =	stream.indirect.scatter.add.f32 [tilespmem:s14], [sflag:$0x2], $0x80, s26, s13, $0xb8;
	[tilespmem:$0x1B000] =	vst v63  }
0x71: {  	_ =	swait.ge [sflag:s10], $0x4000  }
0x72: {  	s24 =	simm.s32 $0x400;
	s23 =	simm.s32 $0x200;
	[sflag:s10] =	ssyncset.done $0x0  }
.LBB2_5:
0x73: {  	s25 =	sshra.s32 s23, $0x2  }
0x74: {  	[sflag:s10] =	ssyncadd.s32 $0xFFFFC000;
	s23 =	smov.u32 s24;
	s26 =	sadd.s32 $0x200, s24  }
0x75: {  	[tilespmem:s14], [sflag:$0x1] =	stream.indirect.gather [hbm4b:s15+s13], $0x80, s25, s13, $0xb8;
	[tilespmem:$0x1B000] =	vst v63  }
0x76: {  	p0 =	sne.s32 s24, $0x1E00;
	_ =	swait.ge [sflag:s19], $0x4000  }
.Ltmp1:
0x77: {  	[sflag:s19] =	ssyncset.done $0x0;
	(pc) =	sbr.rel @p0 .LBB2_5-.Ltmp1, $4  }
0x78: {  	s24 =	sadd.s32 $0x800, s25;
	[sflag:s19] =	ssyncadd.s32 $0xFFFFC000  }
0x79: {  	[spmem:s1] =	stream.indirect.scatter.add.f32 [tilespmem:s14], [sflag:$0x2], $0x80, s24, s13, $0xb8;
	[tilespmem:$0x1B000] =	vst v63  }
0x7a: {  	_ =	swait.ge [sflag:s10], $0x4000  }
0x7b: {  	s24 =	smov.u32 s26;
	[sflag:s10] =	ssyncset.done $0x0  }
0x7c: {  	s23 =	sshra.s32 s23, $0x2;
	[sflag:s10] =	ssyncadd.s32 $0xFFFFC000  }
0x7d: {  	[tilespmem:s14], [sflag:$0x1] =	stream.indirect.gather [hbm4b:s15+s13], $0x80, s23, s13, $0xb8;
	[tilespmem:$0x1B000] =	vst v63  }
0x7e: {  	s22 =	sadd.s32 $0x1, s22;
	_ =	swait.ge [sflag:s19], $0x4000  }
0x7f: {  	p0 =	sne.s32 s22, $0xA;
	[sflag:s19] =	ssyncset.done $0x0  }
.Ltmp2:
0x80: {  	s23 =	sadd.s32 $0x800, s23;
	[sflag:s19] =	ssyncadd.s32 $0xFFFFC000;
	(pc) =	sbr.rel @p0 .LBB2_4-.Ltmp2, $4  }
0x81: {  	[spmem:s1] =	stream.indirect.scatter.add.f32 [tilespmem:s14], [sflag:$0x2], $0x80, s23, s13, $0xb8;
	[tilespmem:$0x1B000] =	vst v63  }
0x82: {  	_ =	swait.ge [sflag:s10], $0x4000  }
0x83: {  	[sflag:s10] =	ssyncset.done $0x0  }
0x84: {  	[sflag:s10] =	ssyncadd.s32 $0xFFFFC000  }
0x85: {  	[bflag:$0x0] =	sbarrier.arrive $0xFFFF  }
0x86: {  	[tilespmem:s9], [sflag:$0x2] =	stream.linear.gather [spmem:s18], $0x2000, $0x38;
	[tilespmem:$0x1B000] =	vst v63  }
0x87: {  	_ =	swait.ge [sflag:s10], $0x2000  }
0x88: {  	[sflag:s10] =	ssyncset.done $0x0  }
0x89: {  	s21 =	rddreg [dreg:$0x3];
	[sflag:s10] =	ssyncadd.s32 $0xFFFFE000  }
0x8a: {  	[hbm4b:s21+s2] =	stream.linear.scatter [tilespmem:s9], [sflag:$0x2], $0x2000, $0x38;
	[tilespmem:$0x1B000] =	vst v63  }
0x8b: {  	_ =	swait.ge [sflag:s10], $0x2000  }
0x8c: {  	[sflag:s10] =	ssyncset.done $0x0  }
0x8d: {  	s25 =	rddreg [dreg:$0xe];
	[sflag:s10] =	ssyncadd.s32 $0xFFFFE000  }
0x8e: {  	[tilespmem:s9], [sflag:$0x2] =	stream.linear.gather [spmem:s25], $0x2000, $0x38;
	[tilespmem:$0x1B000] =	vst v63  }
0x8f: {  	_ =	swait.ge [sflag:s10], $0x2000  }
0x90: {  	[sflag:s10] =	ssyncset.done $0x0  }
0x91: {  	s26 =	rddreg [dreg:$0x4];
	[sflag:s10] =	ssyncadd.s32 $0xFFFFE000  }
0x92: {  	[hbm4b:s26+s2] =	stream.linear.scatter [tilespmem:s9], [sflag:$0x2], $0x2000, $0x38;
	[tilespmem:$0x1B000] =	vst v63  }
0x93: {  	_ =	swait.ge [sflag:s10], $0x2000  }
0x94: {  	[sflag:s10] =	ssyncset.done $0x0  }
0x95: {  	s22 =	rddreg [dreg:$0xf];
	[sflag:s10] =	ssyncadd.s32 $0xFFFFE000  }
0x96: {  	[tilespmem:s9], [sflag:$0x2] =	stream.linear.gather [spmem:s22], $0x2000, $0x38;
	[tilespmem:$0x1B000] =	vst v63  }
0x97: {  	_ =	swait.ge [sflag:s10], $0x2000  }
0x98: {  	[sflag:s10] =	ssyncset.done $0x0  }
0x99: {  	s23 =	rddreg [dreg:$0x5];
	[sflag:s10] =	ssyncadd.s32 $0xFFFFE000  }
0x9a: {  	[hbm4b:s23+s2] =	stream.linear.scatter [tilespmem:s9], [sflag:$0x2], $0x2000, $0x38;
	[tilespmem:$0x1B000] =	vst v63  }
0x9b: {  	_ =	swait.ge [sflag:s10], $0x2000  }
0x9c: {  	[sflag:s10] =	ssyncset.done $0x0  }
0x9d: {  	s24 =	rddreg [dreg:$0x10];
	[sflag:s10] =	ssyncadd.s32 $0xFFFFE000  }
0x9e: {  	[tilespmem:s9], [sflag:$0x2] =	stream.linear.gather [spmem:s24], $0x2000, $0x38;
	[tilespmem:$0x1B000] =	vst v63  }
0x9f: {  	_ =	swait.ge [sflag:s10], $0x2000  }
0xa0: {  	[sflag:s10] =	ssyncset.done $0x0  }
0xa1: {  	s25 =	rddreg [dreg:$0x6];
	[sflag:s10] =	ssyncadd.s32 $0xFFFFE000  }
0xa2: {  	[hbm4b:s25+s2] =	stream.linear.scatter [tilespmem:s9], [sflag:$0x2], $0x2000, $0x38;
	[tilespmem:$0x1B000] =	vst v63  }
0xa3: {  	_ =	swait.ge [sflag:s10], $0x2000  }
0xa4: {  	[sflag:s10] =	ssyncset.done $0x0  }
0xa5: {  	s26 =	rddreg [dreg:$0x11];
	[sflag:s10] =	ssyncadd.s32 $0xFFFFE000  }
0xa6: {  	[tilespmem:s9], [sflag:$0x2] =	stream.linear.gather [spmem:s26], $0x2000, $0x38;
	[tilespmem:$0x1B000] =	vst v63  }
0xa7: {  	_ =	swait.ge [sflag:s10], $0x2000  }
0xa8: {  	[sflag:s10] =	ssyncset.done $0x0  }
0xa9: {  	s22 =	rddreg [dreg:$0x7];
	[sflag:s10] =	ssyncadd.s32 $0xFFFFE000  }
0xaa: {  	[hbm4b:s22+s2] =	stream.linear.scatter [tilespmem:s9], [sflag:$0x2], $0x2000, $0x38;
	[tilespmem:$0x1B000] =	vst v63  }
0xab: {  	_ =	swait.ge [sflag:s10], $0x2000  }
0xac: {  	[sflag:s10] =	ssyncset.done $0x0  }
0xad: {  	s23 =	rddreg [dreg:$0x12];
	[sflag:s10] =	ssyncadd.s32 $0xFFFFE000  }
0xae: {  	[tilespmem:s9], [sflag:$0x2] =	stream.linear.gather [spmem:s23], $0x2000, $0x38;
	[tilespmem:$0x1B000] =	vst v63  }
0xaf: {  	_ =	swait.ge [sflag:s10], $0x2000  }
0xb0: {  	[sflag:s10] =	ssyncset.done $0x0  }
0xb1: {  	s24 =	rddreg [dreg:$0x8];
	[sflag:s10] =	ssyncadd.s32 $0xFFFFE000  }
0xb2: {  	[hbm4b:s24+s2] =	stream.linear.scatter [tilespmem:s9], [sflag:$0x2], $0x2000, $0x38;
	[tilespmem:$0x1B000] =	vst v63  }
0xb3: {  	_ =	swait.ge [sflag:s10], $0x2000  }
0xb4: {  	[sflag:s10] =	ssyncset.done $0x0  }
0xb5: {  	s25 =	rddreg [dreg:$0x13];
	[sflag:s10] =	ssyncadd.s32 $0xFFFFE000  }
0xb6: {  	[tilespmem:s9], [sflag:$0x2] =	stream.linear.gather [spmem:s25], $0x2000, $0x38;
	[tilespmem:$0x1B000] =	vst v63  }
0xb7: {  	_ =	swait.ge [sflag:s10], $0x2000  }
0xb8: {  	[sflag:s10] =	ssyncset.done $0x0  }
0xb9: {  	s26 =	rddreg [dreg:$0x9];
	[sflag:s10] =	ssyncadd.s32 $0xFFFFE000  }
0xba: {  	[hbm4b:s26+s2] =	stream.linear.scatter [tilespmem:s9], [sflag:$0x2], $0x2000, $0x38;
	[tilespmem:$0x1B000] =	vst v63  }
0xbb: {  	_ =	swait.ge [sflag:s10], $0x2000  }
0xbc: {  	[sflag:s10] =	ssyncset.done $0x0  }
0xbd: {  	s22 =	rddreg [dreg:$0x14];
	[sflag:s10] =	ssyncadd.s32 $0xFFFFE000  }
0xbe: {  	[tilespmem:s9], [sflag:$0x2] =	stream.linear.gather [spmem:s22], $0x2000, $0x38;
	[tilespmem:$0x1B000] =	vst v63  }
0xbf: {  	_ =	swait.ge [sflag:s10], $0x2000  }
0xc0: {  	[sflag:s10] =	ssyncset.done $0x0  }
0xc1: {  	s23 =	rddreg [dreg:$0xa];
	[sflag:s10] =	ssyncadd.s32 $0xFFFFE000  }
0xc2: {  	[hbm4b:s23+s2] =	stream.linear.scatter [tilespmem:s9], [sflag:$0x2], $0x2000, $0x38;
	[tilespmem:$0x1B000] =	vst v63  }
0xc3: {  	_ =	swait.ge [sflag:s10], $0x2000  }
0xc4: {  	[sflag:s10] =	ssyncset.done $0x0  }
0xc5: {  	[sflag:s10] =	ssyncadd.s32 $0xFFFFE000  }
0xc6: {  	[tilespmem:s9], [sflag:$0x2] =	stream.linear.gather [spmem:s28], $0x2000, $0x38;
	[tilespmem:$0x1B000] =	vst v63  }
0xc7: {  	_ =	swait.ge [sflag:s10], $0x2000  }
0xc8: {  	[sflag:s10] =	ssyncset.done $0x0  }
0xc9: {  	s24 =	rddreg [dreg:$0xb];
	[sflag:s10] =	ssyncadd.s32 $0xFFFFE000  }
0xca: {  	[hbm4b:s24+s2] =	stream.linear.scatter [tilespmem:s9], [sflag:$0x2], $0x2000, $0x38;
	[tilespmem:$0x1B000] =	vst v63  }
0xcb: {  	_ =	swait.ge [sflag:s10], $0x2000  }
0xcc: {  	[sflag:s10] =	ssyncset.done $0x0  }
0xcd: {  	[sflag:s10] =	ssyncadd.s32 $0xFFFFE000  }
0xce: {  	[tilespmem:s9], [sflag:$0x2] =	stream.linear.gather [spmem:s29], $0x2000, $0x38;
	[tilespmem:$0x1B000] =	vst v63  }
0xcf: {  	_ =	swait.ge [sflag:s10], $0x2000  }
0xd0: {  	[sflag:s10] =	ssyncset.done $0x0  }
0xd1: {  	s25 =	rddreg [dreg:$0xc];
	[sflag:s10] =	ssyncadd.s32 $0xFFFFE000  }
0xd2: {  	[hbm4b:s25+s2] =	stream.linear.scatter [tilespmem:s9], [sflag:$0x2], $0x2000, $0x38;
	[tilespmem:$0x1B000] =	vst v63  }
0xd3: {  	_ =	swait.ge [sflag:s10], $0x2000  }
0xd4: {  	s20 =	sadd.s32 $0x1, s20;
	s26 =	rddreg [dreg:$0xd]  }
0xd5: {  	p0 =	sne.s32 s20, s26  }
.Ltmp3:
0xd6: {  	_ = 	snop;
	(pc) =	sbr.rel @p0 .LBB2_1-.Ltmp3, $3  }
0xd7: {  	_ =	sdelay $0x1  }
0xd8: {  	[sflag:s10] =	ssyncset.done $0x0  }
0xd9: {  	[sflag:s10] =	ssyncadd.s32 $0xFFFFE000  }
0xda: {  	_ =	sfence.sel $0x180000  }
0xdb: {  	[bflag:$0x0] =	sbarrier.arrive $0xFFFF  }
0xdc: {  	_ =	strace $0x9000004A  }
0xdd: {  	s0 =	stileid.u32;
	[bflag:$0x2] =	sbarrier.arrive $0xFFFF  }
0xde: {  	p0 =	sne.s32 s0, $0x0;
	s0 =	rddreg [dreg:$0x2]  }
0xdf: {  	s0 =	sadd.s32 @!p0 $0x100000, s0  }
0xe0: {  	[sflag:s0] =	ssyncadd.tile.s32 @!p0 $0x1;
	_ =	shalt  }
.Lfunc_end2:
_tile_overlayer_lowered:
.L_overlay_start_2:
0xe1: {  	(tag) =	ssettag $0x2  }
0xe2: {  	s0 =	rddreg [dreg:$0x0];
	s2 =	stileid.u32  }
0xe3: {  	s1 =	rddreg [dreg:$0x1];
	p0 =	sne.s32 s2, $0x0  }
0xe4: {  	s3 =	rddreg [dreg:$0x2];
	[bflag:$0x3] =	sbarrier.arrive $0xFFFF;
	s2 =	simm.s32 @!p0 $0x1C02  }
0xe5: {  	[timem:s3], [sflag:s2] =	dma.local @!p0 [hbm:s0], s1  }
0xe6: {  	s0 =	simm.s32 @!p0 $0x2  }
0xe7: {  	_ =	swait.ge @!p0 [sflag:s0], s1  }
0xe8: {  	s1 =	ssub.s32 @!p0 $0x0, s1;
	[sflag:s0] =	ssyncset.done @!p0 $0x0  }
0xe9: {  	[sflag:s0] =	ssyncadd.s32 @!p0 s1  }
0xea: {  	[bflag:$0x3] =	sbarrier.arrive $0xFFFF  }
0xeb: {  	_ =	shalt  }

// kernel: kernel.15.cloned.1.call-start
scs
__scs_entry_jumppad:
0x0: {  	(pc) =	sbr.rel $0x88, $3  }
0x1: {  	(tag) =	ssettag $0x0;
	lr =	simm.s32 $0x1  }
0x2: {  	[smem:$0x3F8D] =	sst lr;
	_ =	strace $0xD0000000  }
0x3: {  	_ = 	snop  }
0x4: {  	_ = 	snop  }
0x5: {  	_ = 	snop  }
0x6: {  	_ = 	snop  }
0x7: {  	_ = 	snop  }
__scs_overlays_trampoline_lowered:
0x8: {  	[smem:$0x3F9C] =	sst s0  }
0x9: {  	[smem:$0x3F9D] =	sst s1  }
0xa: {  	[smem:$0x3F9E] =	sst s2  }
0xb: {  	[smem:$0x3F9F] =	sst s3  }
0xc: {  	[smem:$0x3FA0] =	sst s4  }
0xd: {  	[smem:$0x3FA1] =	sst s5  }
0xe: {  	[smem:$0x3FA2] =	sst s6  }
0xf: {  	[smem:$0x3FA3] =	sst s7  }
0x10: {  	[smem:$0x3FA4] =	sst s8  }
0x11: {  	[smem:$0x3FA5] =	sst s9;
	s0 =	simm.s32 @!p0 $0x0  }
0x12: {  	s1 =	sld [smem:$0x3F8B];
	s0 =	simm.s32 @p0 $0x1  }
0x13: {  	[smem:$0x3FA6] =	sst s0;
	s0 =	simm.s32 @!p1 $0x0  }
0x14: {  	s2 =	sld [smem:$0x3F8A];
	s0 =	simm.s32 @p1 $0x1  }
0x15: {  	[smem:$0x3FA7] =	sst s0;
	s0 =	simm.s32 @!p2 $0x0  }
0x16: {  	s3 =	sld [smem:$0x3FDB];
	s0 =	simm.s32 @p2 $0x1  }
0x17: {  	s4 =	simm.s32 $0x1BF5;
	[smem:$0x3FA9] =	sst s0  }
0x18: {  	s0 =	sld [smem:$0x3F8C];
	_ =	swait.ge [sflag:s4], $0x0  }
0x19: {  	s7 =	sld [smem:$0x3F8D]  }
0x1a: {  	s8 =	sadd.s32 $0xFFFFE003, lr  }
0x1b: {  	s9 =	sadd.s32 $0xFFFFFEF7, lr;
	s5 =	simm.s32 $0xFFFFFFFF;
	p2 =	slt.u32 s8, $0xFFFFF086  }
0x1c: {  	p1 =	slt.u32 s9, $0xF7A;
	s5 =	simm.s32 @!p2 $0x0  }
0x1d: {  	s5 =	simm.s32 @p1 $0x1;
	p0 =	seq.s32 s7, s2  }
0x1e: {  	s7 =	smul.u32 @!p0 $0xF7A, s2;
	p2 =	seq.s32 @!p0 s5, $0x0  }
0x1f: {  	s9 =	smul.u32 $0xF7A, s1;
	s8 =	simm.s32 @!p0 $0x1BF5;
	p2 =	por !p2, p0  }
0x20: {  	[sflag:s8] =	ssyncset.s32 @!p0 $0xFFFFF086;
	s6 =	sadd.s32 @!p0 s3, s7;
	s7 =	simm.s32 @!p0 $0x108  }
0x21: {  	s3 =	sadd.s32 s3, s9;
	s6 =	sadd.s32 @!p0 $0x88, s6;
	s7 =	simm.s32 @p2 $0x1082  }
0x22: {  	[simem:s7], [sflag:s8] =	dma.local @!p0 [hbm:s6], $0xF7A  }
0x23: {  	s9 =	sor.u32 $0xD0000000, s2;
	s6 =	simm.s32 $0x108;
	_ =	swait.ge @!p0 [sflag:s8], $0x0  }
0x24: {  	s3 =	sadd.s32 $0x88, s3;
	s6 =	simm.s32 @!p1 $0x1082;
	[sflag:s4] =	ssyncset.s32 $0xFFFFF086  }
0x25: {  	[simem:s6], [sflag:s4] =	dma.local [hbm:s3], $0xF7A  }
0x26: {  	[smem:$0x3F8D] =	sst s1;
	(tag) =	ssettag s2;
	_ =	strace s9  }
0x27: {  	s1 =	sld [smem:$0x3F9D]  }
0x28: {  	s2 =	sld [smem:$0x3F9E]  }
0x29: {  	s4 =	sld [smem:$0x3FA0]  }
0x2a: {  	p0 =	seq.s32 s5, $0x0;
	s5 =	sld [smem:$0x3FA1]  }
0x2b: {  	s6 =	sld [smem:$0x3FA2]  }
0x2c: {  	s7 =	sld [smem:$0x3FA3]  }
0x2d: {  	s3 =	simm.s32 $0x108;
	s8 =	sld [smem:$0x3FA4]  }
0x2e: {  	s3 =	simm.s32 @!p0 $0x1082;
	s9 =	sld [smem:$0x3FA5]  }
0x2f: {  	lr =	sadd.s32 s0, s3;
	s0 =	sld [smem:$0x3F9C]  }
0x30: {  	s3 =	sld [smem:$0x3F9F]  }
0x31: {  	[smem:$0x3FA8] =	sst s10  }
0x32: {  	s10 =	sld [smem:$0x3FA6];
	_ =	sdelay $0x3  }
0x33: {  	p0 =	seq.s32 s10, $0x1;
	s10 =	sld [smem:$0x3FA8];
	_ =	sdelay $0x3  }
0x34: {  	[smem:$0x3FA8] =	sst s10  }
0x35: {  	s10 =	sld [smem:$0x3FA7];
	_ =	sdelay $0x3  }
0x36: {  	p1 =	seq.s32 s10, $0x1;
	s10 =	sld [smem:$0x3FA8];
	_ =	sdelay $0x3  }
0x37: {  	[smem:$0x3FA8] =	sst s10  }
0x38: {  	s10 =	sld [smem:$0x3FA9]  }
0x39: {  	_ = 	snop;
	(pc) =	sbr.ind lr, $3  }
0x3a: {  	_ = 	snop  }
0x3b: {  	_ = 	snop  }
0x3c: {  	p2 =	seq.s32 s10, $0x1;
	s10 =	sld [smem:$0x3FA8]  }
0x3d: {  	_ =	shalt  }
0x3e: {  	_ =	shalt  }
0x3f: {  	_ =	shalt  }
0x40: {  	_ =	shalt  }
0x41: {  	_ =	shalt  }
0x42: {  	_ =	shalt  }
0x43: {  	_ =	shalt  }
0x44: {  	_ =	shalt  }
0x45: {  	_ =	shalt  }
0x46: {  	_ =	shalt  }
0x47: {  	_ =	shalt  }
0x48: {  	_ =	shalt  }
0x49: {  	_ =	shalt  }
0x4a: {  	_ =	shalt  }
0x4b: {  	_ =	shalt  }
0x4c: {  	_ =	shalt  }
0x4d: {  	_ =	shalt  }
0x4e: {  	_ =	shalt  }
0x4f: {  	_ =	shalt  }
0x50: {  	_ =	shalt  }
0x51: {  	_ =	shalt  }
0x52: {  	_ =	shalt  }
0x53: {  	_ =	shalt  }
0x54: {  	_ =	shalt  }
0x55: {  	_ =	shalt  }
0x56: {  	_ =	shalt  }
0x57: {  	_ =	shalt  }
0x58: {  	_ =	shalt  }
0x59: {  	_ =	shalt  }
0x5a: {  	_ =	shalt  }
0x5b: {  	_ =	shalt  }
0x5c: {  	_ =	shalt  }
0x5d: {  	_ =	shalt  }
0x5e: {  	_ =	shalt  }
0x5f: {  	_ =	shalt  }
0x60: {  	_ =	shalt  }
0x61: {  	_ =	shalt  }
0x62: {  	_ =	shalt  }
0x63: {  	_ =	shalt  }
0x64: {  	_ =	shalt  }
0x65: {  	_ =	shalt  }
0x66: {  	_ =	shalt  }
0x67: {  	_ =	shalt  }
0x68: {  	_ =	shalt  }
0x69: {  	_ =	shalt  }
0x6a: {  	_ =	shalt  }
0x6b: {  	_ =	shalt  }
0x6c: {  	_ =	shalt  }
0x6d: {  	_ =	shalt  }
0x6e: {  	_ =	shalt  }
0x6f: {  	_ =	shalt  }
0x70: {  	_ =	shalt  }
0x71: {  	_ =	shalt  }
0x72: {  	_ =	shalt  }
0x73: {  	_ =	shalt  }
0x74: {  	_ =	shalt  }
0x75: {  	_ =	shalt  }
0x76: {  	_ =	shalt  }
0x77: {  	_ =	shalt  }
0x78: {  	_ =	shalt  }
0x79: {  	_ =	shalt  }
0x7a: {  	_ =	shalt  }
0x7b: {  	_ =	shalt  }
0x7c: {  	_ =	shalt  }
0x7d: {  	_ =	shalt  }
0x7e: {  	_ =	shalt  }
0x7f: {  	_ =	shalt  }
0x80: {  	_ =	shalt  }
0x81: {  	_ =	shalt  }
0x82: {  	_ =	shalt  }
0x83: {  	_ =	shalt  }
0x84: {  	_ =	shalt  }
0x85: {  	_ =	shalt  }
0x86: {  	_ =	shalt  }
0x87: {  	_ =	shalt  }
.Lfunc_end0:
.L_simem_size_0:
called_computation.2_lowered:
.L_overlay_start_0:
0x88: {  	s2 =	sld [smem:$0x3FD9]  }
0x89: {  	s3 =	sld [smem:$0x3FFE];
	_ =	sdelay $0x1  }
0x8a: {  	s1 =	srdreg.scid  }
0x8b: {  	s0 =	sand.u32 $0x1, s1  }
0x8c: {  	s16 =	sshll.u32 s0, $0xA;
	s2 =	sadd.s32 s3, s2  }
0x8d: {  	s2 =	sadd.s32 s2, s16  }
0x8e: {  	[smem:$0x3FB4] =	sst s2  }
0x8f: {  	_ = 	snop  }
0x90: {  	(tm) =	ssettm $0x1  }
0x91: {  	s17 =	sld [smem:$0x3FFB];
	_ =	sdelay $0x3  }
0x92: {  	_ =	strace s17  }
0x93: {  	s2 =	sld [smem:$0x3FFC];
	_ =	sdelay $0x3  }
0x94: {  	_ =	strace s2  }
0x95: {  	s2 =	sld [smem:$0x3FFD];
	_ =	sdelay $0x3  }
0x96: {  	_ =	strace s2  }
0x97: {  	_ =	strace $0x8FFFFFFF  }
0x98: {  	s18 =	sld [smem:$0x3FDB];
	_ =	sdelay $0x1  }
0x99: {  	s19 =	simm.s32 $_scs_section_size  }
0x9a: {  	s4 =	simm.s32 $_size__tile_overlayer_lowered;
	s5 =	simm.s32 $_tile_overlayer_lowered  }
0x9b: {  	s22 =	simm.s32 $0x1BFF;
	s21 =	sshll.u32 s5, $0x1;
	s2 =	sadd.s32 s19, s18  }
0x9c: {  	s6 =	simm.s32 $0x0;
	s20 =	sshll.u32 s4, $0x1;
	s4 =	sadd.s32 s21, s2  }
0x9d: {  	[timem:s6], [sflag:s22] =	dma.local [hbm:s4], s20  }
0x9e: {  	_ =	swait.ge [sflag:s22], s20  }
0x9f: {  	s3 =	ssub.s32 $0x0, s20;
	[sflag:s22] =	ssyncset.done $0x0  }
0xa0: {  	[sflag:s22] =	ssyncadd.s32 s3;
	_ =	sdelay $0x1  }
0xa1: {  	s23 =	simm.s32 $0x1B8B  }
0xa2: {  	_ =	swait.ge [sflag:s23], $0x1  }
0xa3: {  	[sflag:s23] =	ssyncset.done $0x0  }
0xa4: {  	s25 =	simm.s32 $0x1B8E;
	s24 =	sld [smem:$0x3FFE];
	[sflag:s23] =	ssyncadd.s32 $0xFFFFFFFF  }
0xa5: {  	s26 =	simm.s32 $execute0_lowered;
	[smem:$0x3FD2] =	sst s25  }
0xa6: {  	s4 =	sshll.u32 s26, $0x1;
	_ =	strace $0x8000004C;
	[dreg:$0x1] =	wrdreg $0xFFFFFFFF  }
0xa7: {  	s28 =	simm.s32 $_size_execute0_lowered;
	s2 =	sadd.s32 s2, s4;
	[dreg:$0x0] =	wrdreg $0x0  }
0xa8: {  	s4 =	sshll.u32 s28, $0x1;
	[dreg:$0x2] =	wrdreg s2  }
0xa9: {  	[dreg:$0x3] =	wrdreg s4  }
0xaa: {  	[dreg:$0x4] =	wrdreg $0xC0  }
0xab: {  	_ =	task [dreg:s6], $0x5FFFF  }
0xac: {  	[dreg:$0x1] =	wrdreg $0xFFFFFFFF  }
0xad: {  	[dreg:$0x0] =	wrdreg $0x60  }
0xae: {  	[dreg:$0x2] =	wrdreg s24  }
0xaf: {  	[dreg:$0x3] =	wrdreg $0x70000  }
0xb0: {  	[dreg:$0x4] =	wrdreg $0x9  }
0xb1: {  	_ =	task.clear_ibuf [dreg:s6], $0x5FFFF;
	_ =	strace $0x9000004C  }
0xb2: {  	s29 =	simm.s32 $0x9;
	_ =	strace $0x8000004E  }
0xb3: {  	_ =	swait.ge [sflag:s29], $0x1  }
0xb4: {  	[sflag:s29] =	ssyncadd.s32 $0xFFFFFFFF  }
0xb5: {  	_ =	strace $0x9000004E  }
0xb6: {  	_ =	sfence  }
0xb7: {  	s30 =	sld [smem:$0x0];
	_ =	sdelay $0x2  }
0xb8: {  	s31 =	sshll.u32 s1, $0xD;
	s1 =	sshrl.u32 s1, $0x2  }
0xb9: {  	s3 =	sand.u32 $0x4000, s31;
	s1 =	sadd.s32 s1, s30  }
0xba: {  	s0 =	sor.u32 s3, s0;
	s1 =	sshll.u32 s1, $0x11  }
0xbb: {  	s0 =	sor.u32 s1, s0  }
0xbc: {  	s0 =	sadd.s32 $0x8F2B, s0  }
0xbd: {  	[sflag:s0] =	ssyncadd.remote.s32 $0x1  }
0xbe: {  	_ =	sfence.sel $0xFFFF  }
0xbf: {  	[dreg:$0x0] =	wrdreg $0xFFFFFFFF;
	(pc) =	sbr.abs _section_cstart, $3  }
0xc0: {  	[dreg:$0x1] =	wrdreg $0xFFFFFFFF  }
0xc1: {  	_ =	task.clear_ibuf [dreg:s6], $0x2FFFF;
	_ =	strace $0x9FFFFFFF  }
0xc2: {  	(tm) =	ssettm $0x7FFFFFFF  }
0xc3: {  	_ =	shalt  }
tec
execute0_lowered:
.L_overlay_start_1:
0x0: {  	(tag) =	ssettag $0x1  }
0x1: {  	s0 =	srdreg.scid  }
0x2: {  	s16 =	stileid.u32;
	s4 =	rddreg [dreg:$0x0]  }
0x3: {  	s1 =	rddreg [dreg:$0x1];
	s5 =	smul.u32 $0x5000, s16  }
0x4: {  	s2 =	simm.s32 $0x0;
	s0 =	sand.u32 $0x1, s0;
	s7 =	smul.u32 $0x14000, s16  }
0x5: {  	[smem:$0x7FF] =	sst s2;
	s3 =	smul.u32 $0x50000, s0  }
0x6: {  	s8 =	sadd.s32 $0x55000, s4;
	s6 =	smul.u32 $0x140000, s0;
	s0 =	ssub.s32 $0x2, s0  }
0x7: {  	s26 =	smul.u32 $0x50000, s16;
	s16 =	sadd.s32 $0x5E00, s4;
	s9 =	sshrl.u32 s0, $0x1  }
0x8: {  	s10 =	sadd.s32 $0x4000, s7;
	s12 =	sadd.s32 $0x6000, s7;
	s13 =	sadd.s32 $0xA000, s7  }
0x9: {  	s0 =	ssub.s32 s0, s9;
	s3 =	sadd.s32 s5, s3;
	s15 =	sadd.s32 s6, s7  }
0xa: {  	s9 =	sor.u32 $0x2000, s7;
	s11 =	sadd.s32 s6, s10;
	s19 =	sadd.s32 s6, s12  }
0xb: {  	s14 =	sadd.s32 s6, s13;
	s5 =	sshrl.u32 s15, $0x3;
	s17 =	sadd.s32 s6, s9  }
0xc: {  	s11 =	sshrl.u32 s11, $0x3;
	s14 =	sshrl.u32 s14, $0x3;
	s0 =	smax.u32 s0, $0x1  }
0xd: {  	s9 =	sadd.s32 s9, s1;
	s5 =	sadd.s32 s8, s5;
	s18 =	sadd.s32 s8, s11  }
0xe: {  	s11 =	sadd.s32 $0x8000, s7;
	[dreg:$0x3] =	wrdreg s5;
	s5 =	sshrl.u32 s17, $0x3  }
0xf: {  	s21 =	sadd.s32 s8, s14;
	[dreg:$0x5] =	wrdreg s18;
	s5 =	sadd.s32 s8, s5  }
0x10: {  	s14 =	sadd.s32 $0xE000, s7;
	[dreg:$0x4] =	wrdreg s5;
	s5 =	sshrl.u32 s19, $0x3  }
0x11: {  	s20 =	sadd.s32 s6, s11;
	[dreg:$0x8] =	wrdreg s21;
	s5 =	sadd.s32 s8, s5  }
0x12: {  	s19 =	sadd.s32 $0xC000, s7;
	[dreg:$0x6] =	wrdreg s5;
	s5 =	sshrl.u32 s20, $0x3  }
0x13: {  	s23 =	sadd.s32 s6, s14;
	s22 =	sadd.s32 s6, s19;
	s5 =	sadd.s32 s8, s5  }
0x14: {  	s17 =	sadd.s32 $0x19E00, s4;
	[dreg:$0x7] =	wrdreg s5;
	s5 =	sshrl.u32 s22, $0x3  }
0x15: {  	s20 =	sadd.s32 $0x10000, s7;
	s7 =	sadd.s32 $0x12000, s7;
	s5 =	sadd.s32 s8, s5  }
0x16: {  	s15 =	sadd.s32 s6, s20;
	[dreg:$0x9] =	wrdreg s5;
	s5 =	sshrl.u32 s23, $0x3  }
0x17: {  	s25 =	sadd.s32 s6, s7;
	s15 =	sshrl.u32 s15, $0x3;
	s5 =	sadd.s32 s8, s5  }
0x18: {  	s24 =	sadd.s32 s8, s15;
	[dreg:$0xa] =	wrdreg s5;
	s5 =	sshrl.u32 s25, $0x3  }
0x19: {  	s21 =	sadd.s32 s10, s1;
	[dreg:$0xb] =	wrdreg s24;
	s5 =	sadd.s32 s8, s5  }
0x1a: {  	s10 =	simm.s32 $0x2;
	s28 =	sadd.s32 s20, s1;
	[dreg:$0xc] =	wrdreg s5  }
0x1b: {  	s29 =	sadd.s32 s7, s1;
	_ =	strace $0x8000004D;
	[dreg:$0xd] =	wrdreg s0  }
0x1c: {  	s20 =	simm.s32 $0x0;
	s22 =	sadd.s32 s12, s1;
	[dreg:$0xe] =	wrdreg s9  }
0x1d: {  	s12 =	simm.s32 $0x800;
	s15 =	sadd.s32 $0x2DE00, s4;
	[dreg:$0xf] =	wrdreg s21  }
0x1e: {  	s23 =	sadd.s32 s11, s1;
	s24 =	sadd.s32 s13, s1;
	[dreg:$0x10] =	wrdreg s22  }
0x1f: {  	s13 =	simm.s32 $0x80;
	s25 =	sadd.s32 s19, s1;
	[dreg:$0x11] =	wrdreg s23  }
0x20: {  	s19 =	simm.s32 $0x1;
	s8 =	sshrl.u32 s26, $0x2;
	[dreg:$0x12] =	wrdreg s24  }
0x21: {  	s26 =	sadd.s32 s14, s1;
	s18 =	sadd.s32 s8, s1;
	[dreg:$0x13] =	wrdreg s25  }
0x22: {  	s14 =	simm.s32 $0x1000;
	[dreg:$0x14] =	wrdreg s26;
	s30 =	sadd.s32 $0x2000, s18  }
0x23: {  	s31 =	sadd.s32 $0x4000, s18;
	s11 =	sadd.s32 $0x6000, s18;
	s0 =	sadd.s32 $0x8000, s18  }
0x24: {  	s4 =	sadd.s32 $0xA000, s18;
	s5 =	sadd.s32 $0xC000, s18;
	s6 =	sadd.s32 $0xE000, s18  }
0x25: {  	v0 =	vimm.f32 $0.0e+00;
	s7 =	sadd.s32 $0x10000, s18;
	s8 =	sadd.s32 $0x12000, s18;
	s9 =	simm.s32 $0x5000  }
.LBB2_1:
0x26: {  	s21 =	simm.s32 $0x0;
	s22 =	simm.s32 $0x200  }
.LBB2_2:
0x27: {  	p0 =	sne.s32 s22, $0x7E00;
	[tilespmem:s21+$0x5070] =	vst v0  }
0x28: {  	[tilespmem:s21+$0x5000] =	vst v0  }
0x29: {  	[tilespmem:s21+$0x5010] =	vst v0  }
.Ltmp0:
0x2a: {  	[tilespmem:s21+$0x5020] =	vst v0;
	(pc) =	sbr.rel @p0 .LBB2_2-.Ltmp0, $4  }
0x2b: {  	[tilespmem:s21+$0x5030] =	vst v0  }
0x2c: {  	[tilespmem:s21+$0x5040] =	vst v0  }
0x2d: {  	[tilespmem:s21+$0x5050] =	vst v0  }
0x2e: {  	[tilespmem:s21+$0x5060] =	vst v0;
	s21 =	sshra.s32 s22, $0x2;
	s22 =	sadd.s32 $0x200, s22  }
0x2f: {  	[tilespmem:s21+$0x5070] =	vst v0  }
0x30: {  	[tilespmem:s21+$0x5000] =	vst v0  }
0x31: {  	[tilespmem:s21+$0x5010] =	vst v0  }
0x32: {  	[tilespmem:s21+$0x5020] =	vst v0  }
0x33: {  	[tilespmem:s21+$0x5030] =	vst v0  }
0x34: {  	[tilespmem:s21+$0x5040] =	vst v0  }
0x35: {  	[tilespmem:s21+$0x5050] =	vst v0  }
0x36: {  	[tilespmem:s21+$0x5060] =	vst v0  }
0x37: {  	[spmem:s18] =	stream.linear.scatter [tilespmem:s9], [sflag:$0x2], $0x2000, $0x38;
	[tilespmem:$0x1B000] =	vst v63  }
0x38: {  	_ =	swait.ge [sflag:s10], $0x2000  }
0x39: {  	[sflag:s10] =	ssyncset.done $0x0  }
0x3a: {  	[sflag:s10] =	ssyncadd.s32 $0xFFFFE000  }
0x3b: {  	[spmem:s30] =	stream.linear.scatter [tilespmem:s9], [sflag:$0x2], $0x2000, $0x38;
	[tilespmem:$0x1B000] =	vst v63  }
0x3c: {  	_ =	swait.ge [sflag:s10], $0x2000  }
0x3d: {  	[sflag:s10] =	ssyncset.done $0x0  }
0x3e: {  	[sflag:s10] =	ssyncadd.s32 $0xFFFFE000  }
0x3f: {  	[spmem:s31] =	stream.linear.scatter [tilespmem:s9], [sflag:$0x2], $0x2000, $0x38;
	[tilespmem:$0x1B000] =	vst v63  }
0x40: {  	_ =	swait.ge [sflag:s10], $0x2000  }
0x41: {  	[sflag:s10] =	ssyncset.done $0x0  }
0x42: {  	[sflag:s10] =	ssyncadd.s32 $0xFFFFE000  }
0x43: {  	[spmem:s11] =	stream.linear.scatter [tilespmem:s9], [sflag:$0x2], $0x2000, $0x38;
	[tilespmem:$0x1B000] =	vst v63  }
0x44: {  	_ =	swait.ge [sflag:s10], $0x2000  }
0x45: {  	[sflag:s10] =	ssyncset.done $0x0  }
0x46: {  	[sflag:s10] =	ssyncadd.s32 $0xFFFFE000  }
0x47: {  	[spmem:s0] =	stream.linear.scatter [tilespmem:s9], [sflag:$0x2], $0x2000, $0x38;
	[tilespmem:$0x1B000] =	vst v63  }
0x48: {  	_ =	swait.ge [sflag:s10], $0x2000  }
0x49: {  	[sflag:s10] =	ssyncset.done $0x0  }
0x4a: {  	[sflag:s10] =	ssyncadd.s32 $0xFFFFE000  }
0x4b: {  	[spmem:s4] =	stream.linear.scatter [tilespmem:s9], [sflag:$0x2], $0x2000, $0x38;
	[tilespmem:$0x1B000] =	vst v63  }
0x4c: {  	_ =	swait.ge [sflag:s10], $0x2000  }
0x4d: {  	[sflag:s10] =	ssyncset.done $0x0  }
0x4e: {  	[sflag:s10] =	ssyncadd.s32 $0xFFFFE000  }
0x4f: {  	[spmem:s5] =	stream.linear.scatter [tilespmem:s9], [sflag:$0x2], $0x2000, $0x38;
	[tilespmem:$0x1B000] =	vst v63  }
0x50: {  	_ =	swait.ge [sflag:s10], $0x2000  }
0x51: {  	[sflag:s10] =	ssyncset.done $0x0  }
0x52: {  	[sflag:s10] =	ssyncadd.s32 $0xFFFFE000  }
0x53: {  	[spmem:s6] =	stream.linear.scatter [tilespmem:s9], [sflag:$0x2], $0x2000, $0x38;
	[tilespmem:$0x1B000] =	vst v63  }
0x54: {  	_ =	swait.ge [sflag:s10], $0x2000  }
0x55: {  	[sflag:s10] =	ssyncset.done $0x0  }
0x56: {  	[sflag:s10] =	ssyncadd.s32 $0xFFFFE000  }
0x57: {  	[spmem:s7] =	stream.linear.scatter [tilespmem:s9], [sflag:$0x2], $0x2000, $0x38;
	[tilespmem:$0x1B000] =	vst v63  }
0x58: {  	_ =	swait.ge [sflag:s10], $0x2000  }
0x59: {  	[sflag:s10] =	ssyncset.done $0x0  }
0x5a: {  	[sflag:s10] =	ssyncadd.s32 $0xFFFFE000  }
0x5b: {  	[spmem:s8] =	stream.linear.scatter [tilespmem:s9], [sflag:$0x2], $0x2000, $0x38;
	[tilespmem:$0x1B000] =	vst v63  }
0x5c: {  	_ =	swait.ge [sflag:s10], $0x2000  }
0x5d: {  	[sflag:s10] =	ssyncset.done $0x0  }
0x5e: {  	[sflag:s10] =	ssyncadd.s32 $0xFFFFE000  }
0x5f: {  	s21 =	simm.s32 $0x0;
	s22 =	simm.s32 $0x0;
	[bflag:$0x0] =	sbarrier.arrive $0xFFFF  }
.LBB2_4:
0x60: {  	s23 =	sshll.u32 s22, $0xB  }
0x61: {  	s23 =	sadd.s32 s23, s3  }
0x62: {  	s23 =	sshrl.u32 s23, $0x3  }
0x63: {  	s24 =	sadd.s32 s16, s23  }
0x64: {  	[tilespmem:s21], [sflag:$0x2] =	stream.linear.gather [hbm4b:s24+s21], $0x800, $0x38;
	[tilespmem:$0x1B000] =	vst v63  }
0x65: {  	_ =	swait.ge [sflag:s10], $0x800  }
0x66: {  	[sflag:s10] =	ssyncset.done $0x0  }
0x67: {  	s23 =	sadd.s32 s17, s23;
	[sflag:s10] =	ssyncadd.s32 $0xFFFFF800  }
0x68: {  	[tilespmem:s12], [sflag:$0x2] =	stream.linear.gather [hbm4b:s23+s21], $0x800, $0x38;
	[tilespmem:$0x1B000] =	vst v63  }
0x69: {  	_ =	swait.ge [sflag:s10], $0x800  }
0x6a: {  	[sflag:s10] =	ssyncset.done $0x0  }
0x6b: {  	s25 =	simm.s32 $0x0;
	[sflag:s10] =	ssyncadd.s32 $0xFFFFF800  }
0x6c: {  	[tilespmem:s14], [sflag:$0x1] =	stream.indirect.gather [hbm4b:s15+s13], $0x80, s25, s13, $0xb8;
	[tilespmem:$0x1B000] =	vst v63  }
0x6d: {  	_ =	swait.ge [sflag:s19], $0x4000  }
0x6e: {  	[sflag:s19] =	ssyncset.done $0x0  }
0x6f: {  	s26 =	simm.s32 $0x800;
	[sflag:s19] =	ssyncadd.s32 $0xFFFFC000  }
0x70: {  	[spmem:s1] =	stream.indirect.scatter.add.f32 [tilespmem:s14], [sflag:$0x2], $0x80, s26, s13, $0xb8;
	[tilespmem:$0x1B000] =	vst v63  }
0x71: {  	_ =	swait.ge [sflag:s10], $0x4000  }
0x72: {  	s24 =	simm.s32 $0x400;
	s23 =	simm.s32 $0x200;
	[sflag:s10] =	ssyncset.done $0x0  }
.LBB2_5:
0x73: {  	s25 =	sshra.s32 s23, $0x2  }
0x74: {  	[sflag:s10] =	ssyncadd.s32 $0xFFFFC000;
	s23 =	smov.u32 s24;
	s26 =	sadd.s32 $0x200, s24  }
0x75: {  	[tilespmem:s14], [sflag:$0x1] =	stream.indirect.gather [hbm4b:s15+s13], $0x80, s25, s13, $0xb8;
	[tilespmem:$0x1B000] =	vst v63  }
0x76: {  	p0 =	sne.s32 s24, $0x1E00;
	_ =	swait.ge [sflag:s19], $0x4000  }
.Ltmp1:
0x77: {  	[sflag:s19] =	ssyncset.done $0x0;
	(pc) =	sbr.rel @p0 .LBB2_5-.Ltmp1, $4  }
0x78: {  	s24 =	sadd.s32 $0x800, s25;
	[sflag:s19] =	ssyncadd.s32 $0xFFFFC000  }
0x79: {  	[spmem:s1] =	stream.indirect.scatter.add.f32 [tilespmem:s14], [sflag:$0x2], $0x80, s24, s13, $0xb8;
	[tilespmem:$0x1B000] =	vst v63  }
0x7a: {  	_ =	swait.ge [sflag:s10], $0x4000  }
0x7b: {  	s24 =	smov.u32 s26;
	[sflag:s10] =	ssyncset.done $0x0  }
0x7c: {  	s23 =	sshra.s32 s23, $0x2;
	[sflag:s10] =	ssyncadd.s32 $0xFFFFC000  }
0x7d: {  	[tilespmem:s14], [sflag:$0x1] =	stream.indirect.gather [hbm4b:s15+s13], $0x80, s23, s13, $0xb8;
	[tilespmem:$0x1B000] =	vst v63  }
0x7e: {  	s22 =	sadd.s32 $0x1, s22;
	_ =	swait.ge [sflag:s19], $0x4000  }
0x7f: {  	p0 =	sne.s32 s22, $0xA;
	[sflag:s19] =	ssyncset.done $0x0  }
.Ltmp2:
0x80: {  	s23 =	sadd.s32 $0x800, s23;
	[sflag:s19] =	ssyncadd.s32 $0xFFFFC000;
	(pc) =	sbr.rel @p0 .LBB2_4-.Ltmp2, $4  }
0x81: {  	[spmem:s1] =	stream.indirect.scatter.add.f32 [tilespmem:s14], [sflag:$0x2], $0x80, s23, s13, $0xb8;
	[tilespmem:$0x1B000] =	vst v63  }
0x82: {  	_ =	swait.ge [sflag:s10], $0x4000  }
0x83: {  	[sflag:s10] =	ssyncset.done $0x0  }
0x84: {  	[sflag:s10] =	ssyncadd.s32 $0xFFFFC000  }
0x85: {  	[bflag:$0x0] =	sbarrier.arrive $0xFFFF  }
0x86: {  	[tilespmem:s9], [sflag:$0x2] =	stream.linear.gather [spmem:s18], $0x2000, $0x38;
	[tilespmem:$0x1B000] =	vst v63  }
0x87: {  	_ =	swait.ge [sflag:s10], $0x2000  }
0x88: {  	[sflag:s10] =	ssyncset.done $0x0  }
0x89: {  	s21 =	rddreg [dreg:$0x3];
	[sflag:s10] =	ssyncadd.s32 $0xFFFFE000  }
0x8a: {  	[hbm4b:s21+s2] =	stream.linear.scatter [tilespmem:s9], [sflag:$0x2], $0x2000, $0x38;
	[tilespmem:$0x1B000] =	vst v63  }
0x8b: {  	_ =	swait.ge [sflag:s10], $0x2000  }
0x8c: {  	[sflag:s10] =	ssyncset.done $0x0  }
0x8d: {  	s25 =	rddreg [dreg:$0xe];
	[sflag:s10] =	ssyncadd.s32 $0xFFFFE000  }
0x8e: {  	[tilespmem:s9], [sflag:$0x2] =	stream.linear.gather [spmem:s25], $0x2000, $0x38;
	[tilespmem:$0x1B000] =	vst v63  }
0x8f: {  	_ =	swait.ge [sflag:s10], $0x2000  }
0x90: {  	[sflag:s10] =	ssyncset.done $0x0  }
0x91: {  	s26 =	rddreg [dreg:$0x4];
	[sflag:s10] =	ssyncadd.s32 $0xFFFFE000  }
0x92: {  	[hbm4b:s26+s2] =	stream.linear.scatter [tilespmem:s9], [sflag:$0x2], $0x2000, $0x38;
	[tilespmem:$0x1B000] =	vst v63  }
0x93: {  	_ =	swait.ge [sflag:s10], $0x2000  }
0x94: {  	[sflag:s10] =	ssyncset.done $0x0  }
0x95: {  	s22 =	rddreg [dreg:$0xf];
	[sflag:s10] =	ssyncadd.s32 $0xFFFFE000  }
0x96: {  	[tilespmem:s9], [sflag:$0x2] =	stream.linear.gather [spmem:s22], $0x2000, $0x38;
	[tilespmem:$0x1B000] =	vst v63  }
0x97: {  	_ =	swait.ge [sflag:s10], $0x2000  }
0x98: {  	[sflag:s10] =	ssyncset.done $0x0  }
0x99: {  	s23 =	rddreg [dreg:$0x5];
	[sflag:s10] =	ssyncadd.s32 $0xFFFFE000  }
0x9a: {  	[hbm4b:s23+s2] =	stream.linear.scatter [tilespmem:s9], [sflag:$0x2], $0x2000, $0x38;
	[tilespmem:$0x1B000] =	vst v63  }
0x9b: {  	_ =	swait.ge [sflag:s10], $0x2000  }
0x9c: {  	[sflag:s10] =	ssyncset.done $0x0  }
0x9d: {  	s24 =	rddreg [dreg:$0x10];
	[sflag:s10] =	ssyncadd.s32 $0xFFFFE000  }
0x9e: {  	[tilespmem:s9], [sflag:$0x2] =	stream.linear.gather [spmem:s24], $0x2000, $0x38;
	[tilespmem:$0x1B000] =	vst v63  }
0x9f: {  	_ =	swait.ge [sflag:s10], $0x2000  }
0xa0: {  	[sflag:s10] =	ssyncset.done $0x0  }
0xa1: {  	s25 =	rddreg [dreg:$0x6];
	[sflag:s10] =	ssyncadd.s32 $0xFFFFE000  }
0xa2: {  	[hbm4b:s25+s2] =	stream.linear.scatter [tilespmem:s9], [sflag:$0x2], $0x2000, $0x38;
	[tilespmem:$0x1B000] =	vst v63  }
0xa3: {  	_ =	swait.ge [sflag:s10], $0x2000  }
0xa4: {  	[sflag:s10] =	ssyncset.done $0x0  }
0xa5: {  	s26 =	rddreg [dreg:$0x11];
	[sflag:s10] =	ssyncadd.s32 $0xFFFFE000  }
0xa6: {  	[tilespmem:s9], [sflag:$0x2] =	stream.linear.gather [spmem:s26], $0x2000, $0x38;
	[tilespmem:$0x1B000] =	vst v63  }
0xa7: {  	_ =	swait.ge [sflag:s10], $0x2000  }
0xa8: {  	[sflag:s10] =	ssyncset.done $0x0  }
0xa9: {  	s22 =	rddreg [dreg:$0x7];
	[sflag:s10] =	ssyncadd.s32 $0xFFFFE000  }
0xaa: {  	[hbm4b:s22+s2] =	stream.linear.scatter [tilespmem:s9], [sflag:$0x2], $0x2000, $0x38;
	[tilespmem:$0x1B000] =	vst v63  }
0xab: {  	_ =	swait.ge [sflag:s10], $0x2000  }
0xac: {  	[sflag:s10] =	ssyncset.done $0x0  }
0xad: {  	s23 =	rddreg [dreg:$0x12];
	[sflag:s10] =	ssyncadd.s32 $0xFFFFE000  }
0xae: {  	[tilespmem:s9], [sflag:$0x2] =	stream.linear.gather [spmem:s23], $0x2000, $0x38;
	[tilespmem:$0x1B000] =	vst v63  }
0xaf: {  	_ =	swait.ge [sflag:s10], $0x2000  }
0xb0: {  	[sflag:s10] =	ssyncset.done $0x0  }
0xb1: {  	s24 =	rddreg [dreg:$0x8];
	[sflag:s10] =	ssyncadd.s32 $0xFFFFE000  }
0xb2: {  	[hbm4b:s24+s2] =	stream.linear.scatter [tilespmem:s9], [sflag:$0x2], $0x2000, $0x38;
	[tilespmem:$0x1B000] =	vst v63  }
0xb3: {  	_ =	swait.ge [sflag:s10], $0x2000  }
0xb4: {  	[sflag:s10] =	ssyncset.done $0x0  }
0xb5: {  	s25 =	rddreg [dreg:$0x13];
	[sflag:s10] =	ssyncadd.s32 $0xFFFFE000  }
0xb6: {  	[tilespmem:s9], [sflag:$0x2] =	stream.linear.gather [spmem:s25], $0x2000, $0x38;
	[tilespmem:$0x1B000] =	vst v63  }
0xb7: {  	_ =	swait.ge [sflag:s10], $0x2000  }
0xb8: {  	[sflag:s10] =	ssyncset.done $0x0  }
0xb9: {  	s26 =	rddreg [dreg:$0x9];
	[sflag:s10] =	ssyncadd.s32 $0xFFFFE000  }
0xba: {  	[hbm4b:s26+s2] =	stream.linear.scatter [tilespmem:s9], [sflag:$0x2], $0x2000, $0x38;
	[tilespmem:$0x1B000] =	vst v63  }
0xbb: {  	_ =	swait.ge [sflag:s10], $0x2000  }
0xbc: {  	[sflag:s10] =	ssyncset.done $0x0  }
0xbd: {  	s22 =	rddreg [dreg:$0x14];
	[sflag:s10] =	ssyncadd.s32 $0xFFFFE000  }
0xbe: {  	[tilespmem:s9], [sflag:$0x2] =	stream.linear.gather [spmem:s22], $0x2000, $0x38;
	[tilespmem:$0x1B000] =	vst v63  }
0xbf: {  	_ =	swait.ge [sflag:s10], $0x2000  }
0xc0: {  	[sflag:s10] =	ssyncset.done $0x0  }
0xc1: {  	s23 =	rddreg [dreg:$0xa];
	[sflag:s10] =	ssyncadd.s32 $0xFFFFE000  }
0xc2: {  	[hbm4b:s23+s2] =	stream.linear.scatter [tilespmem:s9], [sflag:$0x2], $0x2000, $0x38;
	[tilespmem:$0x1B000] =	vst v63  }
0xc3: {  	_ =	swait.ge [sflag:s10], $0x2000  }
0xc4: {  	[sflag:s10] =	ssyncset.done $0x0  }
0xc5: {  	[sflag:s10] =	ssyncadd.s32 $0xFFFFE000  }
0xc6: {  	[tilespmem:s9], [sflag:$0x2] =	stream.linear.gather [spmem:s28], $0x2000, $0x38;
	[tilespmem:$0x1B000] =	vst v63  }
0xc7: {  	_ =	swait.ge [sflag:s10], $0x2000  }
0xc8: {  	[sflag:s10] =	ssyncset.done $0x0  }
0xc9: {  	s24 =	rddreg [dreg:$0xb];
	[sflag:s10] =	ssyncadd.s32 $0xFFFFE000  }
0xca: {  	[hbm4b:s24+s2] =	stream.linear.scatter [tilespmem:s9], [sflag:$0x2], $0x2000, $0x38;
	[tilespmem:$0x1B000] =	vst v63  }
0xcb: {  	_ =	swait.ge [sflag:s10], $0x2000  }
0xcc: {  	[sflag:s10] =	ssyncset.done $0x0  }
0xcd: {  	[sflag:s10] =	ssyncadd.s32 $0xFFFFE000  }
0xce: {  	[tilespmem:s9], [sflag:$0x2] =	stream.linear.gather [spmem:s29], $0x2000, $0x38;
	[tilespmem:$0x1B000] =	vst v63  }
0xcf: {  	_ =	swait.ge [sflag:s10], $0x2000  }
0xd0: {  	[sflag:s10] =	ssyncset.done $0x0  }
0xd1: {  	s25 =	rddreg [dreg:$0xc];
	[sflag:s10] =	ssyncadd.s32 $0xFFFFE000  }
0xd2: {  	[hbm4b:s25+s2] =	stream.linear.scatter [tilespmem:s9], [sflag:$0x2], $0x2000, $0x38;
	[tilespmem:$0x1B000] =	vst v63  }
0xd3: {  	_ =	swait.ge [sflag:s10], $0x2000  }
0xd4: {  	s20 =	sadd.s32 $0x1, s20;
	s26 =	rddreg [dreg:$0xd]  }
0xd5: {  	p0 =	sne.s32 s20, s26  }
.Ltmp3:
0xd6: {  	_ = 	snop;
	(pc) =	sbr.rel @p0 .LBB2_1-.Ltmp3, $3  }
0xd7: {  	_ =	sdelay $0x1  }
0xd8: {  	[sflag:s10] =	ssyncset.done $0x0  }
0xd9: {  	[sflag:s10] =	ssyncadd.s32 $0xFFFFE000  }
0xda: {  	_ =	sfence.sel $0x180000  }
0xdb: {  	[bflag:$0x0] =	sbarrier.arrive $0xFFFF  }
0xdc: {  	_ =	strace $0x9000004D  }
0xdd: {  	s0 =	stileid.u32;
	[bflag:$0x2] =	sbarrier.arrive $0xFFFF  }
0xde: {  	p0 =	sne.s32 s0, $0x0;
	s0 =	rddreg [dreg:$0x2]  }
0xdf: {  	s0 =	sadd.s32 @!p0 $0x100000, s0  }
0xe0: {  	[sflag:s0] =	ssyncadd.tile.s32 @!p0 $0x1;
	_ =	shalt  }
.Lfunc_end2:
_tile_overlayer_lowered:
.L_overlay_start_2:
0xe1: {  	(tag) =	ssettag $0x2  }
0xe2: {  	s0 =	rddreg [dreg:$0x0];
	s2 =	stileid.u32  }
0xe3: {  	s1 =	rddreg [dreg:$0x1];
	p0 =	sne.s32 s2, $0x0  }
0xe4: {  	s3 =	rddreg [dreg:$0x2];
	[bflag:$0x3] =	sbarrier.arrive $0xFFFF;
	s2 =	simm.s32 @!p0 $0x1C02  }
0xe5: {  	[timem:s3], [sflag:s2] =	dma.local @!p0 [hbm:s0], s1  }
0xe6: {  	s0 =	simm.s32 @!p0 $0x2  }
0xe7: {  	_ =	swait.ge @!p0 [sflag:s0], s1  }
0xe8: {  	s1 =	ssub.s32 @!p0 $0x0, s1;
	[sflag:s0] =	ssyncset.done @!p0 $0x0  }
0xe9: {  	[sflag:s0] =	ssyncadd.s32 @!p0 s1  }
0xea: {  	[bflag:$0x3] =	sbarrier.arrive $0xFFFF  }
0xeb: {  	_ =	shalt  }

// kernel: kernel.9.cloned.1.call-start
scs
__scs_entry_jumppad:
0x0: {  	(pc) =	sbr.rel $0x88, $3  }
0x1: {  	(tag) =	ssettag $0x0;
	lr =	simm.s32 $0x1  }
0x2: {  	[smem:$0x3F8D] =	sst lr;
	_ =	strace $0xD0000000  }
0x3: {  	_ = 	snop  }
0x4: {  	_ = 	snop  }
0x5: {  	_ = 	snop  }
0x6: {  	_ = 	snop  }
0x7: {  	_ = 	snop  }
__scs_overlays_trampoline_lowered:
0x8: {  	[smem:$0x3F9C] =	sst s0  }
0x9: {  	[smem:$0x3F9D] =	sst s1  }
0xa: {  	[smem:$0x3F9E] =	sst s2  }
0xb: {  	[smem:$0x3F9F] =	sst s3  }
0xc: {  	[smem:$0x3FA0] =	sst s4  }
0xd: {  	[smem:$0x3FA1] =	sst s5  }
0xe: {  	[smem:$0x3FA2] =	sst s6  }
0xf: {  	[smem:$0x3FA3] =	sst s7  }
0x10: {  	[smem:$0x3FA4] =	sst s8  }
0x11: {  	[smem:$0x3FA5] =	sst s9;
	s0 =	simm.s32 @!p0 $0x0  }
0x12: {  	s1 =	sld [smem:$0x3F8B];
	s0 =	simm.s32 @p0 $0x1  }
0x13: {  	[smem:$0x3FA6] =	sst s0;
	s0 =	simm.s32 @!p1 $0x0  }
0x14: {  	s2 =	sld [smem:$0x3F8A];
	s0 =	simm.s32 @p1 $0x1  }
0x15: {  	[smem:$0x3FA7] =	sst s0;
	s0 =	simm.s32 @!p2 $0x0  }
0x16: {  	s3 =	sld [smem:$0x3FDB];
	s0 =	simm.s32 @p2 $0x1  }
0x17: {  	s4 =	simm.s32 $0x1BF5;
	[smem:$0x3FA9] =	sst s0  }
0x18: {  	s0 =	sld [smem:$0x3F8C];
	_ =	swait.ge [sflag:s4], $0x0  }
0x19: {  	s7 =	sld [smem:$0x3F8D]  }
0x1a: {  	s8 =	sadd.s32 $0xFFFFE003, lr  }
0x1b: {  	s9 =	sadd.s32 $0xFFFFFEF7, lr;
	s5 =	simm.s32 $0xFFFFFFFF;
	p2 =	slt.u32 s8, $0xFFFFF086  }
0x1c: {  	p1 =	slt.u32 s9, $0xF7A;
	s5 =	simm.s32 @!p2 $0x0  }
0x1d: {  	s5 =	simm.s32 @p1 $0x1;
	p0 =	seq.s32 s7, s2  }
0x1e: {  	s7 =	smul.u32 @!p0 $0xF7A, s2;
	p2 =	seq.s32 @!p0 s5, $0x0  }
0x1f: {  	s9 =	smul.u32 $0xF7A, s1;
	s8 =	simm.s32 @!p0 $0x1BF5;
	p2 =	por !p2, p0  }
0x20: {  	[sflag:s8] =	ssyncset.s32 @!p0 $0xFFFFF086;
	s6 =	sadd.s32 @!p0 s3, s7;
	s7 =	simm.s32 @!p0 $0x108  }
0x21: {  	s3 =	sadd.s32 s3, s9;
	s6 =	sadd.s32 @!p0 $0x88, s6;
	s7 =	simm.s32 @p2 $0x1082  }
0x22: {  	[simem:s7], [sflag:s8] =	dma.local @!p0 [hbm:s6], $0xF7A  }
0x23: {  	s9 =	sor.u32 $0xD0000000, s2;
	s6 =	simm.s32 $0x108;
	_ =	swait.ge @!p0 [sflag:s8], $0x0  }
0x24: {  	s3 =	sadd.s32 $0x88, s3;
	s6 =	simm.s32 @!p1 $0x1082;
	[sflag:s4] =	ssyncset.s32 $0xFFFFF086  }
0x25: {  	[simem:s6], [sflag:s4] =	dma.local [hbm:s3], $0xF7A  }
0x26: {  	[smem:$0x3F8D] =	sst s1;
	(tag) =	ssettag s2;
	_ =	strace s9  }
0x27: {  	s1 =	sld [smem:$0x3F9D]  }
0x28: {  	s2 =	sld [smem:$0x3F9E]  }
0x29: {  	s4 =	sld [smem:$0x3FA0]  }
0x2a: {  	p0 =	seq.s32 s5, $0x0;
	s5 =	sld [smem:$0x3FA1]  }
0x2b: {  	s6 =	sld [smem:$0x3FA2]  }
0x2c: {  	s7 =	sld [smem:$0x3FA3]  }
0x2d: {  	s3 =	simm.s32 $0x108;
	s8 =	sld [smem:$0x3FA4]  }
0x2e: {  	s3 =	simm.s32 @!p0 $0x1082;
	s9 =	sld [smem:$0x3FA5]  }
0x2f: {  	lr =	sadd.s32 s0, s3;
	s0 =	sld [smem:$0x3F9C]  }
0x30: {  	s3 =	sld [smem:$0x3F9F]  }
0x31: {  	[smem:$0x3FA8] =	sst s10  }
0x32: {  	s10 =	sld [smem:$0x3FA6];
	_ =	sdelay $0x3  }
0x33: {  	p0 =	seq.s32 s10, $0x1;
	s10 =	sld [smem:$0x3FA8];
	_ =	sdelay $0x3  }
0x34: {  	[smem:$0x3FA8] =	sst s10  }
0x35: {  	s10 =	sld [smem:$0x3FA7];
	_ =	sdelay $0x3  }
0x36: {  	p1 =	seq.s32 s10, $0x1;
	s10 =	sld [smem:$0x3FA8];
	_ =	sdelay $0x3  }
0x37: {  	[smem:$0x3FA8] =	sst s10  }
0x38: {  	s10 =	sld [smem:$0x3FA9]  }
0x39: {  	_ = 	snop;
	(pc) =	sbr.ind lr, $3  }
0x3a: {  	_ = 	snop  }
0x3b: {  	_ = 	snop  }
0x3c: {  	p2 =	seq.s32 s10, $0x1;
	s10 =	sld [smem:$0x3FA8]  }
0x3d: {  	_ =	shalt  }
0x3e: {  	_ =	shalt  }
0x3f: {  	_ =	shalt  }
0x40: {  	_ =	shalt  }
0x41: {  	_ =	shalt  }
0x42: {  	_ =	shalt  }
0x43: {  	_ =	shalt  }
0x44: {  	_ =	shalt  }
0x45: {  	_ =	shalt  }
0x46: {  	_ =	shalt  }
0x47: {  	_ =	shalt  }
0x48: {  	_ =	shalt  }
0x49: {  	_ =	shalt  }
0x4a: {  	_ =	shalt  }
0x4b: {  	_ =	shalt  }
0x4c: {  	_ =	shalt  }
0x4d: {  	_ =	shalt  }
0x4e: {  	_ =	shalt  }
0x4f: {  	_ =	shalt  }
0x50: {  	_ =	shalt  }
0x51: {  	_ =	shalt  }
0x52: {  	_ =	shalt  }
0x53: {  	_ =	shalt  }
0x54: {  	_ =	shalt  }
0x55: {  	_ =	shalt  }
0x56: {  	_ =	shalt  }
0x57: {  	_ =	shalt  }
0x58: {  	_ =	shalt  }
0x59: {  	_ =	shalt  }
0x5a: {  	_ =	shalt  }
0x5b: {  	_ =	shalt  }
0x5c: {  	_ =	shalt  }
0x5d: {  	_ =	shalt  }
0x5e: {  	_ =	shalt  }
0x5f: {  	_ =	shalt  }
0x60: {  	_ =	shalt  }
0x61: {  	_ =	shalt  }
0x62: {  	_ =	shalt  }
0x63: {  	_ =	shalt  }
0x64: {  	_ =	shalt  }
0x65: {  	_ =	shalt  }
0x66: {  	_ =	shalt  }
0x67: {  	_ =	shalt  }
0x68: {  	_ =	shalt  }
0x69: {  	_ =	shalt  }
0x6a: {  	_ =	shalt  }
0x6b: {  	_ =	shalt  }
0x6c: {  	_ =	shalt  }
0x6d: {  	_ =	shalt  }
0x6e: {  	_ =	shalt  }
0x6f: {  	_ =	shalt  }
0x70: {  	_ =	shalt  }
0x71: {  	_ =	shalt  }
0x72: {  	_ =	shalt  }
0x73: {  	_ =	shalt  }
0x74: {  	_ =	shalt  }
0x75: {  	_ =	shalt  }
0x76: {  	_ =	shalt  }
0x77: {  	_ =	shalt  }
0x78: {  	_ =	shalt  }
0x79: {  	_ =	shalt  }
0x7a: {  	_ =	shalt  }
0x7b: {  	_ =	shalt  }
0x7c: {  	_ =	shalt  }
0x7d: {  	_ =	shalt  }
0x7e: {  	_ =	shalt  }
0x7f: {  	_ =	shalt  }
0x80: {  	_ =	shalt  }
0x81: {  	_ =	shalt  }
0x82: {  	_ =	shalt  }
0x83: {  	_ =	shalt  }
0x84: {  	_ =	shalt  }
0x85: {  	_ =	shalt  }
0x86: {  	_ =	shalt  }
0x87: {  	_ =	shalt  }
.Lfunc_end0:
.L_simem_size_0:
called_computation_lowered:
.L_overlay_start_0:
0x88: {  	s2 =	sld [smem:$0x3FD9]  }
0x89: {  	s3 =	sld [smem:$0x3FFE];
	_ =	sdelay $0x1  }
0x8a: {  	s1 =	srdreg.scid  }
0x8b: {  	s0 =	sand.u32 $0x1, s1  }
0x8c: {  	s16 =	sshll.u32 s0, $0xA;
	s2 =	sadd.s32 s3, s2  }
0x8d: {  	s2 =	sadd.s32 s2, s16  }
0x8e: {  	[smem:$0x3FB4] =	sst s2  }
0x8f: {  	_ = 	snop  }
0x90: {  	(tm) =	ssettm $0x1  }
0x91: {  	s17 =	sld [smem:$0x3FFB];
	_ =	sdelay $0x3  }
0x92: {  	_ =	strace s17  }
0x93: {  	s2 =	sld [smem:$0x3FFC];
	_ =	sdelay $0x3  }
0x94: {  	_ =	strace s2  }
0x95: {  	s2 =	sld [smem:$0x3FFD];
	_ =	sdelay $0x3  }
0x96: {  	_ =	strace s2  }
0x97: {  	_ =	strace $0x8FFFFFFF  }
0x98: {  	s18 =	sld [smem:$0x3FDB];
	_ =	sdelay $0x1  }
0x99: {  	s19 =	simm.s32 $_scs_section_size  }
0x9a: {  	s4 =	simm.s32 $_size__tile_overlayer_lowered;
	s5 =	simm.s32 $_tile_overlayer_lowered  }
0x9b: {  	s22 =	simm.s32 $0x1BFF;
	s21 =	sshll.u32 s5, $0x1;
	s2 =	sadd.s32 s19, s18  }
0x9c: {  	s6 =	simm.s32 $0x0;
	s20 =	sshll.u32 s4, $0x1;
	s4 =	sadd.s32 s21, s2  }
0x9d: {  	[timem:s6], [sflag:s22] =	dma.local [hbm:s4], s20  }
0x9e: {  	_ =	swait.ge [sflag:s22], s20  }
0x9f: {  	s3 =	ssub.s32 $0x0, s20;
	[sflag:s22] =	ssyncset.done $0x0  }
0xa0: {  	[sflag:s22] =	ssyncadd.s32 s3;
	_ =	sdelay $0x1  }
0xa1: {  	s23 =	simm.s32 $0x1B8B  }
0xa2: {  	_ =	swait.ge [sflag:s23], $0x1  }
0xa3: {  	[sflag:s23] =	ssyncset.done $0x0  }
0xa4: {  	s25 =	simm.s32 $0x1B8E;
	s24 =	sld [smem:$0x3FFE];
	[sflag:s23] =	ssyncadd.s32 $0xFFFFFFFF  }
0xa5: {  	s26 =	simm.s32 $execute0_lowered;
	[smem:$0x3FD2] =	sst s25  }
0xa6: {  	s4 =	sshll.u32 s26, $0x1;
	_ =	strace $0x80000046;
	[dreg:$0x1] =	wrdreg $0xFFFFFFFF  }
0xa7: {  	s28 =	simm.s32 $_size_execute0_lowered;
	s2 =	sadd.s32 s2, s4;
	[dreg:$0x0] =	wrdreg $0x0  }
0xa8: {  	s4 =	sshll.u32 s28, $0x1;
	[dreg:$0x2] =	wrdreg s2  }
0xa9: {  	[dreg:$0x3] =	wrdreg s4  }
0xaa: {  	[dreg:$0x4] =	wrdreg $0xC0  }
0xab: {  	_ =	task [dreg:s6], $0x5FFFF  }
0xac: {  	[dreg:$0x1] =	wrdreg $0xFFFFFFFF  }
0xad: {  	[dreg:$0x0] =	wrdreg $0x60  }
0xae: {  	[dreg:$0x2] =	wrdreg s24  }
0xaf: {  	[dreg:$0x3] =	wrdreg $0x70000  }
0xb0: {  	[dreg:$0x4] =	wrdreg $0x9  }
0xb1: {  	_ =	task.clear_ibuf [dreg:s6], $0x5FFFF;
	_ =	strace $0x90000046  }
0xb2: {  	s29 =	simm.s32 $0x9;
	_ =	strace $0x80000048  }
0xb3: {  	_ =	swait.ge [sflag:s29], $0x1  }
0xb4: {  	[sflag:s29] =	ssyncadd.s32 $0xFFFFFFFF  }
0xb5: {  	_ =	strace $0x90000048  }
0xb6: {  	_ =	sfence  }
0xb7: {  	s30 =	sld [smem:$0x0];
	_ =	sdelay $0x2  }
0xb8: {  	s31 =	sshll.u32 s1, $0xD;
	s1 =	sshrl.u32 s1, $0x2  }
0xb9: {  	s3 =	sand.u32 $0x4000, s31;
	s1 =	sadd.s32 s1, s30  }
0xba: {  	s0 =	sor.u32 s3, s0;
	s1 =	sshll.u32 s1, $0x11  }
0xbb: {  	s0 =	sor.u32 s1, s0  }
0xbc: {  	s0 =	sadd.s32 $0x8F2B, s0  }
0xbd: {  	[sflag:s0] =	ssyncadd.remote.s32 $0x1  }
0xbe: {  	_ =	sfence.sel $0xFFFF  }
0xbf: {  	[dreg:$0x0] =	wrdreg $0xFFFFFFFF;
	(pc) =	sbr.abs _section_cstart, $3  }
0xc0: {  	[dreg:$0x1] =	wrdreg $0xFFFFFFFF  }
0xc1: {  	_ =	task.clear_ibuf [dreg:s6], $0x2FFFF;
	_ =	strace $0x9FFFFFFF  }
0xc2: {  	(tm) =	ssettm $0x7FFFFFFF  }
0xc3: {  	_ =	shalt  }
tec
execute0_lowered:
.L_overlay_start_1:
0x0: {  	(tag) =	ssettag $0x1  }
0x1: {  	s0 =	srdreg.scid  }
0x2: {  	s16 =	stileid.u32;
	s4 =	rddreg [dreg:$0x0]  }
0x3: {  	s1 =	rddreg [dreg:$0x1];
	s5 =	smul.u32 $0x5000, s16  }
0x4: {  	s2 =	simm.s32 $0x0;
	s0 =	sand.u32 $0x1, s0;
	s7 =	smul.u32 $0x14000, s16  }
0x5: {  	[smem:$0x7FF] =	sst s2;
	s3 =	smul.u32 $0x50000, s0  }
0x6: {  	s8 =	sadd.s32 $0x55000, s4;
	s6 =	smul.u32 $0x140000, s0;
	s0 =	ssub.s32 $0x2, s0  }
0x7: {  	s26 =	smul.u32 $0x50000, s16;
	s16 =	sadd.s32 $0x5E00, s4;
	s9 =	sshrl.u32 s0, $0x1  }
0x8: {  	s10 =	sadd.s32 $0x4000, s7;
	s12 =	sadd.s32 $0x6000, s7;
	s13 =	sadd.s32 $0xA000, s7  }
0x9: {  	s0 =	ssub.s32 s0, s9;
	s3 =	sadd.s32 s5, s3;
	s15 =	sadd.s32 s6, s7  }
0xa: {  	s9 =	sor.u32 $0x2000, s7;
	s11 =	sadd.s32 s6, s10;
	s19 =	sadd.s32 s6, s12  }
0xb: {  	s14 =	sadd.s32 s6, s13;
	s5 =	sshrl.u32 s15, $0x3;
	s17 =	sadd.s32 s6, s9  }
0xc: {  	s11 =	sshrl.u32 s11, $0x3;
	s14 =	sshrl.u32 s14, $0x3;
	s0 =	smax.u32 s0, $0x1  }
0xd: {  	s9 =	sadd.s32 s9, s1;
	s5 =	sadd.s32 s8, s5;
	s18 =	sadd.s32 s8, s11  }
0xe: {  	s11 =	sadd.s32 $0x8000, s7;
	[dreg:$0x3] =	wrdreg s5;
	s5 =	sshrl.u32 s17, $0x3  }
0xf: {  	s21 =	sadd.s32 s8, s14;
	[dreg:$0x5] =	wrdreg s18;
	s5 =	sadd.s32 s8, s5  }
0x10: {  	s14 =	sadd.s32 $0xE000, s7;
	[dreg:$0x4] =	wrdreg s5;
	s5 =	sshrl.u32 s19, $0x3  }
0x11: {  	s20 =	sadd.s32 s6, s11;
	[dreg:$0x8] =	wrdreg s21;
	s5 =	sadd.s32 s8, s5  }
0x12: {  	s19 =	sadd.s32 $0xC000, s7;
	[dreg:$0x6] =	wrdreg s5;
	s5 =	sshrl.u32 s20, $0x3  }
0x13: {  	s23 =	sadd.s32 s6, s14;
	s22 =	sadd.s32 s6, s19;
	s5 =	sadd.s32 s8, s5  }
0x14: {  	s17 =	sadd.s32 $0x19E00, s4;
	[dreg:$0x7] =	wrdreg s5;
	s5 =	sshrl.u32 s22, $0x3  }
0x15: {  	s20 =	sadd.s32 $0x10000, s7;
	s7 =	sadd.s32 $0x12000, s7;
	s5 =	sadd.s32 s8, s5  }
0x16: {  	s15 =	sadd.s32 s6, s20;
	[dreg:$0x9] =	wrdreg s5;
	s5 =	sshrl.u32 s23, $0x3  }
0x17: {  	s25 =	sadd.s32 s6, s7;
	s15 =	sshrl.u32 s15, $0x3;
	s5 =	sadd.s32 s8, s5  }
0x18: {  	s24 =	sadd.s32 s8, s15;
	[dreg:$0xa] =	wrdreg s5;
	s5 =	sshrl.u32 s25, $0x3  }
0x19: {  	s21 =	sadd.s32 s10, s1;
	[dreg:$0xb] =	wrdreg s24;
	s5 =	sadd.s32 s8, s5  }
0x1a: {  	s10 =	simm.s32 $0x2;
	s28 =	sadd.s32 s20, s1;
	[dreg:$0xc] =	wrdreg s5  }
0x1b: {  	s29 =	sadd.s32 s7, s1;
	_ =	strace $0x80000047;
	[dreg:$0xd] =	wrdreg s0  }
0x1c: {  	s20 =	simm.s32 $0x0;
	s22 =	sadd.s32 s12, s1;
	[dreg:$0xe] =	wrdreg s9  }
0x1d: {  	s12 =	simm.s32 $0x800;
	s15 =	sadd.s32 $0x2DE00, s4;
	[dreg:$0xf] =	wrdreg s21  }
0x1e: {  	s23 =	sadd.s32 s11, s1;
	s24 =	sadd.s32 s13, s1;
	[dreg:$0x10] =	wrdreg s22  }
0x1f: {  	s13 =	simm.s32 $0x80;
	s25 =	sadd.s32 s19, s1;
	[dreg:$0x11] =	wrdreg s23  }
0x20: {  	s19 =	simm.s32 $0x1;
	s8 =	sshrl.u32 s26, $0x2;
	[dreg:$0x12] =	wrdreg s24  }
0x21: {  	s26 =	sadd.s32 s14, s1;
	s18 =	sadd.s32 s8, s1;
	[dreg:$0x13] =	wrdreg s25  }
0x22: {  	s14 =	simm.s32 $0x1000;
	[dreg:$0x14] =	wrdreg s26;
	s30 =	sadd.s32 $0x2000, s18  }
0x23: {  	s31 =	sadd.s32 $0x4000, s18;
	s11 =	sadd.s32 $0x6000, s18;
	s0 =	sadd.s32 $0x8000, s18  }
0x24: {  	s4 =	sadd.s32 $0xA000, s18;
	s5 =	sadd.s32 $0xC000, s18;
	s6 =	sadd.s32 $0xE000, s18  }
0x25: {  	v0 =	vimm.f32 $0.0e+00;
	s7 =	sadd.s32 $0x10000, s18;
	s8 =	sadd.s32 $0x12000, s18;
	s9 =	simm.s32 $0x5000  }
.LBB2_1:
0x26: {  	s21 =	simm.s32 $0x0;
	s22 =	simm.s32 $0x200  }
.LBB2_2:
0x27: {  	p0 =	sne.s32 s22, $0x7E00;
	[tilespmem:s21+$0x5070] =	vst v0  }
0x28: {  	[tilespmem:s21+$0x5000] =	vst v0  }
0x29: {  	[tilespmem:s21+$0x5010] =	vst v0  }
.Ltmp0:
0x2a: {  	[tilespmem:s21+$0x5020] =	vst v0;
	(pc) =	sbr.rel @p0 .LBB2_2-.Ltmp0, $4  }
0x2b: {  	[tilespmem:s21+$0x5030] =	vst v0  }
0x2c: {  	[tilespmem:s21+$0x5040] =	vst v0  }
0x2d: {  	[tilespmem:s21+$0x5050] =	vst v0  }
0x2e: {  	[tilespmem:s21+$0x5060] =	vst v0;
	s21 =	sshra.s32 s22, $0x2;
	s22 =	sadd.s32 $0x200, s22  }
0x2f: {  	[tilespmem:s21+$0x5070] =	vst v0  }
0x30: {  	[tilespmem:s21+$0x5000] =	vst v0  }
0x31: {  	[tilespmem:s21+$0x5010] =	vst v0  }
0x32: {  	[tilespmem:s21+$0x5020] =	vst v0  }
0x33: {  	[tilespmem:s21+$0x5030] =	vst v0  }
0x34: {  	[tilespmem:s21+$0x5040] =	vst v0  }
0x35: {  	[tilespmem:s21+$0x5050] =	vst v0  }
0x36: {  	[tilespmem:s21+$0x5060] =	vst v0  }
0x37: {  	[spmem:s18] =	stream.linear.scatter [tilespmem:s9], [sflag:$0x2], $0x2000, $0x38;
	[tilespmem:$0x1B000] =	vst v63  }
0x38: {  	_ =	swait.ge [sflag:s10], $0x2000  }
0x39: {  	[sflag:s10] =	ssyncset.done $0x0  }
0x3a: {  	[sflag:s10] =	ssyncadd.s32 $0xFFFFE000  }
0x3b: {  	[spmem:s30] =	stream.linear.scatter [tilespmem:s9], [sflag:$0x2], $0x2000, $0x38;
	[tilespmem:$0x1B000] =	vst v63  }
0x3c: {  	_ =	swait.ge [sflag:s10], $0x2000  }
0x3d: {  	[sflag:s10] =	ssyncset.done $0x0  }
0x3e: {  	[sflag:s10] =	ssyncadd.s32 $0xFFFFE000  }
0x3f: {  	[spmem:s31] =	stream.linear.scatter [tilespmem:s9], [sflag:$0x2], $0x2000, $0x38;
	[tilespmem:$0x1B000] =	vst v63  }
0x40: {  	_ =	swait.ge [sflag:s10], $0x2000  }
0x41: {  	[sflag:s10] =	ssyncset.done $0x0  }
0x42: {  	[sflag:s10] =	ssyncadd.s32 $0xFFFFE000  }
0x43: {  	[spmem:s11] =	stream.linear.scatter [tilespmem:s9], [sflag:$0x2], $0x2000, $0x38;
	[tilespmem:$0x1B000] =	vst v63  }
0x44: {  	_ =	swait.ge [sflag:s10], $0x2000  }
0x45: {  	[sflag:s10] =	ssyncset.done $0x0  }
0x46: {  	[sflag:s10] =	ssyncadd.s32 $0xFFFFE000  }
0x47: {  	[spmem:s0] =	stream.linear.scatter [tilespmem:s9], [sflag:$0x2], $0x2000, $0x38;
	[tilespmem:$0x1B000] =	vst v63  }
0x48: {  	_ =	swait.ge [sflag:s10], $0x2000  }
0x49: {  	[sflag:s10] =	ssyncset.done $0x0  }
0x4a: {  	[sflag:s10] =	ssyncadd.s32 $0xFFFFE000  }
0x4b: {  	[spmem:s4] =	stream.linear.scatter [tilespmem:s9], [sflag:$0x2], $0x2000, $0x38;
	[tilespmem:$0x1B000] =	vst v63  }
0x4c: {  	_ =	swait.ge [sflag:s10], $0x2000  }
0x4d: {  	[sflag:s10] =	ssyncset.done $0x0  }
0x4e: {  	[sflag:s10] =	ssyncadd.s32 $0xFFFFE000  }
0x4f: {  	[spmem:s5] =	stream.linear.scatter [tilespmem:s9], [sflag:$0x2], $0x2000, $0x38;
	[tilespmem:$0x1B000] =	vst v63  }
0x50: {  	_ =	swait.ge [sflag:s10], $0x2000  }
0x51: {  	[sflag:s10] =	ssyncset.done $0x0  }
0x52: {  	[sflag:s10] =	ssyncadd.s32 $0xFFFFE000  }
0x53: {  	[spmem:s6] =	stream.linear.scatter [tilespmem:s9], [sflag:$0x2], $0x2000, $0x38;
	[tilespmem:$0x1B000] =	vst v63  }
0x54: {  	_ =	swait.ge [sflag:s10], $0x2000  }
0x55: {  	[sflag:s10] =	ssyncset.done $0x0  }
0x56: {  	[sflag:s10] =	ssyncadd.s32 $0xFFFFE000  }
0x57: {  	[spmem:s7] =	stream.linear.scatter [tilespmem:s9], [sflag:$0x2], $0x2000, $0x38;
	[tilespmem:$0x1B000] =	vst v63  }
0x58: {  	_ =	swait.ge [sflag:s10], $0x2000  }
0x59: {  	[sflag:s10] =	ssyncset.done $0x0  }
0x5a: {  	[sflag:s10] =	ssyncadd.s32 $0xFFFFE000  }
0x5b: {  	[spmem:s8] =	stream.linear.scatter [tilespmem:s9], [sflag:$0x2], $0x2000, $0x38;
	[tilespmem:$0x1B000] =	vst v63  }
0x5c: {  	_ =	swait.ge [sflag:s10], $0x2000  }
0x5d: {  	[sflag:s10] =	ssyncset.done $0x0  }
0x5e: {  	[sflag:s10] =	ssyncadd.s32 $0xFFFFE000  }
0x5f: {  	s21 =	simm.s32 $0x0;
	s22 =	simm.s32 $0x0;
	[bflag:$0x0] =	sbarrier.arrive $0xFFFF  }
.LBB2_4:
0x60: {  	s23 =	sshll.u32 s22, $0xB  }
0x61: {  	s23 =	sadd.s32 s23, s3  }
0x62: {  	s23 =	sshrl.u32 s23, $0x3  }
0x63: {  	s24 =	sadd.s32 s16, s23  }
0x64: {  	[tilespmem:s21], [sflag:$0x2] =	stream.linear.gather [hbm4b:s24+s21], $0x800, $0x38;
	[tilespmem:$0x1B000] =	vst v63  }
0x65: {  	_ =	swait.ge [sflag:s10], $0x800  }
0x66: {  	[sflag:s10] =	ssyncset.done $0x0  }
0x67: {  	s23 =	sadd.s32 s17, s23;
	[sflag:s10] =	ssyncadd.s32 $0xFFFFF800  }
0x68: {  	[tilespmem:s12], [sflag:$0x2] =	stream.linear.gather [hbm4b:s23+s21], $0x800, $0x38;
	[tilespmem:$0x1B000] =	vst v63  }
0x69: {  	_ =	swait.ge [sflag:s10], $0x800  }
0x6a: {  	[sflag:s10] =	ssyncset.done $0x0  }
0x6b: {  	s25 =	simm.s32 $0x0;
	[sflag:s10] =	ssyncadd.s32 $0xFFFFF800  }
0x6c: {  	[tilespmem:s14], [sflag:$0x1] =	stream.indirect.gather [hbm4b:s15+s13], $0x80, s25, s13, $0xb8;
	[tilespmem:$0x1B000] =	vst v63  }
0x6d: {  	_ =	swait.ge [sflag:s19], $0x4000  }
0x6e: {  	[sflag:s19] =	ssyncset.done $0x0  }
0x6f: {  	s26 =	simm.s32 $0x800;
	[sflag:s19] =	ssyncadd.s32 $0xFFFFC000  }
0x70: {  	[spmem:s1] =	stream.indirect.scatter.add.f32 [tilespmem:s14], [sflag:$0x2], $0x80, s26, s13, $0xb8;
	[tilespmem:$0x1B000] =	vst v63  }
0x71: {  	_ =	swait.ge [sflag:s10], $0x4000  }
0x72: {  	s24 =	simm.s32 $0x400;
	s23 =	simm.s32 $0x200;
	[sflag:s10] =	ssyncset.done $0x0  }
.LBB2_5:
0x73: {  	s25 =	sshra.s32 s23, $0x2  }
0x74: {  	[sflag:s10] =	ssyncadd.s32 $0xFFFFC000;
	s23 =	smov.u32 s24;
	s26 =	sadd.s32 $0x200, s24  }
0x75: {  	[tilespmem:s14], [sflag:$0x1] =	stream.indirect.gather [hbm4b:s15+s13], $0x80, s25, s13, $0xb8;
	[tilespmem:$0x1B000] =	vst v63  }
0x76: {  	p0 =	sne.s32 s24, $0x1E00;
	_ =	swait.ge [sflag:s19], $0x4000  }
.Ltmp1:
0x77: {  	[sflag:s19] =	ssyncset.done $0x0;
	(pc) =	sbr.rel @p0 .LBB2_5-.Ltmp1, $4  }
0x78: {  	s24 =	sadd.s32 $0x800, s25;
	[sflag:s19] =	ssyncadd.s32 $0xFFFFC000  }
0x79: {  	[spmem:s1] =	stream.indirect.scatter.add.f32 [tilespmem:s14], [sflag:$0x2], $0x80, s24, s13, $0xb8;
	[tilespmem:$0x1B000] =	vst v63  }
0x7a: {  	_ =	swait.ge [sflag:s10], $0x4000  }
0x7b: {  	s24 =	smov.u32 s26;
	[sflag:s10] =	ssyncset.done $0x0  }
0x7c: {  	s23 =	sshra.s32 s23, $0x2;
	[sflag:s10] =	ssyncadd.s32 $0xFFFFC000  }
0x7d: {  	[tilespmem:s14], [sflag:$0x1] =	stream.indirect.gather [hbm4b:s15+s13], $0x80, s23, s13, $0xb8;
	[tilespmem:$0x1B000] =	vst v63  }
0x7e: {  	s22 =	sadd.s32 $0x1, s22;
	_ =	swait.ge [sflag:s19], $0x4000  }
0x7f: {  	p0 =	sne.s32 s22, $0xA;
	[sflag:s19] =	ssyncset.done $0x0  }
.Ltmp2:
0x80: {  	s23 =	sadd.s32 $0x800, s23;
	[sflag:s19] =	ssyncadd.s32 $0xFFFFC000;
	(pc) =	sbr.rel @p0 .LBB2_4-.Ltmp2, $4  }
0x81: {  	[spmem:s1] =	stream.indirect.scatter.add.f32 [tilespmem:s14], [sflag:$0x2], $0x80, s23, s13, $0xb8;
	[tilespmem:$0x1B000] =	vst v63  }
0x82: {  	_ =	swait.ge [sflag:s10], $0x4000  }
0x83: {  	[sflag:s10] =	ssyncset.done $0x0  }
0x84: {  	[sflag:s10] =	ssyncadd.s32 $0xFFFFC000  }
0x85: {  	[bflag:$0x0] =	sbarrier.arrive $0xFFFF  }
0x86: {  	[tilespmem:s9], [sflag:$0x2] =	stream.linear.gather [spmem:s18], $0x2000, $0x38;
	[tilespmem:$0x1B000] =	vst v63  }
0x87: {  	_ =	swait.ge [sflag:s10], $0x2000  }
0x88: {  	[sflag:s10] =	ssyncset.done $0x0  }
0x89: {  	s21 =	rddreg [dreg:$0x3];
	[sflag:s10] =	ssyncadd.s32 $0xFFFFE000  }
0x8a: {  	[hbm4b:s21+s2] =	stream.linear.scatter [tilespmem:s9], [sflag:$0x2], $0x2000, $0x38;
	[tilespmem:$0x1B000] =	vst v63  }
0x8b: {  	_ =	swait.ge [sflag:s10], $0x2000  }
0x8c: {  	[sflag:s10] =	ssyncset.done $0x0  }
0x8d: {  	s25 =	rddreg [dreg:$0xe];
	[sflag:s10] =	ssyncadd.s32 $0xFFFFE000  }
0x8e: {  	[tilespmem:s9], [sflag:$0x2] =	stream.linear.gather [spmem:s25], $0x2000, $0x38;
	[tilespmem:$0x1B000] =	vst v63  }
0x8f: {  	_ =	swait.ge [sflag:s10], $0x2000  }
0x90: {  	[sflag:s10] =	ssyncset.done $0x0  }
0x91: {  	s26 =	rddreg [dreg:$0x4];
	[sflag:s10] =	ssyncadd.s32 $0xFFFFE000  }
0x92: {  	[hbm4b:s26+s2] =	stream.linear.scatter [tilespmem:s9], [sflag:$0x2], $0x2000, $0x38;
	[tilespmem:$0x1B000] =	vst v63  }
0x93: {  	_ =	swait.ge [sflag:s10], $0x2000  }
0x94: {  	[sflag:s10] =	ssyncset.done $0x0  }
0x95: {  	s22 =	rddreg [dreg:$0xf];
	[sflag:s10] =	ssyncadd.s32 $0xFFFFE000  }
0x96: {  	[tilespmem:s9], [sflag:$0x2] =	stream.linear.gather [spmem:s22], $0x2000, $0x38;
	[tilespmem:$0x1B000] =	vst v63  }
0x97: {  	_ =	swait.ge [sflag:s10], $0x2000  }
0x98: {  	[sflag:s10] =	ssyncset.done $0x0  }
0x99: {  	s23 =	rddreg [dreg:$0x5];
	[sflag:s10] =	ssyncadd.s32 $0xFFFFE000  }
0x9a: {  	[hbm4b:s23+s2] =	stream.linear.scatter [tilespmem:s9], [sflag:$0x2], $0x2000, $0x38;
	[tilespmem:$0x1B000] =	vst v63  }
0x9b: {  	_ =	swait.ge [sflag:s10], $0x2000  }
0x9c: {  	[sflag:s10] =	ssyncset.done $0x0  }
0x9d: {  	s24 =	rddreg [dreg:$0x10];
	[sflag:s10] =	ssyncadd.s32 $0xFFFFE000  }
0x9e: {  	[tilespmem:s9], [sflag:$0x2] =	stream.linear.gather [spmem:s24], $0x2000, $0x38;
	[tilespmem:$0x1B000] =	vst v63  }
0x9f: {  	_ =	swait.ge [sflag:s10], $0x2000  }
0xa0: {  	[sflag:s10] =	ssyncset.done $0x0  }
0xa1: {  	s25 =	rddreg [dreg:$0x6];
	[sflag:s10] =	ssyncadd.s32 $0xFFFFE000  }
0xa2: {  	[hbm4b:s25+s2] =	stream.linear.scatter [tilespmem:s9], [sflag:$0x2], $0x2000, $0x38;
	[tilespmem:$0x1B000] =	vst v63  }
0xa3: {  	_ =	swait.ge [sflag:s10], $0x2000  }
0xa4: {  	[sflag:s10] =	ssyncset.done $0x0  }
0xa5: {  	s26 =	rddreg [dreg:$0x11];
	[sflag:s10] =	ssyncadd.s32 $0xFFFFE000  }
0xa6: {  	[tilespmem:s9], [sflag:$0x2] =	stream.linear.gather [spmem:s26], $0x2000, $0x38;
	[tilespmem:$0x1B000] =	vst v63  }
0xa7: {  	_ =	swait.ge [sflag:s10], $0x2000  }
0xa8: {  	[sflag:s10] =	ssyncset.done $0x0  }
0xa9: {  	s22 =	rddreg [dreg:$0x7];
	[sflag:s10] =	ssyncadd.s32 $0xFFFFE000  }
0xaa: {  	[hbm4b:s22+s2] =	stream.linear.scatter [tilespmem:s9], [sflag:$0x2], $0x2000, $0x38;
	[tilespmem:$0x1B000] =	vst v63  }
0xab: {  	_ =	swait.ge [sflag:s10], $0x2000  }
0xac: {  	[sflag:s10] =	ssyncset.done $0x0  }
0xad: {  	s23 =	rddreg [dreg:$0x12];
	[sflag:s10] =	ssyncadd.s32 $0xFFFFE000  }
0xae: {  	[tilespmem:s9], [sflag:$0x2] =	stream.linear.gather [spmem:s23], $0x2000, $0x38;
	[tilespmem:$0x1B000] =	vst v63  }
0xaf: {  	_ =	swait.ge [sflag:s10], $0x2000  }
0xb0: {  	[sflag:s10] =	ssyncset.done $0x0  }
0xb1: {  	s24 =	rddreg [dreg:$0x8];
	[sflag:s10] =	ssyncadd.s32 $0xFFFFE000  }
0xb2: {  	[hbm4b:s24+s2] =	stream.linear.scatter [tilespmem:s9], [sflag:$0x2], $0x2000, $0x38;
	[tilespmem:$0x1B000] =	vst v63  }
0xb3: {  	_ =	swait.ge [sflag:s10], $0x2000  }
0xb4: {  	[sflag:s10] =	ssyncset.done $0x0  }
0xb5: {  	s25 =	rddreg [dreg:$0x13];
	[sflag:s10] =	ssyncadd.s32 $0xFFFFE000  }
0xb6: {  	[tilespmem:s9], [sflag:$0x2] =	stream.linear.gather [spmem:s25], $0x2000, $0x38;
	[tilespmem:$0x1B000] =	vst v63  }
0xb7: {  	_ =	swait.ge [sflag:s10], $0x2000  }
0xb8: {  	[sflag:s10] =	ssyncset.done $0x0  }
0xb9: {  	s26 =	rddreg [dreg:$0x9];
	[sflag:s10] =	ssyncadd.s32 $0xFFFFE000  }
0xba: {  	[hbm4b:s26+s2] =	stream.linear.scatter [tilespmem:s9], [sflag:$0x2], $0x2000, $0x38;
	[tilespmem:$0x1B000] =	vst v63  }
0xbb: {  	_ =	swait.ge [sflag:s10], $0x2000  }
0xbc: {  	[sflag:s10] =	ssyncset.done $0x0  }
0xbd: {  	s22 =	rddreg [dreg:$0x14];
	[sflag:s10] =	ssyncadd.s32 $0xFFFFE000  }
0xbe: {  	[tilespmem:s9], [sflag:$0x2] =	stream.linear.gather [spmem:s22], $0x2000, $0x38;
	[tilespmem:$0x1B000] =	vst v63  }
0xbf: {  	_ =	swait.ge [sflag:s10], $0x2000  }
0xc0: {  	[sflag:s10] =	ssyncset.done $0x0  }
0xc1: {  	s23 =	rddreg [dreg:$0xa];
	[sflag:s10] =	ssyncadd.s32 $0xFFFFE000  }
0xc2: {  	[hbm4b:s23+s2] =	stream.linear.scatter [tilespmem:s9], [sflag:$0x2], $0x2000, $0x38;
	[tilespmem:$0x1B000] =	vst v63  }
0xc3: {  	_ =	swait.ge [sflag:s10], $0x2000  }
0xc4: {  	[sflag:s10] =	ssyncset.done $0x0  }
0xc5: {  	[sflag:s10] =	ssyncadd.s32 $0xFFFFE000  }
0xc6: {  	[tilespmem:s9], [sflag:$0x2] =	stream.linear.gather [spmem:s28], $0x2000, $0x38;
	[tilespmem:$0x1B000] =	vst v63  }
0xc7: {  	_ =	swait.ge [sflag:s10], $0x2000  }
0xc8: {  	[sflag:s10] =	ssyncset.done $0x0  }
0xc9: {  	s24 =	rddreg [dreg:$0xb];
	[sflag:s10] =	ssyncadd.s32 $0xFFFFE000  }
0xca: {  	[hbm4b:s24+s2] =	stream.linear.scatter [tilespmem:s9], [sflag:$0x2], $0x2000, $0x38;
	[tilespmem:$0x1B000] =	vst v63  }
0xcb: {  	_ =	swait.ge [sflag:s10], $0x2000  }
0xcc: {  	[sflag:s10] =	ssyncset.done $0x0  }
0xcd: {  	[sflag:s10] =	ssyncadd.s32 $0xFFFFE000  }
0xce: {  	[tilespmem:s9], [sflag:$0x2] =	stream.linear.gather [spmem:s29], $0x2000, $0x38;
	[tilespmem:$0x1B000] =	vst v63  }
0xcf: {  	_ =	swait.ge [sflag:s10], $0x2000  }
0xd0: {  	[sflag:s10] =	ssyncset.done $0x0  }
0xd1: {  	s25 =	rddreg [dreg:$0xc];
	[sflag:s10] =	ssyncadd.s32 $0xFFFFE000  }
0xd2: {  	[hbm4b:s25+s2] =	stream.linear.scatter [tilespmem:s9], [sflag:$0x2], $0x2000, $0x38;
	[tilespmem:$0x1B000] =	vst v63  }
0xd3: {  	_ =	swait.ge [sflag:s10], $0x2000  }
0xd4: {  	s20 =	sadd.s32 $0x1, s20;
	s26 =	rddreg [dreg:$0xd]  }
0xd5: {  	p0 =	sne.s32 s20, s26  }
.Ltmp3:
0xd6: {  	_ = 	snop;
	(pc) =	sbr.rel @p0 .LBB2_1-.Ltmp3, $3  }
0xd7: {  	_ =	sdelay $0x1  }
0xd8: {  	[sflag:s10] =	ssyncset.done $0x0  }
0xd9: {  	[sflag:s10] =	ssyncadd.s32 $0xFFFFE000  }
0xda: {  	_ =	sfence.sel $0x180000  }
0xdb: {  	[bflag:$0x0] =	sbarrier.arrive $0xFFFF  }
0xdc: {  	_ =	strace $0x90000047  }
0xdd: {  	s0 =	stileid.u32;
	[bflag:$0x2] =	sbarrier.arrive $0xFFFF  }
0xde: {  	p0 =	sne.s32 s0, $0x0;
	s0 =	rddreg [dreg:$0x2]  }
0xdf: {  	s0 =	sadd.s32 @!p0 $0x100000, s0  }
0xe0: {  	[sflag:s0] =	ssyncadd.tile.s32 @!p0 $0x1;
	_ =	shalt  }
.Lfunc_end2:
_tile_overlayer_lowered:
.L_overlay_start_2:
0xe1: {  	(tag) =	ssettag $0x2  }
0xe2: {  	s0 =	rddreg [dreg:$0x0];
	s2 =	stileid.u32  }
0xe3: {  	s1 =	rddreg [dreg:$0x1];
	p0 =	sne.s32 s2, $0x0  }
0xe4: {  	s3 =	rddreg [dreg:$0x2];
	[bflag:$0x3] =	sbarrier.arrive $0xFFFF;
	s2 =	simm.s32 @!p0 $0x1C02  }
0xe5: {  	[timem:s3], [sflag:s2] =	dma.local @!p0 [hbm:s0], s1  }
0xe6: {  	s0 =	simm.s32 @!p0 $0x2  }
0xe7: {  	_ =	swait.ge @!p0 [sflag:s0], s1  }
0xe8: {  	s1 =	ssub.s32 @!p0 $0x0, s1;
	[sflag:s0] =	ssyncset.done @!p0 $0x0  }
0xe9: {  	[sflag:s0] =	ssyncadd.s32 @!p0 s1  }
0xea: {  	[bflag:$0x3] =	sbarrier.arrive $0xFFFF  }
0xeb: {  	_ =	shalt  }

</sc_bundles>
